<compile_context>
chip_gen: v7x
topology: tpu7x:2x2x1
jax: 0.10.2.dev20260603
libtpu: 0.0.44.dev20260713+nightly
codegen_flags: <defaults>
</compile_context>

<pallas_src>
import functools

import jax
import jax.numpy as jnp
from jax import lax
from jax.experimental import pallas as pl
from jax.experimental.pallas import tpu as pltpu
from jax.experimental.pallas import tpu_sc as plsc

B, S, H = 8, 16, 4096
K = 8192
V = 100000
R = B * S


_N_BLK = 512


def _matmul_body(hs_ref, c_ref, out_ref):
    out_ref[...] = lax.dot_general(
        hs_ref[...], c_ref[...],
        dimension_numbers=(((1,), (1,)), ((), ())),
        preferred_element_type=jnp.float32,
    )


def _codebook_logits(hs2d, codebook):
    grid = (K // _N_BLK,)
    return pl.pallas_call(
        _matmul_body,
        grid=grid,
        in_specs=[
            pl.BlockSpec((R, H), lambda i: (0, 0)),
            pl.BlockSpec((_N_BLK, H), lambda i: (i, 0)),
        ],
        out_specs=pl.BlockSpec((R, _N_BLK), lambda i: (0, i)),
        out_shape=jax.ShapeDtypeStruct((R, K), jnp.float32),
    )(hs2d, codebook)



_NW = 32
_RPW = R // _NW
_VCH = 2000
_NCH = V // _VCH
_VP = (V + 127) // 128 * 128


def _sc_expand_body(lc_hbm, m_hbm, out_hbm, rows_v, idx_v, buf_v,
                    sem_i0, sem_i1, sem_o0, sem_o1):
    nc = 2
    wid = lax.axis_index("s") * nc + lax.axis_index("c")
    sem_i = (sem_i0, sem_i1)
    sem_o = (sem_o0, sem_o1)
    row_base = pl.multiple_of(wid * (_RPW * K), 8)
    pltpu.sync_copy(lc_hbm.at[pl.ds(row_base, _RPW * K)], rows_v)

    def idx_copy(ci, b):
        v0 = pl.multiple_of(ci * _VCH, 8)
        return pltpu.make_async_copy(m_hbm.at[pl.ds(v0, _VCH)],
                                     idx_v.at[b], sem_i[b])

    def out_copy(ci, b, r):
        v0 = (wid * _RPW + r) * _VP + ci * _VCH
        v0 = pl.multiple_of(v0, 8)
        return pltpu.make_async_copy(buf_v.at[b, r],
                                     out_hbm.at[pl.ds(v0, _VCH)], sem_o[b])

    idx_copy(0, 0).start()
    idx_copy(1, 1).start()

    def outer(i, _):
        g = pl.multiple_of(i * 2, 2)
        for b in range(2):
            ci = g + b
            @pl.when(ci >= 2)
            def _():
                for r in range(_RPW):
                    out_copy(ci, b, r).wait()
            idx_copy(ci, b).wait()

            U = 5

            @plsc.parallel_loop(0, _VCH // (16 * U), 1, unroll=5)
            def _(j):
                base = pl.multiple_of(j * (16 * U), 16)
                offs = [base + u * 16 for u in range(U)]
                idxs = [idx_v[b, pl.ds(o, 16)] for o in offs]
                for r in range(_RPW):
                    row_ref = rows_v.at[pl.ds(r * K, K)]
                    vals = [plsc.load_gather(row_ref, [ix]) for ix in idxs]
                    for u in range(U):
                        buf_v[b, r, pl.ds(offs[u], 16)] = vals[u]
            for r in range(_RPW):
                out_copy(ci, b, r).start()

            @pl.when(ci + 2 < _NCH)
            def _():
                idx_copy(ci + 2, b).start()
        return ()

    lax.fori_loop(0, _NCH // 2, outer, ())
    for b in range(2):
        for r in range(_RPW):
            out_copy(_NCH - 2 + b, b, r).wait()




def _retile_body(flat_hbm, out_ref, sems):
    j = pl.program_id(0)
    for u in range(8):
        src = flat_hbm.at[pl.ds(pl.multiple_of((8 * j + u) * _VP, 128), _VP)]
        pltpu.make_async_copy(src, out_ref.at[0, u], sems.at[u]).start()
    for u in range(8):
        pltpu.make_async_copy(flat_hbm.at[pl.ds(0, _VP)],
                              out_ref.at[0, u], sems.at[u]).wait()


def _retile(flat):
    return pl.pallas_call(
        _retile_body,
        grid=(R // 8,),
        in_specs=[pl.BlockSpec(memory_space=pl.ANY)],
        out_specs=pl.BlockSpec((1, 8, _VP), lambda j: (j // 2, j % 2, 0)),
        out_shape=jax.ShapeDtypeStruct((B, S, V), jnp.float32),
        scratch_shapes=[pltpu.SemaphoreType.DMA((8,))],
    )(flat)


def _expand_vocab(lc_flat, mapping):
    f = functools.partial(
        pl.kernel,
        out_type=jax.ShapeDtypeStruct((R * _VP,), jnp.float32),
        mesh=plsc.VectorSubcoreMesh(core_axis_name="c", subcore_axis_name="s"),
        compiler_params=pltpu.CompilerParams(use_tc_tiling_on_sc=False,
                                             needs_layout_passes=False),
        scratch_types=[
            pltpu.VMEM((_RPW * K,), jnp.float32),
            pltpu.VMEM((2, _VCH), jnp.int32),
            pltpu.VMEM((2, _RPW, _VCH), jnp.float32),
            pltpu.SemaphoreType.DMA,
            pltpu.SemaphoreType.DMA,
            pltpu.SemaphoreType.DMA,
            pltpu.SemaphoreType.DMA,
        ],
    )(_sc_expand_body)
    return f(lc_flat, mapping)


def kernel(hidden_states, codebook_C, mapping_M):
    hs2d = hidden_states.reshape(R, H)
    lc = _codebook_logits(hs2d, codebook_C)
    m32 = mapping_M.astype(jnp.int32)
    out_flat = _expand_vocab(lc.reshape(R * K), m32)
    return _retile(out_flat)

# --- scband reference (transcript-rebuilt; emitter-appended) ---
"""Pipeline reference for scband-vqlogits-88880053223853 (READ-ONLY COPY).

The authoritative reference and input builder live on the scoring server;
editing this copy changes nothing except your own understanding.
"""

import jax, jax.numpy as jnp
import numpy as np


def setup_inputs(seed: int = 0) -> dict:
    key = jax.random.key(seed)
    k1, k2, k3 = jax.random.split(key, 3)
    hidden_states = jax.random.normal(k1, (8, 16, 4096), dtype=jnp.float32)
    codebook_C = jax.random.normal(k2, (8192, 4096), dtype=jnp.float32)
    mapping_M = jax.random.randint(k3, (100000,), 0, 8192, dtype=jnp.int64)
    return {"hidden_states": hidden_states, "codebook_C": codebook_C, "mapping_M": mapping_M}


def reference(hidden_states, codebook_C, mapping_M):
    # codebook_logits_Lc = hidden_states @ C^T : (B, S, K)
    codebook_logits_Lc = jnp.matmul(hidden_states, codebook_C.T)
    # expand to full vocab by gathering along the K axis: (B, S, V)
    full_vocab_logits_Lv = jnp.take(codebook_logits_Lc, mapping_M, axis=2)
    return full_vocab_logits_Lv

if __name__ == "__main__":
    import jax
    _d = setup_inputs()
    print(jax.jit(kernel)(*tuple(_d.values())))

</pallas_src>

<mosaic_0001>
#map = affine_map<(d0, d1) -> (0)>
module attributes {stable_mosaic.version = 14 : i64} {
  func.func @_sc_expand_body(%arg0: i32, %arg1: i32, %arg2: memref<1048576xf32, #tpu.memory_space<hbm>>, %arg3: memref<100000xi32, #tpu.memory_space<hbm>>, %arg4: memref<12812288xf32, #tpu.memory_space<hbm>>, %arg5: memref<32768xf32, #tpu.memory_space<vmem>>, %arg6: memref<2x2000xi32, #tpu.memory_space<vmem>>, %arg7: memref<2x4x2000xf32, #tpu.memory_space<vmem>>, %arg8: memref<!tpu.dma_semaphore, #tpu.memory_space<semaphore_mem>>, %arg9: memref<!tpu.dma_semaphore, #tpu.memory_space<semaphore_mem>>, %arg10: memref<!tpu.dma_semaphore, #tpu.memory_space<semaphore_mem>>, %arg11: memref<!tpu.dma_semaphore, #tpu.memory_space<semaphore_mem>>) attributes {dimension_semantics = [#tpu.dimension_semantics<core_parallel>, #tpu.dimension_semantics<subcore_parallel>], iteration_bounds = array<i64: 2, 16>, scalar_prefetch = 0 : i64, scratch_operands = 7 : i64, tpu.core_type = #tpu.core_type<sc_vector_subcore>, window_params = [{transform_indices = #map}, {transform_indices = #map}, {transform_indices = #map}]} {
    %mul3A = arith.constant 2 : i32
    %mul3A_0 = arith.muli %arg1, %mul3A : i32
    %add3A = arith.addi %mul3A_0, %arg0 : i32
    %mul3A_1 = arith.constant 32768 : i32
    %mul3A_2 = arith.muli %add3A, %mul3A_1 : i32
    %multiple_of3A = tpu.assume_multiple %mul3A_2, 8 : i32
    "tpu.region"() ({
      %run_scoped3A = tpu.sem_alloc : memref<!tpu.dma_semaphore, #tpu.memory_space<semaphore_mem>>
      %dma_start3A_179 = tpu.memref_slice %arg2[%multiple_of3A] : memref<1048576xf32, #tpu.memory_space<hbm>> -> memref<32768xf32, #tpu.memory_space<hbm>>
      %dma_start3A_180 = tpu.memref_slice %arg2[%multiple_of3A] : memref<1048576xf32, #tpu.memory_space<hbm>> -> memref<32768xf32, #tpu.memory_space<hbm>>
      tpu.enqueue_dma source(%dma_start3A_180 : memref<32768xf32, #tpu.memory_space<hbm>>) target(%arg5 : memref<32768xf32, #tpu.memory_space<vmem>>) target_semaphore(%run_scoped3A : memref<!tpu.dma_semaphore, #tpu.memory_space<semaphore_mem>>)
      %dma_wait3A_181 = tpu.memref_slice %arg2[%multiple_of3A] : memref<1048576xf32, #tpu.memory_space<hbm>> -> memref<32768xf32, #tpu.memory_space<hbm>>
      %dma_wait3A_182 = tpu.memref_slice %arg2[%multiple_of3A] : memref<1048576xf32, #tpu.memory_space<hbm>> -> memref<32768xf32, #tpu.memory_space<hbm>>
      tpu.wait_dma2 semaphore(%run_scoped3A : memref<!tpu.dma_semaphore, #tpu.memory_space<semaphore_mem>>) src(%dma_wait3A_182 : memref<32768xf32, #tpu.memory_space<hbm>>) dst(%arg5 : memref<32768xf32, #tpu.memory_space<vmem>>)
      tpu.yield
    }) : () -> ()
    %multiple_of3A_3 = arith.constant 0 : i32
    %multiple_of3A_4 = tpu.assume_multiple %multiple_of3A_3, 8 : i32
    %dma_start3A = arith.constant 0 : i32
    %dma_start3A_5 = arith.constant 0 : i32
    %dma_start3A_6 = tpu.memref_slice %arg6[%dma_start3A, %dma_start3A_5] : memref<2x2000xi32, #tpu.memory_space<vmem>> -> memref<1x2000xi32, #tpu.memory_space<vmem>>
    %dma_start3A_7 = tpu.memref_squeeze %dma_start3A_6 : memref<1x2000xi32, #tpu.memory_space<vmem>> -> memref<2000xi32, #tpu.memory_space<vmem>>
    %dma_start3A_8 = tpu.memref_slice %arg3[%multiple_of3A_4] : memref<100000xi32, #tpu.memory_space<hbm>> -> memref<2000xi32, #tpu.memory_space<hbm>>
    %dma_start3A_9 = arith.constant 0 : i32
    %dma_start3A_10 = tpu.memref_slice %arg6[%dma_start3A, %dma_start3A_9] : memref<2x2000xi32, #tpu.memory_space<vmem>> -> memref<1x2000xi32, #tpu.memory_space<vmem>>
    %dma_start3A_11 = tpu.memref_squeeze %dma_start3A_10 : memref<1x2000xi32, #tpu.memory_space<vmem>> -> memref<2000xi32, #tpu.memory_space<vmem>>
    %dma_start3A_12 = tpu.memref_slice %arg3[%multiple_of3A_4] : memref<100000xi32, #tpu.memory_space<hbm>> -> memref<2000xi32, #tpu.memory_space<hbm>>
    tpu.enqueue_dma source(%dma_start3A_12 : memref<2000xi32, #tpu.memory_space<hbm>>) target(%dma_start3A_11 : memref<2000xi32, #tpu.memory_space<vmem>>) target_semaphore(%arg8 : memref<!tpu.dma_semaphore, #tpu.memory_space<semaphore_mem>>)
    %multiple_of3A_13 = arith.constant 2000 : i32
    %multiple_of3A_14 = tpu.assume_multiple %multiple_of3A_13, 8 : i32
    %dma_start3A_15 = arith.constant 1 : i32
    %dma_start3A_16 = arith.constant 0 : i32
    %dma_start3A_17 = tpu.memref_slice %arg6[%dma_start3A_15, %dma_start3A_16] : memref<2x2000xi32, #tpu.memory_space<vmem>> -> memref<1x2000xi32, #tpu.memory_space<vmem>>
    %dma_start3A_18 = tpu.memref_squeeze %dma_start3A_17 : memref<1x2000xi32, #tpu.memory_space<vmem>> -> memref<2000xi32, #tpu.memory_space<vmem>>
    %dma_start3A_19 = tpu.memref_slice %arg3[%multiple_of3A_14] : memref<100000xi32, #tpu.memory_space<hbm>> -> memref<2000xi32, #tpu.memory_space<hbm>>
    %dma_start3A_20 = arith.constant 0 : i32
    %dma_start3A_21 = tpu.memref_slice %arg6[%dma_start3A_15, %dma_start3A_20] : memref<2x2000xi32, #tpu.memory_space<vmem>> -> memref<1x2000xi32, #tpu.memory_space<vmem>>
    %dma_start3A_22 = tpu.memref_squeeze %dma_start3A_21 : memref<1x2000xi32, #tpu.memory_space<vmem>> -> memref<2000xi32, #tpu.memory_space<vmem>>
    %dma_start3A_23 = tpu.memref_slice %arg3[%multiple_of3A_14] : memref<100000xi32, #tpu.memory_space<hbm>> -> memref<2000xi32, #tpu.memory_space<hbm>>
    tpu.enqueue_dma source(%dma_start3A_23 : memref<2000xi32, #tpu.memory_space<hbm>>) target(%dma_start3A_22 : memref<2000xi32, #tpu.memory_space<vmem>>) target_semaphore(%arg9 : memref<!tpu.dma_semaphore, #tpu.memory_space<semaphore_mem>>)
    %scan3A = arith.constant 0 : i32
    %scan3A_24 = arith.constant 25 : i32
    %scan3A_25 = arith.addi %scan3A, %scan3A_24 : i32
    %scan3A_26 = arith.constant 1 : i32
    scf.for %scan3A_179 = %scan3A to %scan3A_25 step %scan3A_26  : i32 {
      %mul3A_180 = arith.constant 2 : i32
      %mul3A_181 = arith.muli %scan3A_179, %mul3A_180 : i32
      %multiple_of3A_182 = tpu.assume_multiple %mul3A_181, 2 : i32
      %add3A_183 = arith.constant 0 : i32
      %add3A_184 = arith.addi %multiple_of3A_182, %add3A_183 : i32
      %ge3A = arith.constant 2 : i32
      %ge3A_185 = arith.cmpi sge, %add3A_184, %ge3A : i32
      %convert_element_type3A = arith.extui %ge3A_185 : i1 to i32
      %cond3A = arith.constant 0 : i32
      %cond3A_186 = arith.cmpi ne, %convert_element_type3A, %cond3A : i32
      scf.if %cond3A_186 {
        %mul3A_396 = arith.constant 4 : i32
        %mul3A_397 = arith.muli %add3A, %mul3A_396 : i32
        %add3A_398 = arith.constant 0 : i32
        %add3A_399 = arith.addi %mul3A_397, %add3A_398 : i32
        %mul3A_400 = arith.constant 100096 : i32
        %mul3A_401 = arith.muli %add3A_399, %mul3A_400 : i32
        %mul3A_402 = arith.constant 2000 : i32
        %mul3A_403 = arith.muli %add3A_184, %mul3A_402 : i32
        %add3A_404 = arith.addi %mul3A_401, %mul3A_403 : i32
        %multiple_of3A_405 = tpu.assume_multiple %add3A_404, 8 : i32
        %dma_wait3A_406 = arith.constant 0 : i32
        %dma_wait3A_407 = arith.constant 0 : i32
        %dma_wait3A_408 = arith.constant 0 : i32
        %dma_wait3A_409 = tpu.memref_slice %arg7[%dma_wait3A_406, %dma_wait3A_407, %dma_wait3A_408] : memref<2x4x2000xf32, #tpu.memory_space<vmem>> -> memref<1x1x2000xf32, #tpu.memory_space<vmem>>
        %dma_wait3A_410 = tpu.memref_squeeze %dma_wait3A_409 : memref<1x1x2000xf32, #tpu.memory_space<vmem>> -> memref<2000xf32, #tpu.memory_space<vmem>>
        %dma_wait3A_411 = tpu.memref_slice %arg4[%multiple_of3A_405] : memref<12812288xf32, #tpu.memory_space<hbm>> -> memref<2000xf32, #tpu.memory_space<hbm>>
        %dma_wait3A_412 = tpu.memref_slice %arg4[%multiple_of3A_405] : memref<12812288xf32, #tpu.memory_space<hbm>> -> memref<2000xf32, #tpu.memory_space<hbm>>
        %dma_wait3A_413 = arith.constant 0 : i32
        %dma_wait3A_414 = tpu.memref_slice %arg7[%dma_wait3A_406, %dma_wait3A_407, %dma_wait3A_413] : memref<2x4x2000xf32, #tpu.memory_space<vmem>> -> memref<1x1x2000xf32, #tpu.memory_space<vmem>>
        %dma_wait3A_415 = tpu.memref_squeeze %dma_wait3A_414 : memref<1x1x2000xf32, #tpu.memory_space<vmem>> -> memref<2000xf32, #tpu.memory_space<vmem>>
        tpu.wait_dma2 semaphore(%arg10 : memref<!tpu.dma_semaphore, #tpu.memory_space<semaphore_mem>>) src(%dma_wait3A_415 : memref<2000xf32, #tpu.memory_space<vmem>>) dst(%dma_wait3A_412 : memref<2000xf32, #tpu.memory_space<hbm>>)
        %mul3A_416 = arith.constant 4 : i32
        %mul3A_417 = arith.muli %add3A, %mul3A_416 : i32
        %add3A_418 = arith.constant 1 : i32
        %add3A_419 = arith.addi %mul3A_417, %add3A_418 : i32
        %mul3A_420 = arith.constant 100096 : i32
        %mul3A_421 = arith.muli %add3A_419, %mul3A_420 : i32
        %mul3A_422 = arith.constant 2000 : i32
        %mul3A_423 = arith.muli %add3A_184, %mul3A_422 : i32
        %add3A_424 = arith.addi %mul3A_421, %mul3A_423 : i32
        %multiple_of3A_425 = tpu.assume_multiple %add3A_424, 8 : i32
        %dma_wait3A_426 = arith.constant 0 : i32
        %dma_wait3A_427 = arith.constant 1 : i32
        %dma_wait3A_428 = arith.constant 0 : i32
        %dma_wait3A_429 = tpu.memref_slice %arg7[%dma_wait3A_426, %dma_wait3A_427, %dma_wait3A_428] : memref<2x4x2000xf32, #tpu.memory_space<vmem>> -> memref<1x1x2000xf32, #tpu.memory_space<vmem>>
        %dma_wait3A_430 = tpu.memref_squeeze %dma_wait3A_429 : memref<1x1x2000xf32, #tpu.memory_space<vmem>> -> memref<2000xf32, #tpu.memory_space<vmem>>
        %dma_wait3A_431 = tpu.memref_slice %arg4[%multiple_of3A_425] : memref<12812288xf32, #tpu.memory_space<hbm>> -> memref<2000xf32, #tpu.memory_space<hbm>>
        %dma_wait3A_432 = tpu.memref_slice %arg4[%multiple_of3A_425] : memref<12812288xf32, #tpu.memory_space<hbm>> -> memref<2000xf32, #tpu.memory_space<hbm>>
        %dma_wait3A_433 = arith.constant 0 : i32
        %dma_wait3A_434 = tpu.memref_slice %arg7[%dma_wait3A_426, %dma_wait3A_427, %dma_wait3A_433] : memref<2x4x2000xf32, #tpu.memory_space<vmem>> -> memref<1x1x2000xf32, #tpu.memory_space<vmem>>
        %dma_wait3A_435 = tpu.memref_squeeze %dma_wait3A_434 : memref<1x1x2000xf32, #tpu.memory_space<vmem>> -> memref<2000xf32, #tpu.memory_space<vmem>>
        tpu.wait_dma2 semaphore(%arg10 : memref<!tpu.dma_semaphore, #tpu.memory_space<semaphore_mem>>) src(%dma_wait3A_435 : memref<2000xf32, #tpu.memory_space<vmem>>) dst(%dma_wait3A_432 : memref<2000xf32, #tpu.memory_space<hbm>>)
        %mul3A_436 = arith.constant 4 : i32
        %mul3A_437 = arith.muli %add3A, %mul3A_436 : i32
        %add3A_438 = arith.constant 2 : i32
        %add3A_439 = arith.addi %mul3A_437, %add3A_438 : i32
        %mul3A_440 = arith.constant 100096 : i32
        %mul3A_441 = arith.muli %add3A_439, %mul3A_440 : i32
        %mul3A_442 = arith.constant 2000 : i32
        %mul3A_443 = arith.muli %add3A_184, %mul3A_442 : i32
        %add3A_444 = arith.addi %mul3A_441, %mul3A_443 : i32
        %multiple_of3A_445 = tpu.assume_multiple %add3A_444, 8 : i32
        %dma_wait3A_446 = arith.constant 0 : i32
        %dma_wait3A_447 = arith.constant 2 : i32
        %dma_wait3A_448 = arith.constant 0 : i32
        %dma_wait3A_449 = tpu.memref_slice %arg7[%dma_wait3A_446, %dma_wait3A_447, %dma_wait3A_448] : memref<2x4x2000xf32, #tpu.memory_space<vmem>> -> memref<1x1x2000xf32, #tpu.memory_space<vmem>>
        %dma_wait3A_450 = tpu.memref_squeeze %dma_wait3A_449 : memref<1x1x2000xf32, #tpu.memory_space<vmem>> -> memref<2000xf32, #tpu.memory_space<vmem>>
        %dma_wait3A_451 = tpu.memref_slice %arg4[%multiple_of3A_445] : memref<12812288xf32, #tpu.memory_space<hbm>> -> memref<2000xf32, #tpu.memory_space<hbm>>
        %dma_wait3A_452 = tpu.memref_slice %arg4[%multiple_of3A_445] : memref<12812288xf32, #tpu.memory_space<hbm>> -> memref<2000xf32, #tpu.memory_space<hbm>>
        %dma_wait3A_453 = arith.constant 0 : i32
        %dma_wait3A_454 = tpu.memref_slice %arg7[%dma_wait3A_446, %dma_wait3A_447, %dma_wait3A_453] : memref<2x4x2000xf32, #tpu.memory_space<vmem>> -> memref<1x1x2000xf32, #tpu.memory_space<vmem>>
        %dma_wait3A_455 = tpu.memref_squeeze %dma_wait3A_454 : memref<1x1x2000xf32, #tpu.memory_space<vmem>> -> memref<2000xf32, #tpu.memory_space<vmem>>
        tpu.wait_dma2 semaphore(%arg10 : memref<!tpu.dma_semaphore, #tpu.memory_space<semaphore_mem>>) src(%dma_wait3A_455 : memref<2000xf32, #tpu.memory_space<vmem>>) dst(%dma_wait3A_452 : memref<2000xf32, #tpu.memory_space<hbm>>)
        %mul3A_456 = arith.constant 4 : i32
        %mul3A_457 = arith.muli %add3A, %mul3A_456 : i32
        %add3A_458 = arith.constant 3 : i32
        %add3A_459 = arith.addi %mul3A_457, %add3A_458 : i32
        %mul3A_460 = arith.constant 100096 : i32
        %mul3A_461 = arith.muli %add3A_459, %mul3A_460 : i32
        %mul3A_462 = arith.constant 2000 : i32
        %mul3A_463 = arith.muli %add3A_184, %mul3A_462 : i32
        %add3A_464 = arith.addi %mul3A_461, %mul3A_463 : i32
        %multiple_of3A_465 = tpu.assume_multiple %add3A_464, 8 : i32
        %dma_wait3A_466 = arith.constant 0 : i32
        %dma_wait3A_467 = arith.constant 3 : i32
        %dma_wait3A_468 = arith.constant 0 : i32
        %dma_wait3A_469 = tpu.memref_slice %arg7[%dma_wait3A_466, %dma_wait3A_467, %dma_wait3A_468] : memref<2x4x2000xf32, #tpu.memory_space<vmem>> -> memref<1x1x2000xf32, #tpu.memory_space<vmem>>
        %dma_wait3A_470 = tpu.memref_squeeze %dma_wait3A_469 : memref<1x1x2000xf32, #tpu.memory_space<vmem>> -> memref<2000xf32, #tpu.memory_space<vmem>>
        %dma_wait3A_471 = tpu.memref_slice %arg4[%multiple_of3A_465] : memref<12812288xf32, #tpu.memory_space<hbm>> -> memref<2000xf32, #tpu.memory_space<hbm>>
        %dma_wait3A_472 = tpu.memref_slice %arg4[%multiple_of3A_465] : memref<12812288xf32, #tpu.memory_space<hbm>> -> memref<2000xf32, #tpu.memory_space<hbm>>
        %dma_wait3A_473 = arith.constant 0 : i32
        %dma_wait3A_474 = tpu.memref_slice %arg7[%dma_wait3A_466, %dma_wait3A_467, %dma_wait3A_473] : memref<2x4x2000xf32, #tpu.memory_space<vmem>> -> memref<1x1x2000xf32, #tpu.memory_space<vmem>>
        %dma_wait3A_475 = tpu.memref_squeeze %dma_wait3A_474 : memref<1x1x2000xf32, #tpu.memory_space<vmem>> -> memref<2000xf32, #tpu.memory_space<vmem>>
        tpu.wait_dma2 semaphore(%arg10 : memref<!tpu.dma_semaphore, #tpu.memory_space<semaphore_mem>>) src(%dma_wait3A_475 : memref<2000xf32, #tpu.memory_space<vmem>>) dst(%dma_wait3A_472 : memref<2000xf32, #tpu.memory_space<hbm>>)
      } else {
      }
      %mul3A_187 = arith.constant 2000 : i32
      %mul3A_188 = arith.muli %add3A_184, %mul3A_187 : i32
      %multiple_of3A_189 = tpu.assume_multiple %mul3A_188, 8 : i32
      %dma_wait3A_190 = arith.constant 0 : i32
      %dma_wait3A_191 = arith.constant 0 : i32
      %dma_wait3A_192 = tpu.memref_slice %arg6[%dma_wait3A_190, %dma_wait3A_191] : memref<2x2000xi32, #tpu.memory_space<vmem>> -> memref<1x2000xi32, #tpu.memory_space<vmem>>
      %dma_wait3A_193 = tpu.memref_squeeze %dma_wait3A_192 : memref<1x2000xi32, #tpu.memory_space<vmem>> -> memref<2000xi32, #tpu.memory_space<vmem>>
      %dma_wait3A_194 = tpu.memref_slice %arg3[%multiple_of3A_189] : memref<100000xi32, #tpu.memory_space<hbm>> -> memref<2000xi32, #tpu.memory_space<hbm>>
      %dma_wait3A_195 = arith.constant 0 : i32
      %dma_wait3A_196 = tpu.memref_slice %arg6[%dma_wait3A_190, %dma_wait3A_195] : memref<2x2000xi32, #tpu.memory_space<vmem>> -> memref<1x2000xi32, #tpu.memory_space<vmem>>
      %dma_wait3A_197 = tpu.memref_squeeze %dma_wait3A_196 : memref<1x2000xi32, #tpu.memory_space<vmem>> -> memref<2000xi32, #tpu.memory_space<vmem>>
      %dma_wait3A_198 = tpu.memref_slice %arg3[%multiple_of3A_189] : memref<100000xi32, #tpu.memory_space<hbm>> -> memref<2000xi32, #tpu.memory_space<hbm>>
      tpu.wait_dma2 semaphore(%arg8 : memref<!tpu.dma_semaphore, #tpu.memory_space<semaphore_mem>>) src(%dma_wait3A_198 : memref<2000xi32, #tpu.memory_space<hbm>>) dst(%dma_wait3A_197 : memref<2000xi32, #tpu.memory_space<vmem>>)
      %parallel_loop3A = arith.constant 0 : i32
      %parallel_loop3A_199 = arith.constant 25 : i32
      %parallel_loop3A_200 = arith.constant 1 : i32
      scf.for %parallel_loop3A_396 = %parallel_loop3A to %parallel_loop3A_199 step %parallel_loop3A_200  : i32 {
        %parallel_loop3A_397 = arith.constant 80 : i32
        %parallel_loop3A_398 = arith.muli %parallel_loop3A_396, %parallel_loop3A_397 : i32
        %parallel_loop3A_399 = tpu.assume_multiple %parallel_loop3A_398, 16 : i32
        %parallel_loop3A_400 = arith.constant 0 : i32
        %parallel_loop3A_401 = arith.addi %parallel_loop3A_399, %parallel_loop3A_400 : i32
        %parallel_loop3A_402 = arith.constant 16 : i32
        %parallel_loop3A_403 = arith.addi %parallel_loop3A_399, %parallel_loop3A_402 : i32
        %parallel_loop3A_404 = arith.constant 32 : i32
        %parallel_loop3A_405 = arith.addi %parallel_loop3A_399, %parallel_loop3A_404 : i32
        %parallel_loop3A_406 = arith.constant 48 : i32
        %parallel_loop3A_407 = arith.addi %parallel_loop3A_399, %parallel_loop3A_406 : i32
        %parallel_loop3A_408 = arith.constant 64 : i32
        %parallel_loop3A_409 = arith.addi %parallel_loop3A_399, %parallel_loop3A_408 : i32
        %parallel_loop3A_410 = arith.constant 0 : i32
        %parallel_loop3A_411 = arith.index_cast %parallel_loop3A_410 : i32 to index
        %parallel_loop3A_412 = arith.index_cast %parallel_loop3A_401 : i32 to index
        %parallel_loop3A_413 = tpu.vector_load %arg6[%parallel_loop3A_411, %parallel_loop3A_412] {strides = array<i32>} : memref<2x2000xi32, #tpu.memory_space<vmem>>, vector<16xi32>,
        %parallel_loop3A_414 = arith.constant 0 : i32
        %parallel_loop3A_415 = arith.index_cast %parallel_loop3A_414 : i32 to index
        %parallel_loop3A_416 = arith.index_cast %parallel_loop3A_403 : i32 to index
        %parallel_loop3A_417 = tpu.vector_load %arg6[%parallel_loop3A_415, %parallel_loop3A_416] {strides = array<i32>} : memref<2x2000xi32, #tpu.memory_space<vmem>>, vector<16xi32>,
        %parallel_loop3A_418 = arith.constant 0 : i32
        %parallel_loop3A_419 = arith.index_cast %parallel_loop3A_418 : i32 to index
        %parallel_loop3A_420 = arith.index_cast %parallel_loop3A_405 : i32 to index
        %parallel_loop3A_421 = tpu.vector_load %arg6[%parallel_loop3A_419, %parallel_loop3A_420] {strides = array<i32>} : memref<2x2000xi32, #tpu.memory_space<vmem>>, vector<16xi32>,
        %parallel_loop3A_422 = arith.constant 0 : i32
        %parallel_loop3A_423 = arith.index_cast %parallel_loop3A_422 : i32 to index
        %parallel_loop3A_424 = arith.index_cast %parallel_loop3A_407 : i32 to index
        %parallel_loop3A_425 = tpu.vector_load %arg6[%parallel_loop3A_423, %parallel_loop3A_424] {strides = array<i32>} : memref<2x2000xi32, #tpu.memory_space<vmem>>, vector<16xi32>,
        %parallel_loop3A_426 = arith.constant 0 : i32
        %parallel_loop3A_427 = arith.index_cast %parallel_loop3A_426 : i32 to index
        %parallel_loop3A_428 = arith.index_cast %parallel_loop3A_409 : i32 to index
        %parallel_loop3A_429 = tpu.vector_load %arg6[%parallel_loop3A_427, %parallel_loop3A_428] {strides = array<i32>} : memref<2x2000xi32, #tpu.memory_space<vmem>>, vector<16xi32>,
        %parallel_loop3A_430 = arith.constant 0 : i32
        %parallel_loop3A_431 = tpu.memref_slice %arg5[%parallel_loop3A_430] : memref<32768xf32, #tpu.memory_space<vmem>> -> memref<8192xf32, #tpu.memory_space<vmem>>
        %parallel_loop3A_432 = tpu.vector_load_idx %parallel_loop3A_431[%parallel_loop3A_413] : memref<8192xf32, #tpu.memory_space<vmem>>[vector<16xi32>], vector<16xf32>,
        %parallel_loop3A_433 = arith.constant 0 : i32
        %parallel_loop3A_434 = tpu.memref_slice %arg5[%parallel_loop3A_433] : memref<32768xf32, #tpu.memory_space<vmem>> -> memref<8192xf32, #tpu.memory_space<vmem>>
        %parallel_loop3A_435 = tpu.vector_load_idx %parallel_loop3A_434[%parallel_loop3A_417] : memref<8192xf32, #tpu.memory_space<vmem>>[vector<16xi32>], vector<16xf32>,
        %parallel_loop3A_436 = arith.constant 0 : i32
        %parallel_loop3A_437 = tpu.memref_slice %arg5[%parallel_loop3A_436] : memref<32768xf32, #tpu.memory_space<vmem>> -> memref<8192xf32, #tpu.memory_space<vmem>>
        %parallel_loop3A_438 = tpu.vector_load_idx %parallel_loop3A_437[%parallel_loop3A_421] : memref<8192xf32, #tpu.memory_space<vmem>>[vector<16xi32>], vector<16xf32>,
        %parallel_loop3A_439 = arith.constant 0 : i32
        %parallel_loop3A_440 = tpu.memref_slice %arg5[%parallel_loop3A_439] : memref<32768xf32, #tpu.memory_space<vmem>> -> memref<8192xf32, #tpu.memory_space<vmem>>
        %parallel_loop3A_441 = tpu.vector_load_idx %parallel_loop3A_440[%parallel_loop3A_425] : memref<8192xf32, #tpu.memory_space<vmem>>[vector<16xi32>], vector<16xf32>,
        %parallel_loop3A_442 = arith.constant 0 : i32
        %parallel_loop3A_443 = tpu.memref_slice %arg5[%parallel_loop3A_442] : memref<32768xf32, #tpu.memory_space<vmem>> -> memref<8192xf32, #tpu.memory_space<vmem>>
        %parallel_loop3A_444 = tpu.vector_load_idx %parallel_loop3A_443[%parallel_loop3A_429] : memref<8192xf32, #tpu.memory_space<vmem>>[vector<16xi32>], vector<16xf32>,
        %parallel_loop3A_445 = arith.constant 0 : i32
        %parallel_loop3A_446 = arith.constant 0 : i32
        %parallel_loop3A_447 = arith.index_cast %parallel_loop3A_445 : i32 to index
        %parallel_loop3A_448 = arith.index_cast %parallel_loop3A_446 : i32 to index
        %parallel_loop3A_449 = arith.index_cast %parallel_loop3A_401 : i32 to index
        %parallel_loop3A_450 = tpu.vector_load %arg7[%parallel_loop3A_447, %parallel_loop3A_448, %parallel_loop3A_449] {strides = array<i32>} : memref<2x4x2000xf32, #tpu.memory_space<vmem>>, vector<16xf32>,
        tpu.vector_store %arg7[%parallel_loop3A_447, %parallel_loop3A_448, %parallel_loop3A_449], %parallel_loop3A_432 {strides = array<i32>} : memref<2x4x2000xf32, #tpu.memory_space<vmem>>, vector<16xf32>,
        %parallel_loop3A_451 = arith.constant 0 : i32
        %parallel_loop3A_452 = arith.constant 0 : i32
        %parallel_loop3A_453 = arith.index_cast %parallel_loop3A_451 : i32 to index
        %parallel_loop3A_454 = arith.index_cast %parallel_loop3A_452 : i32 to index
        %parallel_loop3A_455 = arith.index_cast %parallel_loop3A_403 : i32 to index
        %parallel_loop3A_456 = tpu.vector_load %arg7[%parallel_loop3A_453, %parallel_loop3A_454, %parallel_loop3A_455] {strides = array<i32>} : memref<2x4x2000xf32, #tpu.memory_space<vmem>>, vector<16xf32>,
        tpu.vector_store %arg7[%parallel_loop3A_453, %parallel_loop3A_454, %parallel_loop3A_455], %parallel_loop3A_435 {strides = array<i32>} : memref<2x4x2000xf32, #tpu.memory_space<vmem>>, vector<16xf32>,
        %parallel_loop3A_457 = arith.constant 0 : i32
        %parallel_loop3A_458 = arith.constant 0 : i32
        %parallel_loop3A_459 = arith.index_cast %parallel_loop3A_457 : i32 to index
        %parallel_loop3A_460 = arith.index_cast %parallel_loop3A_458 : i32 to index
        %parallel_loop3A_461 = arith.index_cast %parallel_loop3A_405 : i32 to index
        %parallel_loop3A_462 = tpu.vector_load %arg7[%parallel_loop3A_459, %parallel_loop3A_460, %parallel_loop3A_461] {strides = array<i32>} : memref<2x4x2000xf32, #tpu.memory_space<vmem>>, vector<16xf32>,
        tpu.vector_store %arg7[%parallel_loop3A_459, %parallel_loop3A_460, %parallel_loop3A_461], %parallel_loop3A_438 {strides = array<i32>} : memref<2x4x2000xf32, #tpu.memory_space<vmem>>, vector<16xf32>,
        %parallel_loop3A_463 = arith.constant 0 : i32
        %parallel_loop3A_464 = arith.constant 0 : i32
        %parallel_loop3A_465 = arith.index_cast %parallel_loop3A_463 : i32 to index
        %parallel_loop3A_466 = arith.index_cast %parallel_loop3A_464 : i32 to index
        %parallel_loop3A_467 = arith.index_cast %parallel_loop3A_407 : i32 to index
        %parallel_loop3A_468 = tpu.vector_load %arg7[%parallel_loop3A_465, %parallel_loop3A_466, %parallel_loop3A_467] {strides = array<i32>} : memref<2x4x2000xf32, #tpu.memory_space<vmem>>, vector<16xf32>,
        tpu.vector_store %arg7[%parallel_loop3A_465, %parallel_loop3A_466, %parallel_loop3A_467], %parallel_loop3A_441 {strides = array<i32>} : memref<2x4x2000xf32, #tpu.memory_space<vmem>>, vector<16xf32>,
        %parallel_loop3A_469 = arith.constant 0 : i32
        %parallel_loop3A_470 = arith.constant 0 : i32
        %parallel_loop3A_471 = arith.index_cast %parallel_loop3A_469 : i32 to index
        %parallel_loop3A_472 = arith.index_cast %parallel_loop3A_470 : i32 to index
        %parallel_loop3A_473 = arith.index_cast %parallel_loop3A_409 : i32 to index
        %parallel_loop3A_474 = tpu.vector_load %arg7[%parallel_loop3A_471, %parallel_loop3A_472, %parallel_loop3A_473] {strides = array<i32>} : memref<2x4x2000xf32, #tpu.memory_space<vmem>>, vector<16xf32>,
        tpu.vector_store %arg7[%parallel_loop3A_471, %parallel_loop3A_472, %parallel_loop3A_473], %parallel_loop3A_444 {strides = array<i32>} : memref<2x4x2000xf32, #tpu.memory_space<vmem>>, vector<16xf32>,
        %parallel_loop3A_475 = arith.constant 8192 : i32
        %parallel_loop3A_476 = tpu.memref_slice %arg5[%parallel_loop3A_475] : memref<32768xf32, #tpu.memory_space<vmem>> -> memref<8192xf32, #tpu.memory_space<vmem>>
        %parallel_loop3A_477 = tpu.vector_load_idx %parallel_loop3A_476[%parallel_loop3A_413] : memref<8192xf32, #tpu.memory_space<vmem>>[vector<16xi32>], vector<16xf32>,
        %parallel_loop3A_478 = arith.constant 8192 : i32
        %parallel_loop3A_479 = tpu.memref_slice %arg5[%parallel_loop3A_478] : memref<32768xf32, #tpu.memory_space<vmem>> -> memref<8192xf32, #tpu.memory_space<vmem>>
        %parallel_loop3A_480 = tpu.vector_load_idx %parallel_loop3A_479[%parallel_loop3A_417] : memref<8192xf32, #tpu.memory_space<vmem>>[vector<16xi32>], vector<16xf32>,
        %parallel_loop3A_481 = arith.constant 8192 : i32
        %parallel_loop3A_482 = tpu.memref_slice %arg5[%parallel_loop3A_481] : memref<32768xf32, #tpu.memory_space<vmem>> -> memref<8192xf32, #tpu.memory_space<vmem>>
        %parallel_loop3A_483 = tpu.vector_load_idx %parallel_loop3A_482[%parallel_loop3A_421] : memref<8192xf32, #tpu.memory_space<vmem>>[vector<16xi32>], vector<16xf32>,
        %parallel_loop3A_484 = arith.constant 8192 : i32
        %parallel_loop3A_485 = tpu.memref_slice %arg5[%parallel_loop3A_484] : memref<32768xf32, #tpu.memory_space<vmem>> -> memref<8192xf32, #tpu.memory_space<vmem>>
        %parallel_loop3A_486 = tpu.vector_load_idx %parallel_loop3A_485[%parallel_loop3A_425] : memref<8192xf32, #tpu.memory_space<vmem>>[vector<16xi32>], vector<16xf32>,
        %parallel_loop3A_487 = arith.constant 8192 : i32
        %parallel_loop3A_488 = tpu.memref_slice %arg5[%parallel_loop3A_487] : memref<32768xf32, #tpu.memory_space<vmem>> -> memref<8192xf32, #tpu.memory_space<vmem>>
        %parallel_loop3A_489 = tpu.vector_load_idx %parallel_loop3A_488[%parallel_loop3A_429] : memref<8192xf32, #tpu.memory_space<vmem>>[vector<16xi32>], vector<16xf32>,
        %parallel_loop3A_490 = arith.constant 0 : i32
        %parallel_loop3A_491 = arith.constant 1 : i32
        %parallel_loop3A_492 = arith.index_cast %parallel_loop3A_490 : i32 to index
        %parallel_loop3A_493 = arith.index_cast %parallel_loop3A_491 : i32 to index
        %parallel_loop3A_494 = arith.index_cast %parallel_loop3A_401 : i32 to index
        %parallel_loop3A_495 = tpu.vector_load %arg7[%parallel_loop3A_492, %parallel_loop3A_493, %parallel_loop3A_494] {strides = array<i32>} : memref<2x4x2000xf32, #tpu.memory_space<vmem>>, vector<16xf32>,
        tpu.vector_store %arg7[%parallel_loop3A_492, %parallel_loop3A_493, %parallel_loop3A_494], %parallel_loop3A_477 {strides = array<i32>} : memref<2x4x2000xf32, #tpu.memory_space<vmem>>, vector<16xf32>,
        %parallel_loop3A_496 = arith.constant 0 : i32
        %parallel_loop3A_497 = arith.constant 1 : i32
        %parallel_loop3A_498 = arith.index_cast %parallel_loop3A_496 : i32 to index
        %parallel_loop3A_499 = arith.index_cast %parallel_loop3A_497 : i32 to index
        %parallel_loop3A_500 = arith.index_cast %parallel_loop3A_403 : i32 to index
        %parallel_loop3A_501 = tpu.vector_load %arg7[%parallel_loop3A_498, %parallel_loop3A_499, %parallel_loop3A_500] {strides = array<i32>} : memref<2x4x2000xf32, #tpu.memory_space<vmem>>, vector<16xf32>,
        tpu.vector_store %arg7[%parallel_loop3A_498, %parallel_loop3A_499, %parallel_loop3A_500], %parallel_loop3A_480 {strides = array<i32>} : memref<2x4x2000xf32, #tpu.memory_space<vmem>>, vector<16xf32>,
        %parallel_loop3A_502 = arith.constant 0 : i32
        %parallel_loop3A_503 = arith.constant 1 : i32
        %parallel_loop3A_504 = arith.index_cast %parallel_loop3A_502 : i32 to index
        %parallel_loop3A_505 = arith.index_cast %parallel_loop3A_503 : i32 to index
        %parallel_loop3A_506 = arith.index_cast %parallel_loop3A_405 : i32 to index
        %parallel_loop3A_507 = tpu.vector_load %arg7[%parallel_loop3A_504, %parallel_loop3A_505, %parallel_loop3A_506] {strides = array<i32>} : memref<2x4x2000xf32, #tpu.memory_space<vmem>>, vector<16xf32>,
        tpu.vector_store %arg7[%parallel_loop3A_504, %parallel_loop3A_505, %parallel_loop3A_506], %parallel_loop3A_483 {strides = array<i32>} : memref<2x4x2000xf32, #tpu.memory_space<vmem>>, vector<16xf32>,
        %parallel_loop3A_508 = arith.constant 0 : i32
        %parallel_loop3A_509 = arith.constant 1 : i32
        %parallel_loop3A_510 = arith.index_cast %parallel_loop3A_508 : i32 to index
        %parallel_loop3A_511 = arith.index_cast %parallel_loop3A_509 : i32 to index
        %parallel_loop3A_512 = arith.index_cast %parallel_loop3A_407 : i32 to index
        %parallel_loop3A_513 = tpu.vector_load %arg7[%parallel_loop3A_510, %parallel_loop3A_511, %parallel_loop3A_512] {strides = array<i32>} : memref<2x4x2000xf32, #tpu.memory_space<vmem>>, vector<16xf32>,
        tpu.vector_store %arg7[%parallel_loop3A_510, %parallel_loop3A_511, %parallel_loop3A_512], %parallel_loop3A_486 {strides = array<i32>} : memref<2x4x2000xf32, #tpu.memory_space<vmem>>, vector<16xf32>,
        %parallel_loop3A_514 = arith.constant 0 : i32
        %parallel_loop3A_515 = arith.constant 1 : i32
        %parallel_loop3A_516 = arith.index_cast %parallel_loop3A_514 : i32 to index
        %parallel_loop3A_517 = arith.index_cast %parallel_loop3A_515 : i32 to index
        %parallel_loop3A_518 = arith.index_cast %parallel_loop3A_409 : i32 to index
        %parallel_loop3A_519 = tpu.vector_load %arg7[%parallel_loop3A_516, %parallel_loop3A_517, %parallel_loop3A_518] {strides = array<i32>} : memref<2x4x2000xf32, #tpu.memory_space<vmem>>, vector<16xf32>,
        tpu.vector_store %arg7[%parallel_loop3A_516, %parallel_loop3A_517, %parallel_loop3A_518], %parallel_loop3A_489 {strides = array<i32>} : memref<2x4x2000xf32, #tpu.memory_space<vmem>>, vector<16xf32>,
        %parallel_loop3A_520 = arith.constant 16384 : i32
        %parallel_loop3A_521 = tpu.memref_slice %arg5[%parallel_loop3A_520] : memref<32768xf32, #tpu.memory_space<vmem>> -> memref<8192xf32, #tpu.memory_space<vmem>>
        %parallel_loop3A_522 = tpu.vector_load_idx %parallel_loop3A_521[%parallel_loop3A_413] : memref<8192xf32, #tpu.memory_space<vmem>>[vector<16xi32>], vector<16xf32>,
        %parallel_loop3A_523 = arith.constant 16384 : i32
        %parallel_loop3A_524 = tpu.memref_slice %arg5[%parallel_loop3A_523] : memref<32768xf32, #tpu.memory_space<vmem>> -> memref<8192xf32, #tpu.memory_space<vmem>>
        %parallel_loop3A_525 = tpu.vector_load_idx %parallel_loop3A_524[%parallel_loop3A_417] : memref<8192xf32, #tpu.memory_space<vmem>>[vector<16xi32>], vector<16xf32>,
        %parallel_loop3A_526 = arith.constant 16384 : i32
        %parallel_loop3A_527 = tpu.memref_slice %arg5[%parallel_loop3A_526] : memref<32768xf32, #tpu.memory_space<vmem>> -> memref<8192xf32, #tpu.memory_space<vmem>>
        %parallel_loop3A_528 = tpu.vector_load_idx %parallel_loop3A_527[%parallel_loop3A_421] : memref<8192xf32, #tpu.memory_space<vmem>>[vector<16xi32>], vector<16xf32>,
        %parallel_loop3A_529 = arith.constant 16384 : i32
        %parallel_loop3A_530 = tpu.memref_slice %arg5[%parallel_loop3A_529] : memref<32768xf32, #tpu.memory_space<vmem>> -> memref<8192xf32, #tpu.memory_space<vmem>>
        %parallel_loop3A_531 = tpu.vector_load_idx %parallel_loop3A_530[%parallel_loop3A_425] : memref<8192xf32, #tpu.memory_space<vmem>>[vector<16xi32>], vector<16xf32>,
        %parallel_loop3A_532 = arith.constant 16384 : i32
        %parallel_loop3A_533 = tpu.memref_slice %arg5[%parallel_loop3A_532] : memref<32768xf32, #tpu.memory_space<vmem>> -> memref<8192xf32, #tpu.memory_space<vmem>>
        %parallel_loop3A_534 = tpu.vector_load_idx %parallel_loop3A_533[%parallel_loop3A_429] : memref<8192xf32, #tpu.memory_space<vmem>>[vector<16xi32>], vector<16xf32>,
        %parallel_loop3A_535 = arith.constant 0 : i32
        %parallel_loop3A_536 = arith.constant 2 : i32
        %parallel_loop3A_537 = arith.index_cast %parallel_loop3A_535 : i32 to index
        %parallel_loop3A_538 = arith.index_cast %parallel_loop3A_536 : i32 to index
        %parallel_loop3A_539 = arith.index_cast %parallel_loop3A_401 : i32 to index
        %parallel_loop3A_540 = tpu.vector_load %arg7[%parallel_loop3A_537, %parallel_loop3A_538, %parallel_loop3A_539] {strides = array<i32>} : memref<2x4x2000xf32, #tpu.memory_space<vmem>>, vector<16xf32>,
        tpu.vector_store %arg7[%parallel_loop3A_537, %parallel_loop3A_538, %parallel_loop3A_539], %parallel_loop3A_522 {strides = array<i32>} : memref<2x4x2000xf32, #tpu.memory_space<vmem>>, vector<16xf32>,
        %parallel_loop3A_541 = arith.constant 0 : i32
        %parallel_loop3A_542 = arith.constant 2 : i32
        %parallel_loop3A_543 = arith.index_cast %parallel_loop3A_541 : i32 to index
        %parallel_loop3A_544 = arith.index_cast %parallel_loop3A_542 : i32 to index
        %parallel_loop3A_545 = arith.index_cast %parallel_loop3A_403 : i32 to index
        %parallel_loop3A_546 = tpu.vector_load %arg7[%parallel_loop3A_543, %parallel_loop3A_544, %parallel_loop3A_545] {strides = array<i32>} : memref<2x4x2000xf32, #tpu.memory_space<vmem>>, vector<16xf32>,
        tpu.vector_store %arg7[%parallel_loop3A_543, %parallel_loop3A_544, %parallel_loop3A_545], %parallel_loop3A_525 {strides = array<i32>} : memref<2x4x2000xf32, #tpu.memory_space<vmem>>, vector<16xf32>,
        %parallel_loop3A_547 = arith.constant 0 : i32
        %parallel_loop3A_548 = arith.constant 2 : i32
        %parallel_loop3A_549 = arith.index_cast %parallel_loop3A_547 : i32 to index
        %parallel_loop3A_550 = arith.index_cast %parallel_loop3A_548 : i32 to index
        %parallel_loop3A_551 = arith.index_cast %parallel_loop3A_405 : i32 to index
        %parallel_loop3A_552 = tpu.vector_load %arg7[%parallel_loop3A_549, %parallel_loop3A_550, %parallel_loop3A_551] {strides = array<i32>} : memref<2x4x2000xf32, #tpu.memory_space<vmem>>, vector<16xf32>,
        tpu.vector_store %arg7[%parallel_loop3A_549, %parallel_loop3A_550, %parallel_loop3A_551], %parallel_loop3A_528 {strides = array<i32>} : memref<2x4x2000xf32, #tpu.memory_space<vmem>>, vector<16xf32>,
        %parallel_loop3A_553 = arith.constant 0 : i32
        %parallel_loop3A_554 = arith.constant 2 : i32
        %parallel_loop3A_555 = arith.index_cast %parallel_loop3A_553 : i32 to index
        %parallel_loop3A_556 = arith.index_cast %parallel_loop3A_554 : i32 to index
        %parallel_loop3A_557 = arith.index_cast %parallel_loop3A_407 : i32 to index
        %parallel_loop3A_558 = tpu.vector_load %arg7[%parallel_loop3A_555, %parallel_loop3A_556, %parallel_loop3A_557] {strides = array<i32>} : memref<2x4x2000xf32, #tpu.memory_space<vmem>>, vector<16xf32>,
        tpu.vector_store %arg7[%parallel_loop3A_555, %parallel_loop3A_556, %parallel_loop3A_557], %parallel_loop3A_531 {strides = array<i32>} : memref<2x4x2000xf32, #tpu.memory_space<vmem>>, vector<16xf32>,
        %parallel_loop3A_559 = arith.constant 0 : i32
        %parallel_loop3A_560 = arith.constant 2 : i32
        %parallel_loop3A_561 = arith.index_cast %parallel_loop3A_559 : i32 to index
        %parallel_loop3A_562 = arith.index_cast %parallel_loop3A_560 : i32 to index
        %parallel_loop3A_563 = arith.index_cast %parallel_loop3A_409 : i32 to index
        %parallel_loop3A_564 = tpu.vector_load %arg7[%parallel_loop3A_561, %parallel_loop3A_562, %parallel_loop3A_563] {strides = array<i32>} : memref<2x4x2000xf32, #tpu.memory_space<vmem>>, vector<16xf32>,
        tpu.vector_store %arg7[%parallel_loop3A_561, %parallel_loop3A_562, %parallel_loop3A_563], %parallel_loop3A_534 {strides = array<i32>} : memref<2x4x2000xf32, #tpu.memory_space<vmem>>, vector<16xf32>,
        %parallel_loop3A_565 = arith.constant 24576 : i32
        %parallel_loop3A_566 = tpu.memref_slice %arg5[%parallel_loop3A_565] : memref<32768xf32, #tpu.memory_space<vmem>> -> memref<8192xf32, #tpu.memory_space<vmem>>
        %parallel_loop3A_567 = tpu.vector_load_idx %parallel_loop3A_566[%parallel_loop3A_413] : memref<8192xf32, #tpu.memory_space<vmem>>[vector<16xi32>], vector<16xf32>,
        %parallel_loop3A_568 = arith.constant 24576 : i32
        %parallel_loop3A_569 = tpu.memref_slice %arg5[%parallel_loop3A_568] : memref<32768xf32, #tpu.memory_space<vmem>> -> memref<8192xf32, #tpu.memory_space<vmem>>
        %parallel_loop3A_570 = tpu.vector_load_idx %parallel_loop3A_569[%parallel_loop3A_417] : memref<8192xf32, #tpu.memory_space<vmem>>[vector<16xi32>], vector<16xf32>,
        %parallel_loop3A_571 = arith.constant 24576 : i32
        %parallel_loop3A_572 = tpu.memref_slice %arg5[%parallel_loop3A_571] : memref<32768xf32, #tpu.memory_space<vmem>> -> memref<8192xf32, #tpu.memory_space<vmem>>
        %parallel_loop3A_573 = tpu.vector_load_idx %parallel_loop3A_572[%parallel_loop3A_421] : memref<8192xf32, #tpu.memory_space<vmem>>[vector<16xi32>], vector<16xf32>,
        %parallel_loop3A_574 = arith.constant 24576 : i32
        %parallel_loop3A_575 = tpu.memref_slice %arg5[%parallel_loop3A_574] : memref<32768xf32, #tpu.memory_space<vmem>> -> memref<8192xf32, #tpu.memory_space<vmem>>
        %parallel_loop3A_576 = tpu.vector_load_idx %parallel_loop3A_575[%parallel_loop3A_425] : memref<8192xf32, #tpu.memory_space<vmem>>[vector<16xi32>], vector<16xf32>,
        %parallel_loop3A_577 = arith.constant 24576 : i32
        %parallel_loop3A_578 = tpu.memref_slice %arg5[%parallel_loop3A_577] : memref<32768xf32, #tpu.memory_space<vmem>> -> memref<8192xf32, #tpu.memory_space<vmem>>
        %parallel_loop3A_579 = tpu.vector_load_idx %parallel_loop3A_578[%parallel_loop3A_429] : memref<8192xf32, #tpu.memory_space<vmem>>[vector<16xi32>], vector<16xf32>,
        %parallel_loop3A_580 = arith.constant 0 : i32
        %parallel_loop3A_581 = arith.constant 3 : i32
        %parallel_loop3A_582 = arith.index_cast %parallel_loop3A_580 : i32 to index
        %parallel_loop3A_583 = arith.index_cast %parallel_loop3A_581 : i32 to index
        %parallel_loop3A_584 = arith.index_cast %parallel_loop3A_401 : i32 to index
        %parallel_loop3A_585 = tpu.vector_load %arg7[%parallel_loop3A_582, %parallel_loop3A_583, %parallel_loop3A_584] {strides = array<i32>} : memref<2x4x2000xf32, #tpu.memory_space<vmem>>, vector<16xf32>,
        tpu.vector_store %arg7[%parallel_loop3A_582, %parallel_loop3A_583, %parallel_loop3A_584], %parallel_loop3A_567 {strides = array<i32>} : memref<2x4x2000xf32, #tpu.memory_space<vmem>>, vector<16xf32>,
        %parallel_loop3A_586 = arith.constant 0 : i32
        %parallel_loop3A_587 = arith.constant 3 : i32
        %parallel_loop3A_588 = arith.index_cast %parallel_loop3A_586 : i32 to index
        %parallel_loop3A_589 = arith.index_cast %parallel_loop3A_587 : i32 to index
        %parallel_loop3A_590 = arith.index_cast %parallel_loop3A_403 : i32 to index
        %parallel_loop3A_591 = tpu.vector_load %arg7[%parallel_loop3A_588, %parallel_loop3A_589, %parallel_loop3A_590] {strides = array<i32>} : memref<2x4x2000xf32, #tpu.memory_space<vmem>>, vector<16xf32>,
        tpu.vector_store %arg7[%parallel_loop3A_588, %parallel_loop3A_589, %parallel_loop3A_590], %parallel_loop3A_570 {strides = array<i32>} : memref<2x4x2000xf32, #tpu.memory_space<vmem>>, vector<16xf32>,
        %parallel_loop3A_592 = arith.constant 0 : i32
        %parallel_loop3A_593 = arith.constant 3 : i32
        %parallel_loop3A_594 = arith.index_cast %parallel_loop3A_592 : i32 to index
        %parallel_loop3A_595 = arith.index_cast %parallel_loop3A_593 : i32 to index
        %parallel_loop3A_596 = arith.index_cast %parallel_loop3A_405 : i32 to index
        %parallel_loop3A_597 = tpu.vector_load %arg7[%parallel_loop3A_594, %parallel_loop3A_595, %parallel_loop3A_596] {strides = array<i32>} : memref<2x4x2000xf32, #tpu.memory_space<vmem>>, vector<16xf32>,
        tpu.vector_store %arg7[%parallel_loop3A_594, %parallel_loop3A_595, %parallel_loop3A_596], %parallel_loop3A_573 {strides = array<i32>} : memref<2x4x2000xf32, #tpu.memory_space<vmem>>, vector<16xf32>,
        %parallel_loop3A_598 = arith.constant 0 : i32
        %parallel_loop3A_599 = arith.constant 3 : i32
        %parallel_loop3A_600 = arith.index_cast %parallel_loop3A_598 : i32 to index
        %parallel_loop3A_601 = arith.index_cast %parallel_loop3A_599 : i32 to index
        %parallel_loop3A_602 = arith.index_cast %parallel_loop3A_407 : i32 to index
        %parallel_loop3A_603 = tpu.vector_load %arg7[%parallel_loop3A_600, %parallel_loop3A_601, %parallel_loop3A_602] {strides = array<i32>} : memref<2x4x2000xf32, #tpu.memory_space<vmem>>, vector<16xf32>,
        tpu.vector_store %arg7[%parallel_loop3A_600, %parallel_loop3A_601, %parallel_loop3A_602], %parallel_loop3A_576 {strides = array<i32>} : memref<2x4x2000xf32, #tpu.memory_space<vmem>>, vector<16xf32>,
        %parallel_loop3A_604 = arith.constant 0 : i32
        %parallel_loop3A_605 = arith.constant 3 : i32
        %parallel_loop3A_606 = arith.index_cast %parallel_loop3A_604 : i32 to index
        %parallel_loop3A_607 = arith.index_cast %parallel_loop3A_605 : i32 to index
        %parallel_loop3A_608 = arith.index_cast %parallel_loop3A_409 : i32 to index
        %parallel_loop3A_609 = tpu.vector_load %arg7[%parallel_loop3A_606, %parallel_loop3A_607, %parallel_loop3A_608] {strides = array<i32>} : memref<2x4x2000xf32, #tpu.memory_space<vmem>>, vector<16xf32>,
        tpu.vector_store %arg7[%parallel_loop3A_606, %parallel_loop3A_607, %parallel_loop3A_608], %parallel_loop3A_579 {strides = array<i32>} : memref<2x4x2000xf32, #tpu.memory_space<vmem>>, vector<16xf32>,
      } {sc.loop_unroll_factor = 5 : i64, sc.parallel_access}
      %mul3A_201 = arith.constant 4 : i32
      %mul3A_202 = arith.muli %add3A, %mul3A_201 : i32
      %add3A_203 = arith.constant 0 : i32
      %add3A_204 = arith.addi %mul3A_202, %add3A_203 : i32
      %mul3A_205 = arith.constant 100096 : i32
      %mul3A_206 = arith.muli %add3A_204, %mul3A_205 : i32
      %mul3A_207 = arith.constant 2000 : i32
      %mul3A_208 = arith.muli %add3A_184, %mul3A_207 : i32
      %add3A_209 = arith.addi %mul3A_206, %mul3A_208 : i32
      %multiple_of3A_210 = tpu.assume_multiple %add3A_209, 8 : i32
      %dma_start3A_211 = arith.constant 0 : i32
      %dma_start3A_212 = arith.constant 0 : i32
      %dma_start3A_213 = arith.constant 0 : i32
      %dma_start3A_214 = tpu.memref_slice %arg7[%dma_start3A_211, %dma_start3A_212, %dma_start3A_213] : memref<2x4x2000xf32, #tpu.memory_space<vmem>> -> memref<1x1x2000xf32, #tpu.memory_space<vmem>>
      %dma_start3A_215 = tpu.memref_squeeze %dma_start3A_214 : memref<1x1x2000xf32, #tpu.memory_space<vmem>> -> memref<2000xf32, #tpu.memory_space<vmem>>
      %dma_start3A_216 = tpu.memref_slice %arg4[%multiple_of3A_210] : memref<12812288xf32, #tpu.memory_space<hbm>> -> memref<2000xf32, #tpu.memory_space<hbm>>
      %dma_start3A_217 = tpu.memref_slice %arg4[%multiple_of3A_210] : memref<12812288xf32, #tpu.memory_space<hbm>> -> memref<2000xf32, #tpu.memory_space<hbm>>
      %dma_start3A_218 = arith.constant 0 : i32
      %dma_start3A_219 = tpu.memref_slice %arg7[%dma_start3A_211, %dma_start3A_212, %dma_start3A_218] : memref<2x4x2000xf32, #tpu.memory_space<vmem>> -> memref<1x1x2000xf32, #tpu.memory_space<vmem>>
      %dma_start3A_220 = tpu.memref_squeeze %dma_start3A_219 : memref<1x1x2000xf32, #tpu.memory_space<vmem>> -> memref<2000xf32, #tpu.memory_space<vmem>>
      tpu.enqueue_dma source(%dma_start3A_220 : memref<2000xf32, #tpu.memory_space<vmem>>) target(%dma_start3A_217 : memref<2000xf32, #tpu.memory_space<hbm>>) target_semaphore(%arg10 : memref<!tpu.dma_semaphore, #tpu.memory_space<semaphore_mem>>)
      %mul3A_221 = arith.constant 4 : i32
      %mul3A_222 = arith.muli %add3A, %mul3A_221 : i32
      %add3A_223 = arith.constant 1 : i32
      %add3A_224 = arith.addi %mul3A_222, %add3A_223 : i32
      %mul3A_225 = arith.constant 100096 : i32
      %mul3A_226 = arith.muli %add3A_224, %mul3A_225 : i32
      %mul3A_227 = arith.constant 2000 : i32
      %mul3A_228 = arith.muli %add3A_184, %mul3A_227 : i32
      %add3A_229 = arith.addi %mul3A_226, %mul3A_228 : i32
      %multiple_of3A_230 = tpu.assume_multiple %add3A_229, 8 : i32
      %dma_start3A_231 = arith.constant 0 : i32
      %dma_start3A_232 = arith.constant 1 : i32
      %dma_start3A_233 = arith.constant 0 : i32
      %dma_start3A_234 = tpu.memref_slice %arg7[%dma_start3A_231, %dma_start3A_232, %dma_start3A_233] : memref<2x4x2000xf32, #tpu.memory_space<vmem>> -> memref<1x1x2000xf32, #tpu.memory_space<vmem>>
      %dma_start3A_235 = tpu.memref_squeeze %dma_start3A_234 : memref<1x1x2000xf32, #tpu.memory_space<vmem>> -> memref<2000xf32, #tpu.memory_space<vmem>>
      %dma_start3A_236 = tpu.memref_slice %arg4[%multiple_of3A_230] : memref<12812288xf32, #tpu.memory_space<hbm>> -> memref<2000xf32, #tpu.memory_space<hbm>>
      %dma_start3A_237 = tpu.memref_slice %arg4[%multiple_of3A_230] : memref<12812288xf32, #tpu.memory_space<hbm>> -> memref<2000xf32, #tpu.memory_space<hbm>>
      %dma_start3A_238 = arith.constant 0 : i32
      %dma_start3A_239 = tpu.memref_slice %arg7[%dma_start3A_231, %dma_start3A_232, %dma_start3A_238] : memref<2x4x2000xf32, #tpu.memory_space<vmem>> -> memref<1x1x2000xf32, #tpu.memory_space<vmem>>
      %dma_start3A_240 = tpu.memref_squeeze %dma_start3A_239 : memref<1x1x2000xf32, #tpu.memory_space<vmem>> -> memref<2000xf32, #tpu.memory_space<vmem>>
      tpu.enqueue_dma source(%dma_start3A_240 : memref<2000xf32, #tpu.memory_space<vmem>>) target(%dma_start3A_237 : memref<2000xf32, #tpu.memory_space<hbm>>) target_semaphore(%arg10 : memref<!tpu.dma_semaphore, #tpu.memory_space<semaphore_mem>>)
      %mul3A_241 = arith.constant 4 : i32
      %mul3A_242 = arith.muli %add3A, %mul3A_241 : i32
      %add3A_243 = arith.constant 2 : i32
      %add3A_244 = arith.addi %mul3A_242, %add3A_243 : i32
      %mul3A_245 = arith.constant 100096 : i32
      %mul3A_246 = arith.muli %add3A_244, %mul3A_245 : i32
      %mul3A_247 = arith.constant 2000 : i32
      %mul3A_248 = arith.muli %add3A_184, %mul3A_247 : i32
      %add3A_249 = arith.addi %mul3A_246, %mul3A_248 : i32
      %multiple_of3A_250 = tpu.assume_multiple %add3A_249, 8 : i32
      %dma_start3A_251 = arith.constant 0 : i32
      %dma_start3A_252 = arith.constant 2 : i32
      %dma_start3A_253 = arith.constant 0 : i32
      %dma_start3A_254 = tpu.memref_slice %arg7[%dma_start3A_251, %dma_start3A_252, %dma_start3A_253] : memref<2x4x2000xf32, #tpu.memory_space<vmem>> -> memref<1x1x2000xf32, #tpu.memory_space<vmem>>
      %dma_start3A_255 = tpu.memref_squeeze %dma_start3A_254 : memref<1x1x2000xf32, #tpu.memory_space<vmem>> -> memref<2000xf32, #tpu.memory_space<vmem>>
      %dma_start3A_256 = tpu.memref_slice %arg4[%multiple_of3A_250] : memref<12812288xf32, #tpu.memory_space<hbm>> -> memref<2000xf32, #tpu.memory_space<hbm>>
      %dma_start3A_257 = tpu.memref_slice %arg4[%multiple_of3A_250] : memref<12812288xf32, #tpu.memory_space<hbm>> -> memref<2000xf32, #tpu.memory_space<hbm>>
      %dma_start3A_258 = arith.constant 0 : i32
      %dma_start3A_259 = tpu.memref_slice %arg7[%dma_start3A_251, %dma_start3A_252, %dma_start3A_258] : memref<2x4x2000xf32, #tpu.memory_space<vmem>> -> memref<1x1x2000xf32, #tpu.memory_space<vmem>>
      %dma_start3A_260 = tpu.memref_squeeze %dma_start3A_259 : memref<1x1x2000xf32, #tpu.memory_space<vmem>> -> memref<2000xf32, #tpu.memory_space<vmem>>
      tpu.enqueue_dma source(%dma_start3A_260 : memref<2000xf32, #tpu.memory_space<vmem>>) target(%dma_start3A_257 : memref<2000xf32, #tpu.memory_space<hbm>>) target_semaphore(%arg10 : memref<!tpu.dma_semaphore, #tpu.memory_space<semaphore_mem>>)
      %mul3A_261 = arith.constant 4 : i32
      %mul3A_262 = arith.muli %add3A, %mul3A_261 : i32
      %add3A_263 = arith.constant 3 : i32
      %add3A_264 = arith.addi %mul3A_262, %add3A_263 : i32
      %mul3A_265 = arith.constant 100096 : i32
      %mul3A_266 = arith.muli %add3A_264, %mul3A_265 : i32
      %mul3A_267 = arith.constant 2000 : i32
      %mul3A_268 = arith.muli %add3A_184, %mul3A_267 : i32
      %add3A_269 = arith.addi %mul3A_266, %mul3A_268 : i32
      %multiple_of3A_270 = tpu.assume_multiple %add3A_269, 8 : i32
      %dma_start3A_271 = arith.constant 0 : i32
      %dma_start3A_272 = arith.constant 3 : i32
      %dma_start3A_273 = arith.constant 0 : i32
      %dma_start3A_274 = tpu.memref_slice %arg7[%dma_start3A_271, %dma_start3A_272, %dma_start3A_273] : memref<2x4x2000xf32, #tpu.memory_space<vmem>> -> memref<1x1x2000xf32, #tpu.memory_space<vmem>>
      %dma_start3A_275 = tpu.memref_squeeze %dma_start3A_274 : memref<1x1x2000xf32, #tpu.memory_space<vmem>> -> memref<2000xf32, #tpu.memory_space<vmem>>
      %dma_start3A_276 = tpu.memref_slice %arg4[%multiple_of3A_270] : memref<12812288xf32, #tpu.memory_space<hbm>> -> memref<2000xf32, #tpu.memory_space<hbm>>
      %dma_start3A_277 = tpu.memref_slice %arg4[%multiple_of3A_270] : memref<12812288xf32, #tpu.memory_space<hbm>> -> memref<2000xf32, #tpu.memory_space<hbm>>
      %dma_start3A_278 = arith.constant 0 : i32
      %dma_start3A_279 = tpu.memref_slice %arg7[%dma_start3A_271, %dma_start3A_272, %dma_start3A_278] : memref<2x4x2000xf32, #tpu.memory_space<vmem>> -> memref<1x1x2000xf32, #tpu.memory_space<vmem>>
      %dma_start3A_280 = tpu.memref_squeeze %dma_start3A_279 : memref<1x1x2000xf32, #tpu.memory_space<vmem>> -> memref<2000xf32, #tpu.memory_space<vmem>>
      tpu.enqueue_dma source(%dma_start3A_280 : memref<2000xf32, #tpu.memory_space<vmem>>) target(%dma_start3A_277 : memref<2000xf32, #tpu.memory_space<hbm>>) target_semaphore(%arg10 : memref<!tpu.dma_semaphore, #tpu.memory_space<semaphore_mem>>)
      %add3A_281 = arith.constant 2 : i32
      %add3A_282 = arith.addi %add3A_184, %add3A_281 : i32
      %lt3A = arith.constant 50 : i32
      %lt3A_283 = arith.cmpi slt, %add3A_282, %lt3A : i32
      %convert_element_type3A_284 = arith.extui %lt3A_283 : i1 to i32
      %cond3A_285 = arith.constant 0 : i32
      %cond3A_286 = arith.cmpi ne, %convert_element_type3A_284, %cond3A_285 : i32
      scf.if %cond3A_286 {
        %add3A_396 = arith.constant 2 : i32
        %add3A_397 = arith.addi %add3A_184, %add3A_396 : i32
        %mul3A_398 = arith.constant 2000 : i32
        %mul3A_399 = arith.muli %add3A_397, %mul3A_398 : i32
        %multiple_of3A_400 = tpu.assume_multiple %mul3A_399, 8 : i32
        %dma_start3A_401 = arith.constant 0 : i32
        %dma_start3A_402 = arith.constant 0 : i32
        %dma_start3A_403 = tpu.memref_slice %arg6[%dma_start3A_401, %dma_start3A_402] : memref<2x2000xi32, #tpu.memory_space<vmem>> -> memref<1x2000xi32, #tpu.memory_space<vmem>>
        %dma_start3A_404 = tpu.memref_squeeze %dma_start3A_403 : memref<1x2000xi32, #tpu.memory_space<vmem>> -> memref<2000xi32, #tpu.memory_space<vmem>>
        %dma_start3A_405 = tpu.memref_slice %arg3[%multiple_of3A_400] : memref<100000xi32, #tpu.memory_space<hbm>> -> memref<2000xi32, #tpu.memory_space<hbm>>
        %dma_start3A_406 = arith.constant 0 : i32
        %dma_start3A_407 = tpu.memref_slice %arg6[%dma_start3A_401, %dma_start3A_406] : memref<2x2000xi32, #tpu.memory_space<vmem>> -> memref<1x2000xi32, #tpu.memory_space<vmem>>
        %dma_start3A_408 = tpu.memref_squeeze %dma_start3A_407 : memref<1x2000xi32, #tpu.memory_space<vmem>> -> memref<2000xi32, #tpu.memory_space<vmem>>
        %dma_start3A_409 = tpu.memref_slice %arg3[%multiple_of3A_400] : memref<100000xi32, #tpu.memory_space<hbm>> -> memref<2000xi32, #tpu.memory_space<hbm>>
        tpu.enqueue_dma source(%dma_start3A_409 : memref<2000xi32, #tpu.memory_space<hbm>>) target(%dma_start3A_408 : memref<2000xi32, #tpu.memory_space<vmem>>) target_semaphore(%arg8 : memref<!tpu.dma_semaphore, #tpu.memory_space<semaphore_mem>>)
      } else {
      }
      %add3A_287 = arith.constant 1 : i32
      %add3A_288 = arith.addi %multiple_of3A_182, %add3A_287 : i32
      %ge3A_289 = arith.constant 2 : i32
      %ge3A_290 = arith.cmpi sge, %add3A_288, %ge3A_289 : i32
      %convert_element_type3A_291 = arith.extui %ge3A_290 : i1 to i32
      %cond3A_292 = arith.constant 0 : i32
      %cond3A_293 = arith.cmpi ne, %convert_element_type3A_291, %cond3A_292 : i32
      scf.if %cond3A_293 {
        %mul3A_396 = arith.constant 4 : i32
        %mul3A_397 = arith.muli %add3A, %mul3A_396 : i32
        %add3A_398 = arith.constant 0 : i32
        %add3A_399 = arith.addi %mul3A_397, %add3A_398 : i32
        %mul3A_400 = arith.constant 100096 : i32
        %mul3A_401 = arith.muli %add3A_399, %mul3A_400 : i32
        %mul3A_402 = arith.constant 2000 : i32
        %mul3A_403 = arith.muli %add3A_288, %mul3A_402 : i32
        %add3A_404 = arith.addi %mul3A_401, %mul3A_403 : i32
        %multiple_of3A_405 = tpu.assume_multiple %add3A_404, 8 : i32
        %dma_wait3A_406 = arith.constant 1 : i32
        %dma_wait3A_407 = arith.constant 0 : i32
        %dma_wait3A_408 = arith.constant 0 : i32
        %dma_wait3A_409 = tpu.memref_slice %arg7[%dma_wait3A_406, %dma_wait3A_407, %dma_wait3A_408] : memref<2x4x2000xf32, #tpu.memory_space<vmem>> -> memref<1x1x2000xf32, #tpu.memory_space<vmem>>
        %dma_wait3A_410 = tpu.memref_squeeze %dma_wait3A_409 : memref<1x1x2000xf32, #tpu.memory_space<vmem>> -> memref<2000xf32, #tpu.memory_space<vmem>>
        %dma_wait3A_411 = tpu.memref_slice %arg4[%multiple_of3A_405] : memref<12812288xf32, #tpu.memory_space<hbm>> -> memref<2000xf32, #tpu.memory_space<hbm>>
        %dma_wait3A_412 = tpu.memref_slice %arg4[%multiple_of3A_405] : memref<12812288xf32, #tpu.memory_space<hbm>> -> memref<2000xf32, #tpu.memory_space<hbm>>
        %dma_wait3A_413 = arith.constant 0 : i32
        %dma_wait3A_414 = tpu.memref_slice %arg7[%dma_wait3A_406, %dma_wait3A_407, %dma_wait3A_413] : memref<2x4x2000xf32, #tpu.memory_space<vmem>> -> memref<1x1x2000xf32, #tpu.memory_space<vmem>>
        %dma_wait3A_415 = tpu.memref_squeeze %dma_wait3A_414 : memref<1x1x2000xf32, #tpu.memory_space<vmem>> -> memref<2000xf32, #tpu.memory_space<vmem>>
        tpu.wait_dma2 semaphore(%arg11 : memref<!tpu.dma_semaphore, #tpu.memory_space<semaphore_mem>>) src(%dma_wait3A_415 : memref<2000xf32, #tpu.memory_space<vmem>>) dst(%dma_wait3A_412 : memref<2000xf32, #tpu.memory_space<hbm>>)
        %mul3A_416 = arith.constant 4 : i32
        %mul3A_417 = arith.muli %add3A, %mul3A_416 : i32
        %add3A_418 = arith.constant 1 : i32
        %add3A_419 = arith.addi %mul3A_417, %add3A_418 : i32
        %mul3A_420 = arith.constant 100096 : i32
        %mul3A_421 = arith.muli %add3A_419, %mul3A_420 : i32
        %mul3A_422 = arith.constant 2000 : i32
        %mul3A_423 = arith.muli %add3A_288, %mul3A_422 : i32
        %add3A_424 = arith.addi %mul3A_421, %mul3A_423 : i32
        %multiple_of3A_425 = tpu.assume_multiple %add3A_424, 8 : i32
        %dma_wait3A_426 = arith.constant 1 : i32
        %dma_wait3A_427 = arith.constant 1 : i32
        %dma_wait3A_428 = arith.constant 0 : i32
        %dma_wait3A_429 = tpu.memref_slice %arg7[%dma_wait3A_426, %dma_wait3A_427, %dma_wait3A_428] : memref<2x4x2000xf32, #tpu.memory_space<vmem>> -> memref<1x1x2000xf32, #tpu.memory_space<vmem>>
        %dma_wait3A_430 = tpu.memref_squeeze %dma_wait3A_429 : memref<1x1x2000xf32, #tpu.memory_space<vmem>> -> memref<2000xf32, #tpu.memory_space<vmem>>
        %dma_wait3A_431 = tpu.memref_slice %arg4[%multiple_of3A_425] : memref<12812288xf32, #tpu.memory_space<hbm>> -> memref<2000xf32, #tpu.memory_space<hbm>>
        %dma_wait3A_432 = tpu.memref_slice %arg4[%multiple_of3A_425] : memref<12812288xf32, #tpu.memory_space<hbm>> -> memref<2000xf32, #tpu.memory_space<hbm>>
        %dma_wait3A_433 = arith.constant 0 : i32
        %dma_wait3A_434 = tpu.memref_slice %arg7[%dma_wait3A_426, %dma_wait3A_427, %dma_wait3A_433] : memref<2x4x2000xf32, #tpu.memory_space<vmem>> -> memref<1x1x2000xf32, #tpu.memory_space<vmem>>
        %dma_wait3A_435 = tpu.memref_squeeze %dma_wait3A_434 : memref<1x1x2000xf32, #tpu.memory_space<vmem>> -> memref<2000xf32, #tpu.memory_space<vmem>>
        tpu.wait_dma2 semaphore(%arg11 : memref<!tpu.dma_semaphore, #tpu.memory_space<semaphore_mem>>) src(%dma_wait3A_435 : memref<2000xf32, #tpu.memory_space<vmem>>) dst(%dma_wait3A_432 : memref<2000xf32, #tpu.memory_space<hbm>>)
        %mul3A_436 = arith.constant 4 : i32
        %mul3A_437 = arith.muli %add3A, %mul3A_436 : i32
        %add3A_438 = arith.constant 2 : i32
        %add3A_439 = arith.addi %mul3A_437, %add3A_438 : i32
        %mul3A_440 = arith.constant 100096 : i32
        %mul3A_441 = arith.muli %add3A_439, %mul3A_440 : i32
        %mul3A_442 = arith.constant 2000 : i32
        %mul3A_443 = arith.muli %add3A_288, %mul3A_442 : i32
        %add3A_444 = arith.addi %mul3A_441, %mul3A_443 : i32
        %multiple_of3A_445 = tpu.assume_multiple %add3A_444, 8 : i32
        %dma_wait3A_446 = arith.constant 1 : i32
        %dma_wait3A_447 = arith.constant 2 : i32
        %dma_wait3A_448 = arith.constant 0 : i32
        %dma_wait3A_449 = tpu.memref_slice %arg7[%dma_wait3A_446, %dma_wait3A_447, %dma_wait3A_448] : memref<2x4x2000xf32, #tpu.memory_space<vmem>> -> memref<1x1x2000xf32, #tpu.memory_space<vmem>>
        %dma_wait3A_450 = tpu.memref_squeeze %dma_wait3A_449 : memref<1x1x2000xf32, #tpu.memory_space<vmem>> -> memref<2000xf32, #tpu.memory_space<vmem>>
        %dma_wait3A_451 = tpu.memref_slice %arg4[%multiple_of3A_445] : memref<12812288xf32, #tpu.memory_space<hbm>> -> memref<2000xf32, #tpu.memory_space<hbm>>
        %dma_wait3A_452 = tpu.memref_slice %arg4[%multiple_of3A_445] : memref<12812288xf32, #tpu.memory_space<hbm>> -> memref<2000xf32, #tpu.memory_space<hbm>>
        %dma_wait3A_453 = arith.constant 0 : i32
        %dma_wait3A_454 = tpu.memref_slice %arg7[%dma_wait3A_446, %dma_wait3A_447, %dma_wait3A_453] : memref<2x4x2000xf32, #tpu.memory_space<vmem>> -> memref<1x1x2000xf32, #tpu.memory_space<vmem>>
        %dma_wait3A_455 = tpu.memref_squeeze %dma_wait3A_454 : memref<1x1x2000xf32, #tpu.memory_space<vmem>> -> memref<2000xf32, #tpu.memory_space<vmem>>
        tpu.wait_dma2 semaphore(%arg11 : memref<!tpu.dma_semaphore, #tpu.memory_space<semaphore_mem>>) src(%dma_wait3A_455 : memref<2000xf32, #tpu.memory_space<vmem>>) dst(%dma_wait3A_452 : memref<2000xf32, #tpu.memory_space<hbm>>)
        %mul3A_456 = arith.constant 4 : i32
        %mul3A_457 = arith.muli %add3A, %mul3A_456 : i32
        %add3A_458 = arith.constant 3 : i32
        %add3A_459 = arith.addi %mul3A_457, %add3A_458 : i32
        %mul3A_460 = arith.constant 100096 : i32
        %mul3A_461 = arith.muli %add3A_459, %mul3A_460 : i32
        %mul3A_462 = arith.constant 2000 : i32
        %mul3A_463 = arith.muli %add3A_288, %mul3A_462 : i32
        %add3A_464 = arith.addi %mul3A_461, %mul3A_463 : i32
        %multiple_of3A_465 = tpu.assume_multiple %add3A_464, 8 : i32
        %dma_wait3A_466 = arith.constant 1 : i32
        %dma_wait3A_467 = arith.constant 3 : i32
        %dma_wait3A_468 = arith.constant 0 : i32
        %dma_wait3A_469 = tpu.memref_slice %arg7[%dma_wait3A_466, %dma_wait3A_467, %dma_wait3A_468] : memref<2x4x2000xf32, #tpu.memory_space<vmem>> -> memref<1x1x2000xf32, #tpu.memory_space<vmem>>
        %dma_wait3A_470 = tpu.memref_squeeze %dma_wait3A_469 : memref<1x1x2000xf32, #tpu.memory_space<vmem>> -> memref<2000xf32, #tpu.memory_space<vmem>>
        %dma_wait3A_471 = tpu.memref_slice %arg4[%multiple_of3A_465] : memref<12812288xf32, #tpu.memory_space<hbm>> -> memref<2000xf32, #tpu.memory_space<hbm>>
        %dma_wait3A_472 = tpu.memref_slice %arg4[%multiple_of3A_465] : memref<12812288xf32, #tpu.memory_space<hbm>> -> memref<2000xf32, #tpu.memory_space<hbm>>
        %dma_wait3A_473 = arith.constant 0 : i32
        %dma_wait3A_474 = tpu.memref_slice %arg7[%dma_wait3A_466, %dma_wait3A_467, %dma_wait3A_473] : memref<2x4x2000xf32, #tpu.memory_space<vmem>> -> memref<1x1x2000xf32, #tpu.memory_space<vmem>>
        %dma_wait3A_475 = tpu.memref_squeeze %dma_wait3A_474 : memref<1x1x2000xf32, #tpu.memory_space<vmem>> -> memref<2000xf32, #tpu.memory_space<vmem>>
        tpu.wait_dma2 semaphore(%arg11 : memref<!tpu.dma_semaphore, #tpu.memory_space<semaphore_mem>>) src(%dma_wait3A_475 : memref<2000xf32, #tpu.memory_space<vmem>>) dst(%dma_wait3A_472 : memref<2000xf32, #tpu.memory_space<hbm>>)
      } else {
      }
      %mul3A_294 = arith.constant 2000 : i32
      %mul3A_295 = arith.muli %add3A_288, %mul3A_294 : i32
      %multiple_of3A_296 = tpu.assume_multiple %mul3A_295, 8 : i32
      %dma_wait3A_297 = arith.constant 1 : i32
      %dma_wait3A_298 = arith.constant 0 : i32
      %dma_wait3A_299 = tpu.memref_slice %arg6[%dma_wait3A_297, %dma_wait3A_298] : memref<2x2000xi32, #tpu.memory_space<vmem>> -> memref<1x2000xi32, #tpu.memory_space<vmem>>
      %dma_wait3A_300 = tpu.memref_squeeze %dma_wait3A_299 : memref<1x2000xi32, #tpu.memory_space<vmem>> -> memref<2000xi32, #tpu.memory_space<vmem>>
      %dma_wait3A_301 = tpu.memref_slice %arg3[%multiple_of3A_296] : memref<100000xi32, #tpu.memory_space<hbm>> -> memref<2000xi32, #tpu.memory_space<hbm>>
      %dma_wait3A_302 = arith.constant 0 : i32
      %dma_wait3A_303 = tpu.memref_slice %arg6[%dma_wait3A_297, %dma_wait3A_302] : memref<2x2000xi32, #tpu.memory_space<vmem>> -> memref<1x2000xi32, #tpu.memory_space<vmem>>
      %dma_wait3A_304 = tpu.memref_squeeze %dma_wait3A_303 : memref<1x2000xi32, #tpu.memory_space<vmem>> -> memref<2000xi32, #tpu.memory_space<vmem>>
      %dma_wait3A_305 = tpu.memref_slice %arg3[%multiple_of3A_296] : memref<100000xi32, #tpu.memory_space<hbm>> -> memref<2000xi32, #tpu.memory_space<hbm>>
      tpu.wait_dma2 semaphore(%arg9 : memref<!tpu.dma_semaphore, #tpu.memory_space<semaphore_mem>>) src(%dma_wait3A_305 : memref<2000xi32, #tpu.memory_space<hbm>>) dst(%dma_wait3A_304 : memref<2000xi32, #tpu.memory_space<vmem>>)
      %parallel_loop3A_306 = arith.constant 0 : i32
      %parallel_loop3A_307 = arith.constant 25 : i32
      %parallel_loop3A_308 = arith.constant 1 : i32
      scf.for %parallel_loop3A_396 = %parallel_loop3A_306 to %parallel_loop3A_307 step %parallel_loop3A_308  : i32 {
        %parallel_loop3A_397 = arith.constant 80 : i32
        %parallel_loop3A_398 = arith.muli %parallel_loop3A_396, %parallel_loop3A_397 : i32
        %parallel_loop3A_399 = tpu.assume_multiple %parallel_loop3A_398, 16 : i32
        %parallel_loop3A_400 = arith.constant 0 : i32
        %parallel_loop3A_401 = arith.addi %parallel_loop3A_399, %parallel_loop3A_400 : i32
        %parallel_loop3A_402 = arith.constant 16 : i32
        %parallel_loop3A_403 = arith.addi %parallel_loop3A_399, %parallel_loop3A_402 : i32
        %parallel_loop3A_404 = arith.constant 32 : i32
        %parallel_loop3A_405 = arith.addi %parallel_loop3A_399, %parallel_loop3A_404 : i32
        %parallel_loop3A_406 = arith.constant 48 : i32
        %parallel_loop3A_407 = arith.addi %parallel_loop3A_399, %parallel_loop3A_406 : i32
        %parallel_loop3A_408 = arith.constant 64 : i32
        %parallel_loop3A_409 = arith.addi %parallel_loop3A_399, %parallel_loop3A_408 : i32
        %parallel_loop3A_410 = arith.constant 1 : i32
        %parallel_loop3A_411 = arith.index_cast %parallel_loop3A_410 : i32 to index
        %parallel_loop3A_412 = arith.index_cast %parallel_loop3A_401 : i32 to index
        %parallel_loop3A_413 = tpu.vector_load %arg6[%parallel_loop3A_411, %parallel_loop3A_412] {strides = array<i32>} : memref<2x2000xi32, #tpu.memory_space<vmem>>, vector<16xi32>,
        %parallel_loop3A_414 = arith.constant 1 : i32
        %parallel_loop3A_415 = arith.index_cast %parallel_loop3A_414 : i32 to index
        %parallel_loop3A_416 = arith.index_cast %parallel_loop3A_403 : i32 to index
        %parallel_loop3A_417 = tpu.vector_load %arg6[%parallel_loop3A_415, %parallel_loop3A_416] {strides = array<i32>} : memref<2x2000xi32, #tpu.memory_space<vmem>>, vector<16xi32>,
        %parallel_loop3A_418 = arith.constant 1 : i32
        %parallel_loop3A_419 = arith.index_cast %parallel_loop3A_418 : i32 to index
        %parallel_loop3A_420 = arith.index_cast %parallel_loop3A_405 : i32 to index
        %parallel_loop3A_421 = tpu.vector_load %arg6[%parallel_loop3A_419, %parallel_loop3A_420] {strides = array<i32>} : memref<2x2000xi32, #tpu.memory_space<vmem>>, vector<16xi32>,
        %parallel_loop3A_422 = arith.constant 1 : i32
        %parallel_loop3A_423 = arith.index_cast %parallel_loop3A_422 : i32 to index
        %parallel_loop3A_424 = arith.index_cast %parallel_loop3A_407 : i32 to index
        %parallel_loop3A_425 = tpu.vector_load %arg6[%parallel_loop3A_423, %parallel_loop3A_424] {strides = array<i32>} : memref<2x2000xi32, #tpu.memory_space<vmem>>, vector<16xi32>,
        %parallel_loop3A_426 = arith.constant 1 : i32
        %parallel_loop3A_427 = arith.index_cast %parallel_loop3A_426 : i32 to index
        %parallel_loop3A_428 = arith.index_cast %parallel_loop3A_409 : i32 to index
        %parallel_loop3A_429 = tpu.vector_load %arg6[%parallel_loop3A_427, %parallel_loop3A_428] {strides = array<i32>} : memref<2x2000xi32, #tpu.memory_space<vmem>>, vector<16xi32>,
        %parallel_loop3A_430 = arith.constant 0 : i32
        %parallel_loop3A_431 = tpu.memref_slice %arg5[%parallel_loop3A_430] : memref<32768xf32, #tpu.memory_space<vmem>> -> memref<8192xf32, #tpu.memory_space<vmem>>
        %parallel_loop3A_432 = tpu.vector_load_idx %parallel_loop3A_431[%parallel_loop3A_413] : memref<8192xf32, #tpu.memory_space<vmem>>[vector<16xi32>], vector<16xf32>,
        %parallel_loop3A_433 = arith.constant 0 : i32
        %parallel_loop3A_434 = tpu.memref_slice %arg5[%parallel_loop3A_433] : memref<32768xf32, #tpu.memory_space<vmem>> -> memref<8192xf32, #tpu.memory_space<vmem>>
        %parallel_loop3A_435 = tpu.vector_load_idx %parallel_loop3A_434[%parallel_loop3A_417] : memref<8192xf32, #tpu.memory_space<vmem>>[vector<16xi32>], vector<16xf32>,
        %parallel_loop3A_436 = arith.constant 0 : i32
        %parallel_loop3A_437 = tpu.memref_slice %arg5[%parallel_loop3A_436] : memref<32768xf32, #tpu.memory_space<vmem>> -> memref<8192xf32, #tpu.memory_space<vmem>>
        %parallel_loop3A_438 = tpu.vector_load_idx %parallel_loop3A_437[%parallel_loop3A_421] : memref<8192xf32, #tpu.memory_space<vmem>>[vector<16xi32>], vector<16xf32>,
        %parallel_loop3A_439 = arith.constant 0 : i32
        %parallel_loop3A_440 = tpu.memref_slice %arg5[%parallel_loop3A_439] : memref<32768xf32, #tpu.memory_space<vmem>> -> memref<8192xf32, #tpu.memory_space<vmem>>
        %parallel_loop3A_441 = tpu.vector_load_idx %parallel_loop3A_440[%parallel_loop3A_425] : memref<8192xf32, #tpu.memory_space<vmem>>[vector<16xi32>], vector<16xf32>,
        %parallel_loop3A_442 = arith.constant 0 : i32
        %parallel_loop3A_443 = tpu.memref_slice %arg5[%parallel_loop3A_442] : memref<32768xf32, #tpu.memory_space<vmem>> -> memref<8192xf32, #tpu.memory_space<vmem>>
        %parallel_loop3A_444 = tpu.vector_load_idx %parallel_loop3A_443[%parallel_loop3A_429] : memref<8192xf32, #tpu.memory_space<vmem>>[vector<16xi32>], vector<16xf32>,
        %parallel_loop3A_445 = arith.constant 1 : i32
        %parallel_loop3A_446 = arith.constant 0 : i32
        %parallel_loop3A_447 = arith.index_cast %parallel_loop3A_445 : i32 to index
        %parallel_loop3A_448 = arith.index_cast %parallel_loop3A_446 : i32 to index
        %parallel_loop3A_449 = arith.index_cast %parallel_loop3A_401 : i32 to index
        %parallel_loop3A_450 = tpu.vector_load %arg7[%parallel_loop3A_447, %parallel_loop3A_448, %parallel_loop3A_449] {strides = array<i32>} : memref<2x4x2000xf32, #tpu.memory_space<vmem>>, vector<16xf32>,
        tpu.vector_store %arg7[%parallel_loop3A_447, %parallel_loop3A_448, %parallel_loop3A_449], %parallel_loop3A_432 {strides = array<i32>} : memref<2x4x2000xf32, #tpu.memory_space<vmem>>, vector<16xf32>,
        %parallel_loop3A_451 = arith.constant 1 : i32
        %parallel_loop3A_452 = arith.constant 0 : i32
        %parallel_loop3A_453 = arith.index_cast %parallel_loop3A_451 : i32 to index
        %parallel_loop3A_454 = arith.index_cast %parallel_loop3A_452 : i32 to index
        %parallel_loop3A_455 = arith.index_cast %parallel_loop3A_403 : i32 to index
        %parallel_loop3A_456 = tpu.vector_load %arg7[%parallel_loop3A_453, %parallel_loop3A_454, %parallel_loop3A_455] {strides = array<i32>} : memref<2x4x2000xf32, #tpu.memory_space<vmem>>, vector<16xf32>,
        tpu.vector_store %arg7[%parallel_loop3A_453, %parallel_loop3A_454, %parallel_loop3A_455], %parallel_loop3A_435 {strides = array<i32>} : memref<2x4x2000xf32, #tpu.memory_space<vmem>>, vector<16xf32>,
        %parallel_loop3A_457 = arith.constant 1 : i32
        %parallel_loop3A_458 = arith.constant 0 : i32
        %parallel_loop3A_459 = arith.index_cast %parallel_loop3A_457 : i32 to index
        %parallel_loop3A_460 = arith.index_cast %parallel_loop3A_458 : i32 to index
        %parallel_loop3A_461 = arith.index_cast %parallel_loop3A_405 : i32 to index
        %parallel_loop3A_462 = tpu.vector_load %arg7[%parallel_loop3A_459, %parallel_loop3A_460, %parallel_loop3A_461] {strides = array<i32>} : memref<2x4x2000xf32, #tpu.memory_space<vmem>>, vector<16xf32>,
        tpu.vector_store %arg7[%parallel_loop3A_459, %parallel_loop3A_460, %parallel_loop3A_461], %parallel_loop3A_438 {strides = array<i32>} : memref<2x4x2000xf32, #tpu.memory_space<vmem>>, vector<16xf32>,
        %parallel_loop3A_463 = arith.constant 1 : i32
        %parallel_loop3A_464 = arith.constant 0 : i32
        %parallel_loop3A_465 = arith.index_cast %parallel_loop3A_463 : i32 to index
        %parallel_loop3A_466 = arith.index_cast %parallel_loop3A_464 : i32 to index
        %parallel_loop3A_467 = arith.index_cast %parallel_loop3A_407 : i32 to index
        %parallel_loop3A_468 = tpu.vector_load %arg7[%parallel_loop3A_465, %parallel_loop3A_466, %parallel_loop3A_467] {strides = array<i32>} : memref<2x4x2000xf32, #tpu.memory_space<vmem>>, vector<16xf32>,
        tpu.vector_store %arg7[%parallel_loop3A_465, %parallel_loop3A_466, %parallel_loop3A_467], %parallel_loop3A_441 {strides = array<i32>} : memref<2x4x2000xf32, #tpu.memory_space<vmem>>, vector<16xf32>,
        %parallel_loop3A_469 = arith.constant 1 : i32
        %parallel_loop3A_470 = arith.constant 0 : i32
        %parallel_loop3A_471 = arith.index_cast %parallel_loop3A_469 : i32 to index
        %parallel_loop3A_472 = arith.index_cast %parallel_loop3A_470 : i32 to index
        %parallel_loop3A_473 = arith.index_cast %parallel_loop3A_409 : i32 to index
        %parallel_loop3A_474 = tpu.vector_load %arg7[%parallel_loop3A_471, %parallel_loop3A_472, %parallel_loop3A_473] {strides = array<i32>} : memref<2x4x2000xf32, #tpu.memory_space<vmem>>, vector<16xf32>,
        tpu.vector_store %arg7[%parallel_loop3A_471, %parallel_loop3A_472, %parallel_loop3A_473], %parallel_loop3A_444 {strides = array<i32>} : memref<2x4x2000xf32, #tpu.memory_space<vmem>>, vector<16xf32>,
        %parallel_loop3A_475 = arith.constant 8192 : i32
        %parallel_loop3A_476 = tpu.memref_slice %arg5[%parallel_loop3A_475] : memref<32768xf32, #tpu.memory_space<vmem>> -> memref<8192xf32, #tpu.memory_space<vmem>>
        %parallel_loop3A_477 = tpu.vector_load_idx %parallel_loop3A_476[%parallel_loop3A_413] : memref<8192xf32, #tpu.memory_space<vmem>>[vector<16xi32>], vector<16xf32>,
        %parallel_loop3A_478 = arith.constant 8192 : i32
        %parallel_loop3A_479 = tpu.memref_slice %arg5[%parallel_loop3A_478] : memref<32768xf32, #tpu.memory_space<vmem>> -> memref<8192xf32, #tpu.memory_space<vmem>>
        %parallel_loop3A_480 = tpu.vector_load_idx %parallel_loop3A_479[%parallel_loop3A_417] : memref<8192xf32, #tpu.memory_space<vmem>>[vector<16xi32>], vector<16xf32>,
        %parallel_loop3A_481 = arith.constant 8192 : i32
        %parallel_loop3A_482 = tpu.memref_slice %arg5[%parallel_loop3A_481] : memref<32768xf32, #tpu.memory_space<vmem>> -> memref<8192xf32, #tpu.memory_space<vmem>>
        %parallel_loop3A_483 = tpu.vector_load_idx %parallel_loop3A_482[%parallel_loop3A_421] : memref<8192xf32, #tpu.memory_space<vmem>>[vector<16xi32>], vector<16xf32>,
        %parallel_loop3A_484 = arith.constant 8192 : i32
        %parallel_loop3A_485 = tpu.memref_slice %arg5[%parallel_loop3A_484] : memref<32768xf32, #tpu.memory_space<vmem>> -> memref<8192xf32, #tpu.memory_space<vmem>>
        %parallel_loop3A_486 = tpu.vector_load_idx %parallel_loop3A_485[%parallel_loop3A_425] : memref<8192xf32, #tpu.memory_space<vmem>>[vector<16xi32>], vector<16xf32>,
        %parallel_loop3A_487 = arith.constant 8192 : i32
        %parallel_loop3A_488 = tpu.memref_slice %arg5[%parallel_loop3A_487] : memref<32768xf32, #tpu.memory_space<vmem>> -> memref<8192xf32, #tpu.memory_space<vmem>>
        %parallel_loop3A_489 = tpu.vector_load_idx %parallel_loop3A_488[%parallel_loop3A_429] : memref<8192xf32, #tpu.memory_space<vmem>>[vector<16xi32>], vector<16xf32>,
        %parallel_loop3A_490 = arith.constant 1 : i32
        %parallel_loop3A_491 = arith.constant 1 : i32
        %parallel_loop3A_492 = arith.index_cast %parallel_loop3A_490 : i32 to index
        %parallel_loop3A_493 = arith.index_cast %parallel_loop3A_491 : i32 to index
        %parallel_loop3A_494 = arith.index_cast %parallel_loop3A_401 : i32 to index
        %parallel_loop3A_495 = tpu.vector_load %arg7[%parallel_loop3A_492, %parallel_loop3A_493, %parallel_loop3A_494] {strides = array<i32>} : memref<2x4x2000xf32, #tpu.memory_space<vmem>>, vector<16xf32>,
        tpu.vector_store %arg7[%parallel_loop3A_492, %parallel_loop3A_493, %parallel_loop3A_494], %parallel_loop3A_477 {strides = array<i32>} : memref<2x4x2000xf32, #tpu.memory_space<vmem>>, vector<16xf32>,
        %parallel_loop3A_496 = arith.constant 1 : i32
        %parallel_loop3A_497 = arith.constant 1 : i32
        %parallel_loop3A_498 = arith.index_cast %parallel_loop3A_496 : i32 to index
        %parallel_loop3A_499 = arith.index_cast %parallel_loop3A_497 : i32 to index
        %parallel_loop3A_500 = arith.index_cast %parallel_loop3A_403 : i32 to index
        %parallel_loop3A_501 = tpu.vector_load %arg7[%parallel_loop3A_498, %parallel_loop3A_499, %parallel_loop3A_500] {strides = array<i32>} : memref<2x4x2000xf32, #tpu.memory_space<vmem>>, vector<16xf32>,
        tpu.vector_store %arg7[%parallel_loop3A_498, %parallel_loop3A_499, %parallel_loop3A_500], %parallel_loop3A_480 {strides = array<i32>} : memref<2x4x2000xf32, #tpu.memory_space<vmem>>, vector<16xf32>,
        %parallel_loop3A_502 = arith.constant 1 : i32
        %parallel_loop3A_503 = arith.constant 1 : i32
        %parallel_loop3A_504 = arith.index_cast %parallel_loop3A_502 : i32 to index
        %parallel_loop3A_505 = arith.index_cast %parallel_loop3A_503 : i32 to index
        %parallel_loop3A_506 = arith.index_cast %parallel_loop3A_405 : i32 to index
        %parallel_loop3A_507 = tpu.vector_load %arg7[%parallel_loop3A_504, %parallel_loop3A_505, %parallel_loop3A_506] {strides = array<i32>} : memref<2x4x2000xf32, #tpu.memory_space<vmem>>, vector<16xf32>,
        tpu.vector_store %arg7[%parallel_loop3A_504, %parallel_loop3A_505, %parallel_loop3A_506], %parallel_loop3A_483 {strides = array<i32>} : memref<2x4x2000xf32, #tpu.memory_space<vmem>>, vector<16xf32>,
        %parallel_loop3A_508 = arith.constant 1 : i32
        %parallel_loop3A_509 = arith.constant 1 : i32
        %parallel_loop3A_510 = arith.index_cast %parallel_loop3A_508 : i32 to index
        %parallel_loop3A_511 = arith.index_cast %parallel_loop3A_509 : i32 to index
        %parallel_loop3A_512 = arith.index_cast %parallel_loop3A_407 : i32 to index
        %parallel_loop3A_513 = tpu.vector_load %arg7[%parallel_loop3A_510, %parallel_loop3A_511, %parallel_loop3A_512] {strides = array<i32>} : memref<2x4x2000xf32, #tpu.memory_space<vmem>>, vector<16xf32>,
        tpu.vector_store %arg7[%parallel_loop3A_510, %parallel_loop3A_511, %parallel_loop3A_512], %parallel_loop3A_486 {strides = array<i32>} : memref<2x4x2000xf32, #tpu.memory_space<vmem>>, vector<16xf32>,
        %parallel_loop3A_514 = arith.constant 1 : i32
        %parallel_loop3A_515 = arith.constant 1 : i32
        %parallel_loop3A_516 = arith.index_cast %parallel_loop3A_514 : i32 to index
        %parallel_loop3A_517 = arith.index_cast %parallel_loop3A_515 : i32 to index
        %parallel_loop3A_518 = arith.index_cast %parallel_loop3A_409 : i32 to index
        %parallel_loop3A_519 = tpu.vector_load %arg7[%parallel_loop3A_516, %parallel_loop3A_517, %parallel_loop3A_518] {strides = array<i32>} : memref<2x4x2000xf32, #tpu.memory_space<vmem>>, vector<16xf32>,
        tpu.vector_store %arg7[%parallel_loop3A_516, %parallel_loop3A_517, %parallel_loop3A_518], %parallel_loop3A_489 {strides = array<i32>} : memref<2x4x2000xf32, #tpu.memory_space<vmem>>, vector<16xf32>,
        %parallel_loop3A_520 = arith.constant 16384 : i32
        %parallel_loop3A_521 = tpu.memref_slice %arg5[%parallel_loop3A_520] : memref<32768xf32, #tpu.memory_space<vmem>> -> memref<8192xf32, #tpu.memory_space<vmem>>
        %parallel_loop3A_522 = tpu.vector_load_idx %parallel_loop3A_521[%parallel_loop3A_413] : memref<8192xf32, #tpu.memory_space<vmem>>[vector<16xi32>], vector<16xf32>,
        %parallel_loop3A_523 = arith.constant 16384 : i32
        %parallel_loop3A_524 = tpu.memref_slice %arg5[%parallel_loop3A_523] : memref<32768xf32, #tpu.memory_space<vmem>> -> memref<8192xf32, #tpu.memory_space<vmem>>
        %parallel_loop3A_525 = tpu.vector_load_idx %parallel_loop3A_524[%parallel_loop3A_417] : memref<8192xf32, #tpu.memory_space<vmem>>[vector<16xi32>], vector<16xf32>,
        %parallel_loop3A_526 = arith.constant 16384 : i32
        %parallel_loop3A_527 = tpu.memref_slice %arg5[%parallel_loop3A_526] : memref<32768xf32, #tpu.memory_space<vmem>> -> memref<8192xf32, #tpu.memory_space<vmem>>
        %parallel_loop3A_528 = tpu.vector_load_idx %parallel_loop3A_527[%parallel_loop3A_421] : memref<8192xf32, #tpu.memory_space<vmem>>[vector<16xi32>], vector<16xf32>,
        %parallel_loop3A_529 = arith.constant 16384 : i32
        %parallel_loop3A_530 = tpu.memref_slice %arg5[%parallel_loop3A_529] : memref<32768xf32, #tpu.memory_space<vmem>> -> memref<8192xf32, #tpu.memory_space<vmem>>
        %parallel_loop3A_531 = tpu.vector_load_idx %parallel_loop3A_530[%parallel_loop3A_425] : memref<8192xf32, #tpu.memory_space<vmem>>[vector<16xi32>], vector<16xf32>,
        %parallel_loop3A_532 = arith.constant 16384 : i32
        %parallel_loop3A_533 = tpu.memref_slice %arg5[%parallel_loop3A_532] : memref<32768xf32, #tpu.memory_space<vmem>> -> memref<8192xf32, #tpu.memory_space<vmem>>
        %parallel_loop3A_534 = tpu.vector_load_idx %parallel_loop3A_533[%parallel_loop3A_429] : memref<8192xf32, #tpu.memory_space<vmem>>[vector<16xi32>], vector<16xf32>,
        %parallel_loop3A_535 = arith.constant 1 : i32
        %parallel_loop3A_536 = arith.constant 2 : i32
        %parallel_loop3A_537 = arith.index_cast %parallel_loop3A_535 : i32 to index
        %parallel_loop3A_538 = arith.index_cast %parallel_loop3A_536 : i32 to index
        %parallel_loop3A_539 = arith.index_cast %parallel_loop3A_401 : i32 to index
        %parallel_loop3A_540 = tpu.vector_load %arg7[%parallel_loop3A_537, %parallel_loop3A_538, %parallel_loop3A_539] {strides = array<i32>} : memref<2x4x2000xf32, #tpu.memory_space<vmem>>, vector<16xf32>,
        tpu.vector_store %arg7[%parallel_loop3A_537, %parallel_loop3A_538, %parallel_loop3A_539], %parallel_loop3A_522 {strides = array<i32>} : memref<2x4x2000xf32, #tpu.memory_space<vmem>>, vector<16xf32>,
        %parallel_loop3A_541 = arith.constant 1 : i32
        %parallel_loop3A_542 = arith.constant 2 : i32
        %parallel_loop3A_543 = arith.index_cast %parallel_loop3A_541 : i32 to index
        %parallel_loop3A_544 = arith.index_cast %parallel_loop3A_542 : i32 to index
        %parallel_loop3A_545 = arith.index_cast %parallel_loop3A_403 : i32 to index
        %parallel_loop3A_546 = tpu.vector_load %arg7[%parallel_loop3A_543, %parallel_loop3A_544, %parallel_loop3A_545] {strides = array<i32>} : memref<2x4x2000xf32, #tpu.memory_space<vmem>>, vector<16xf32>,
        tpu.vector_store %arg7[%parallel_loop3A_543, %parallel_loop3A_544, %parallel_loop3A_545], %parallel_loop3A_525 {strides = array<i32>} : memref<2x4x2000xf32, #tpu.memory_space<vmem>>, vector<16xf32>,
        %parallel_loop3A_547 = arith.constant 1 : i32
        %parallel_loop3A_548 = arith.constant 2 : i32
        %parallel_loop3A_549 = arith.index_cast %parallel_loop3A_547 : i32 to index
        %parallel_loop3A_550 = arith.index_cast %parallel_loop3A_548 : i32 to index
        %parallel_loop3A_551 = arith.index_cast %parallel_loop3A_405 : i32 to index
        %parallel_loop3A_552 = tpu.vector_load %arg7[%parallel_loop3A_549, %parallel_loop3A_550, %parallel_loop3A_551] {strides = array<i32>} : memref<2x4x2000xf32, #tpu.memory_space<vmem>>, vector<16xf32>,
        tpu.vector_store %arg7[%parallel_loop3A_549, %parallel_loop3A_550, %parallel_loop3A_551], %parallel_loop3A_528 {strides = array<i32>} : memref<2x4x2000xf32, #tpu.memory_space<vmem>>, vector<16xf32>,
        %parallel_loop3A_553 = arith.constant 1 : i32
        %parallel_loop3A_554 = arith.constant 2 : i32
        %parallel_loop3A_555 = arith.index_cast %parallel_loop3A_553 : i32 to index
        %parallel_loop3A_556 = arith.index_cast %parallel_loop3A_554 : i32 to index
        %parallel_loop3A_557 = arith.index_cast %parallel_loop3A_407 : i32 to index
        %parallel_loop3A_558 = tpu.vector_load %arg7[%parallel_loop3A_555, %parallel_loop3A_556, %parallel_loop3A_557] {strides = array<i32>} : memref<2x4x2000xf32, #tpu.memory_space<vmem>>, vector<16xf32>,
        tpu.vector_store %arg7[%parallel_loop3A_555, %parallel_loop3A_556, %parallel_loop3A_557], %parallel_loop3A_531 {strides = array<i32>} : memref<2x4x2000xf32, #tpu.memory_space<vmem>>, vector<16xf32>,
        %parallel_loop3A_559 = arith.constant 1 : i32
        %parallel_loop3A_560 = arith.constant 2 : i32
        %parallel_loop3A_561 = arith.index_cast %parallel_loop3A_559 : i32 to index
        %parallel_loop3A_562 = arith.index_cast %parallel_loop3A_560 : i32 to index
        %parallel_loop3A_563 = arith.index_cast %parallel_loop3A_409 : i32 to index
        %parallel_loop3A_564 = tpu.vector_load %arg7[%parallel_loop3A_561, %parallel_loop3A_562, %parallel_loop3A_563] {strides = array<i32>} : memref<2x4x2000xf32, #tpu.memory_space<vmem>>, vector<16xf32>,
        tpu.vector_store %arg7[%parallel_loop3A_561, %parallel_loop3A_562, %parallel_loop3A_563], %parallel_loop3A_534 {strides = array<i32>} : memref<2x4x2000xf32, #tpu.memory_space<vmem>>, vector<16xf32>,
        %parallel_loop3A_565 = arith.constant 24576 : i32
        %parallel_loop3A_566 = tpu.memref_slice %arg5[%parallel_loop3A_565] : memref<32768xf32, #tpu.memory_space<vmem>> -> memref<8192xf32, #tpu.memory_space<vmem>>
        %parallel_loop3A_567 = tpu.vector_load_idx %parallel_loop3A_566[%parallel_loop3A_413] : memref<8192xf32, #tpu.memory_space<vmem>>[vector<16xi32>], vector<16xf32>,
        %parallel_loop3A_568 = arith.constant 24576 : i32
        %parallel_loop3A_569 = tpu.memref_slice %arg5[%parallel_loop3A_568] : memref<32768xf32, #tpu.memory_space<vmem>> -> memref<8192xf32, #tpu.memory_space<vmem>>
        %parallel_loop3A_570 = tpu.vector_load_idx %parallel_loop3A_569[%parallel_loop3A_417] : memref<8192xf32, #tpu.memory_space<vmem>>[vector<16xi32>], vector<16xf32>,
        %parallel_loop3A_571 = arith.constant 24576 : i32
        %parallel_loop3A_572 = tpu.memref_slice %arg5[%parallel_loop3A_571] : memref<32768xf32, #tpu.memory_space<vmem>> -> memref<8192xf32, #tpu.memory_space<vmem>>
        %parallel_loop3A_573 = tpu.vector_load_idx %parallel_loop3A_572[%parallel_loop3A_421] : memref<8192xf32, #tpu.memory_space<vmem>>[vector<16xi32>], vector<16xf32>,
        %parallel_loop3A_574 = arith.constant 24576 : i32
        %parallel_loop3A_575 = tpu.memref_slice %arg5[%parallel_loop3A_574] : memref<32768xf32, #tpu.memory_space<vmem>> -> memref<8192xf32, #tpu.memory_space<vmem>>
        %parallel_loop3A_576 = tpu.vector_load_idx %parallel_loop3A_575[%parallel_loop3A_425] : memref<8192xf32, #tpu.memory_space<vmem>>[vector<16xi32>], vector<16xf32>,
        %parallel_loop3A_577 = arith.constant 24576 : i32
        %parallel_loop3A_578 = tpu.memref_slice %arg5[%parallel_loop3A_577] : memref<32768xf32, #tpu.memory_space<vmem>> -> memref<8192xf32, #tpu.memory_space<vmem>>
        %parallel_loop3A_579 = tpu.vector_load_idx %parallel_loop3A_578[%parallel_loop3A_429] : memref<8192xf32, #tpu.memory_space<vmem>>[vector<16xi32>], vector<16xf32>,
        %parallel_loop3A_580 = arith.constant 1 : i32
        %parallel_loop3A_581 = arith.constant 3 : i32
        %parallel_loop3A_582 = arith.index_cast %parallel_loop3A_580 : i32 to index
        %parallel_loop3A_583 = arith.index_cast %parallel_loop3A_581 : i32 to index
        %parallel_loop3A_584 = arith.index_cast %parallel_loop3A_401 : i32 to index
        %parallel_loop3A_585 = tpu.vector_load %arg7[%parallel_loop3A_582, %parallel_loop3A_583, %parallel_loop3A_584] {strides = array<i32>} : memref<2x4x2000xf32, #tpu.memory_space<vmem>>, vector<16xf32>,
        tpu.vector_store %arg7[%parallel_loop3A_582, %parallel_loop3A_583, %parallel_loop3A_584], %parallel_loop3A_567 {strides = array<i32>} : memref<2x4x2000xf32, #tpu.memory_space<vmem>>, vector<16xf32>,
        %parallel_loop3A_586 = arith.constant 1 : i32
        %parallel_loop3A_587 = arith.constant 3 : i32
        %parallel_loop3A_588 = arith.index_cast %parallel_loop3A_586 : i32 to index
        %parallel_loop3A_589 = arith.index_cast %parallel_loop3A_587 : i32 to index
        %parallel_loop3A_590 = arith.index_cast %parallel_loop3A_403 : i32 to index
        %parallel_loop3A_591 = tpu.vector_load %arg7[%parallel_loop3A_588, %parallel_loop3A_589, %parallel_loop3A_590] {strides = array<i32>} : memref<2x4x2000xf32, #tpu.memory_space<vmem>>, vector<16xf32>,
        tpu.vector_store %arg7[%parallel_loop3A_588, %parallel_loop3A_589, %parallel_loop3A_590], %parallel_loop3A_570 {strides = array<i32>} : memref<2x4x2000xf32, #tpu.memory_space<vmem>>, vector<16xf32>,
        %parallel_loop3A_592 = arith.constant 1 : i32
        %parallel_loop3A_593 = arith.constant 3 : i32
        %parallel_loop3A_594 = arith.index_cast %parallel_loop3A_592 : i32 to index
        %parallel_loop3A_595 = arith.index_cast %parallel_loop3A_593 : i32 to index
        %parallel_loop3A_596 = arith.index_cast %parallel_loop3A_405 : i32 to index
        %parallel_loop3A_597 = tpu.vector_load %arg7[%parallel_loop3A_594, %parallel_loop3A_595, %parallel_loop3A_596] {strides = array<i32>} : memref<2x4x2000xf32, #tpu.memory_space<vmem>>, vector<16xf32>,
        tpu.vector_store %arg7[%parallel_loop3A_594, %parallel_loop3A_595, %parallel_loop3A_596], %parallel_loop3A_573 {strides = array<i32>} : memref<2x4x2000xf32, #tpu.memory_space<vmem>>, vector<16xf32>,
        %parallel_loop3A_598 = arith.constant 1 : i32
        %parallel_loop3A_599 = arith.constant 3 : i32
        %parallel_loop3A_600 = arith.index_cast %parallel_loop3A_598 : i32 to index
        %parallel_loop3A_601 = arith.index_cast %parallel_loop3A_599 : i32 to index
        %parallel_loop3A_602 = arith.index_cast %parallel_loop3A_407 : i32 to index
        %parallel_loop3A_603 = tpu.vector_load %arg7[%parallel_loop3A_600, %parallel_loop3A_601, %parallel_loop3A_602] {strides = array<i32>} : memref<2x4x2000xf32, #tpu.memory_space<vmem>>, vector<16xf32>,
        tpu.vector_store %arg7[%parallel_loop3A_600, %parallel_loop3A_601, %parallel_loop3A_602], %parallel_loop3A_576 {strides = array<i32>} : memref<2x4x2000xf32, #tpu.memory_space<vmem>>, vector<16xf32>,
        %parallel_loop3A_604 = arith.constant 1 : i32
        %parallel_loop3A_605 = arith.constant 3 : i32
        %parallel_loop3A_606 = arith.index_cast %parallel_loop3A_604 : i32 to index
        %parallel_loop3A_607 = arith.index_cast %parallel_loop3A_605 : i32 to index
        %parallel_loop3A_608 = arith.index_cast %parallel_loop3A_409 : i32 to index
        %parallel_loop3A_609 = tpu.vector_load %arg7[%parallel_loop3A_606, %parallel_loop3A_607, %parallel_loop3A_608] {strides = array<i32>} : memref<2x4x2000xf32, #tpu.memory_space<vmem>>, vector<16xf32>,
        tpu.vector_store %arg7[%parallel_loop3A_606, %parallel_loop3A_607, %parallel_loop3A_608], %parallel_loop3A_579 {strides = array<i32>} : memref<2x4x2000xf32, #tpu.memory_space<vmem>>, vector<16xf32>,
      } {sc.loop_unroll_factor = 5 : i64, sc.parallel_access}
      %mul3A_309 = arith.constant 4 : i32
      %mul3A_310 = arith.muli %add3A, %mul3A_309 : i32
      %add3A_311 = arith.constant 0 : i32
      %add3A_312 = arith.addi %mul3A_310, %add3A_311 : i32
      %mul3A_313 = arith.constant 100096 : i32
      %mul3A_314 = arith.muli %add3A_312, %mul3A_313 : i32
      %mul3A_315 = arith.constant 2000 : i32
      %mul3A_316 = arith.muli %add3A_288, %mul3A_315 : i32
      %add3A_317 = arith.addi %mul3A_314, %mul3A_316 : i32
      %multiple_of3A_318 = tpu.assume_multiple %add3A_317, 8 : i32
      %dma_start3A_319 = arith.constant 1 : i32
      %dma_start3A_320 = arith.constant 0 : i32
      %dma_start3A_321 = arith.constant 0 : i32
      %dma_start3A_322 = tpu.memref_slice %arg7[%dma_start3A_319, %dma_start3A_320, %dma_start3A_321] : memref<2x4x2000xf32, #tpu.memory_space<vmem>> -> memref<1x1x2000xf32, #tpu.memory_space<vmem>>
      %dma_start3A_323 = tpu.memref_squeeze %dma_start3A_322 : memref<1x1x2000xf32, #tpu.memory_space<vmem>> -> memref<2000xf32, #tpu.memory_space<vmem>>
      %dma_start3A_324 = tpu.memref_slice %arg4[%multiple_of3A_318] : memref<12812288xf32, #tpu.memory_space<hbm>> -> memref<2000xf32, #tpu.memory_space<hbm>>
      %dma_start3A_325 = tpu.memref_slice %arg4[%multiple_of3A_318] : memref<12812288xf32, #tpu.memory_space<hbm>> -> memref<2000xf32, #tpu.memory_space<hbm>>
      %dma_start3A_326 = arith.constant 0 : i32
      %dma_start3A_327 = tpu.memref_slice %arg7[%dma_start3A_319, %dma_start3A_320, %dma_start3A_326] : memref<2x4x2000xf32, #tpu.memory_space<vmem>> -> memref<1x1x2000xf32, #tpu.memory_space<vmem>>
      %dma_start3A_328 = tpu.memref_squeeze %dma_start3A_327 : memref<1x1x2000xf32, #tpu.memory_space<vmem>> -> memref<2000xf32, #tpu.memory_space<vmem>>
      tpu.enqueue_dma source(%dma_start3A_328 : memref<2000xf32, #tpu.memory_space<vmem>>) target(%dma_start3A_325 : memref<2000xf32, #tpu.memory_space<hbm>>) target_semaphore(%arg11 : memref<!tpu.dma_semaphore, #tpu.memory_space<semaphore_mem>>)
      %mul3A_329 = arith.constant 4 : i32
      %mul3A_330 = arith.muli %add3A, %mul3A_329 : i32
      %add3A_331 = arith.constant 1 : i32
      %add3A_332 = arith.addi %mul3A_330, %add3A_331 : i32
      %mul3A_333 = arith.constant 100096 : i32
      %mul3A_334 = arith.muli %add3A_332, %mul3A_333 : i32
      %mul3A_335 = arith.constant 2000 : i32
      %mul3A_336 = arith.muli %add3A_288, %mul3A_335 : i32
      %add3A_337 = arith.addi %mul3A_334, %mul3A_336 : i32
      %multiple_of3A_338 = tpu.assume_multiple %add3A_337, 8 : i32
      %dma_start3A_339 = arith.constant 1 : i32
      %dma_start3A_340 = arith.constant 1 : i32
      %dma_start3A_341 = arith.constant 0 : i32
      %dma_start3A_342 = tpu.memref_slice %arg7[%dma_start3A_339, %dma_start3A_340, %dma_start3A_341] : memref<2x4x2000xf32, #tpu.memory_space<vmem>> -> memref<1x1x2000xf32, #tpu.memory_space<vmem>>
      %dma_start3A_343 = tpu.memref_squeeze %dma_start3A_342 : memref<1x1x2000xf32, #tpu.memory_space<vmem>> -> memref<2000xf32, #tpu.memory_space<vmem>>
      %dma_start3A_344 = tpu.memref_slice %arg4[%multiple_of3A_338] : memref<12812288xf32, #tpu.memory_space<hbm>> -> memref<2000xf32, #tpu.memory_space<hbm>>
      %dma_start3A_345 = tpu.memref_slice %arg4[%multiple_of3A_338] : memref<12812288xf32, #tpu.memory_space<hbm>> -> memref<2000xf32, #tpu.memory_space<hbm>>
      %dma_start3A_346 = arith.constant 0 : i32
      %dma_start3A_347 = tpu.memref_slice %arg7[%dma_start3A_339, %dma_start3A_340, %dma_start3A_346] : memref<2x4x2000xf32, #tpu.memory_space<vmem>> -> memref<1x1x2000xf32, #tpu.memory_space<vmem>>
      %dma_start3A_348 = tpu.memref_squeeze %dma_start3A_347 : memref<1x1x2000xf32, #tpu.memory_space<vmem>> -> memref<2000xf32, #tpu.memory_space<vmem>>
      tpu.enqueue_dma source(%dma_start3A_348 : memref<2000xf32, #tpu.memory_space<vmem>>) target(%dma_start3A_345 : memref<2000xf32, #tpu.memory_space<hbm>>) target_semaphore(%arg11 : memref<!tpu.dma_semaphore, #tpu.memory_space<semaphore_mem>>)
      %mul3A_349 = arith.constant 4 : i32
      %mul3A_350 = arith.muli %add3A, %mul3A_349 : i32
      %add3A_351 = arith.constant 2 : i32
      %add3A_352 = arith.addi %mul3A_350, %add3A_351 : i32
      %mul3A_353 = arith.constant 100096 : i32
      %mul3A_354 = arith.muli %add3A_352, %mul3A_353 : i32
      %mul3A_355 = arith.constant 2000 : i32
      %mul3A_356 = arith.muli %add3A_288, %mul3A_355 : i32
      %add3A_357 = arith.addi %mul3A_354, %mul3A_356 : i32
      %multiple_of3A_358 = tpu.assume_multiple %add3A_357, 8 : i32
      %dma_start3A_359 = arith.constant 1 : i32
      %dma_start3A_360 = arith.constant 2 : i32
      %dma_start3A_361 = arith.constant 0 : i32
      %dma_start3A_362 = tpu.memref_slice %arg7[%dma_start3A_359, %dma_start3A_360, %dma_start3A_361] : memref<2x4x2000xf32, #tpu.memory_space<vmem>> -> memref<1x1x2000xf32, #tpu.memory_space<vmem>>
      %dma_start3A_363 = tpu.memref_squeeze %dma_start3A_362 : memref<1x1x2000xf32, #tpu.memory_space<vmem>> -> memref<2000xf32, #tpu.memory_space<vmem>>
      %dma_start3A_364 = tpu.memref_slice %arg4[%multiple_of3A_358] : memref<12812288xf32, #tpu.memory_space<hbm>> -> memref<2000xf32, #tpu.memory_space<hbm>>
      %dma_start3A_365 = tpu.memref_slice %arg4[%multiple_of3A_358] : memref<12812288xf32, #tpu.memory_space<hbm>> -> memref<2000xf32, #tpu.memory_space<hbm>>
      %dma_start3A_366 = arith.constant 0 : i32
      %dma_start3A_367 = tpu.memref_slice %arg7[%dma_start3A_359, %dma_start3A_360, %dma_start3A_366] : memref<2x4x2000xf32, #tpu.memory_space<vmem>> -> memref<1x1x2000xf32, #tpu.memory_space<vmem>>
      %dma_start3A_368 = tpu.memref_squeeze %dma_start3A_367 : memref<1x1x2000xf32, #tpu.memory_space<vmem>> -> memref<2000xf32, #tpu.memory_space<vmem>>
      tpu.enqueue_dma source(%dma_start3A_368 : memref<2000xf32, #tpu.memory_space<vmem>>) target(%dma_start3A_365 : memref<2000xf32, #tpu.memory_space<hbm>>) target_semaphore(%arg11 : memref<!tpu.dma_semaphore, #tpu.memory_space<semaphore_mem>>)
      %mul3A_369 = arith.constant 4 : i32
      %mul3A_370 = arith.muli %add3A, %mul3A_369 : i32
      %add3A_371 = arith.constant 3 : i32
      %add3A_372 = arith.addi %mul3A_370, %add3A_371 : i32
      %mul3A_373 = arith.constant 100096 : i32
      %mul3A_374 = arith.muli %add3A_372, %mul3A_373 : i32
      %mul3A_375 = arith.constant 2000 : i32
      %mul3A_376 = arith.muli %add3A_288, %mul3A_375 : i32
      %add3A_377 = arith.addi %mul3A_374, %mul3A_376 : i32
      %multiple_of3A_378 = tpu.assume_multiple %add3A_377, 8 : i32
      %dma_start3A_379 = arith.constant 1 : i32
      %dma_start3A_380 = arith.constant 3 : i32
      %dma_start3A_381 = arith.constant 0 : i32
      %dma_start3A_382 = tpu.memref_slice %arg7[%dma_start3A_379, %dma_start3A_380, %dma_start3A_381] : memref<2x4x2000xf32, #tpu.memory_space<vmem>> -> memref<1x1x2000xf32, #tpu.memory_space<vmem>>
      %dma_start3A_383 = tpu.memref_squeeze %dma_start3A_382 : memref<1x1x2000xf32, #tpu.memory_space<vmem>> -> memref<2000xf32, #tpu.memory_space<vmem>>
      %dma_start3A_384 = tpu.memref_slice %arg4[%multiple_of3A_378] : memref<12812288xf32, #tpu.memory_space<hbm>> -> memref<2000xf32, #tpu.memory_space<hbm>>
      %dma_start3A_385 = tpu.memref_slice %arg4[%multiple_of3A_378] : memref<12812288xf32, #tpu.memory_space<hbm>> -> memref<2000xf32, #tpu.memory_space<hbm>>
      %dma_start3A_386 = arith.constant 0 : i32
      %dma_start3A_387 = tpu.memref_slice %arg7[%dma_start3A_379, %dma_start3A_380, %dma_start3A_386] : memref<2x4x2000xf32, #tpu.memory_space<vmem>> -> memref<1x1x2000xf32, #tpu.memory_space<vmem>>
      %dma_start3A_388 = tpu.memref_squeeze %dma_start3A_387 : memref<1x1x2000xf32, #tpu.memory_space<vmem>> -> memref<2000xf32, #tpu.memory_space<vmem>>
      tpu.enqueue_dma source(%dma_start3A_388 : memref<2000xf32, #tpu.memory_space<vmem>>) target(%dma_start3A_385 : memref<2000xf32, #tpu.memory_space<hbm>>) target_semaphore(%arg11 : memref<!tpu.dma_semaphore, #tpu.memory_space<semaphore_mem>>)
      %add3A_389 = arith.constant 2 : i32
      %add3A_390 = arith.addi %add3A_288, %add3A_389 : i32
      %lt3A_391 = arith.constant 50 : i32
      %lt3A_392 = arith.cmpi slt, %add3A_390, %lt3A_391 : i32
      %convert_element_type3A_393 = arith.extui %lt3A_392 : i1 to i32
      %cond3A_394 = arith.constant 0 : i32
      %cond3A_395 = arith.cmpi ne, %convert_element_type3A_393, %cond3A_394 : i32
      scf.if %cond3A_395 {
        %add3A_396 = arith.constant 2 : i32
        %add3A_397 = arith.addi %add3A_288, %add3A_396 : i32
        %mul3A_398 = arith.constant 2000 : i32
        %mul3A_399 = arith.muli %add3A_397, %mul3A_398 : i32
        %multiple_of3A_400 = tpu.assume_multiple %mul3A_399, 8 : i32
        %dma_start3A_401 = arith.constant 1 : i32
        %dma_start3A_402 = arith.constant 0 : i32
        %dma_start3A_403 = tpu.memref_slice %arg6[%dma_start3A_401, %dma_start3A_402] : memref<2x2000xi32, #tpu.memory_space<vmem>> -> memref<1x2000xi32, #tpu.memory_space<vmem>>
        %dma_start3A_404 = tpu.memref_squeeze %dma_start3A_403 : memref<1x2000xi32, #tpu.memory_space<vmem>> -> memref<2000xi32, #tpu.memory_space<vmem>>
        %dma_start3A_405 = tpu.memref_slice %arg3[%multiple_of3A_400] : memref<100000xi32, #tpu.memory_space<hbm>> -> memref<2000xi32, #tpu.memory_space<hbm>>
        %dma_start3A_406 = arith.constant 0 : i32
        %dma_start3A_407 = tpu.memref_slice %arg6[%dma_start3A_401, %dma_start3A_406] : memref<2x2000xi32, #tpu.memory_space<vmem>> -> memref<1x2000xi32, #tpu.memory_space<vmem>>
        %dma_start3A_408 = tpu.memref_squeeze %dma_start3A_407 : memref<1x2000xi32, #tpu.memory_space<vmem>> -> memref<2000xi32, #tpu.memory_space<vmem>>
        %dma_start3A_409 = tpu.memref_slice %arg3[%multiple_of3A_400] : memref<100000xi32, #tpu.memory_space<hbm>> -> memref<2000xi32, #tpu.memory_space<hbm>>
        tpu.enqueue_dma source(%dma_start3A_409 : memref<2000xi32, #tpu.memory_space<hbm>>) target(%dma_start3A_408 : memref<2000xi32, #tpu.memory_space<vmem>>) target_semaphore(%arg9 : memref<!tpu.dma_semaphore, #tpu.memory_space<semaphore_mem>>)
      } else {
      }
    }
    %scan3A_27 = arith.constant 25 : i32
    %mul3A_28 = arith.constant 4 : i32
    %mul3A_29 = arith.muli %add3A, %mul3A_28 : i32
    %add3A_30 = arith.constant 0 : i32
    %add3A_31 = arith.addi %mul3A_29, %add3A_30 : i32
    %mul3A_32 = arith.constant 100096 : i32
    %mul3A_33 = arith.muli %add3A_31, %mul3A_32 : i32
    %add3A_34 = arith.constant 96000 : i32
    %add3A_35 = arith.addi %mul3A_33, %add3A_34 : i32
    %multiple_of3A_36 = tpu.assume_multiple %add3A_35, 8 : i32
    %dma_wait3A = arith.constant 0 : i32
    %dma_wait3A_37 = arith.constant 0 : i32
    %dma_wait3A_38 = arith.constant 0 : i32
    %dma_wait3A_39 = tpu.memref_slice %arg7[%dma_wait3A, %dma_wait3A_37, %dma_wait3A_38] : memref<2x4x2000xf32, #tpu.memory_space<vmem>> -> memref<1x1x2000xf32, #tpu.memory_space<vmem>>
    %dma_wait3A_40 = tpu.memref_squeeze %dma_wait3A_39 : memref<1x1x2000xf32, #tpu.memory_space<vmem>> -> memref<2000xf32, #tpu.memory_space<vmem>>
    %dma_wait3A_41 = tpu.memref_slice %arg4[%multiple_of3A_36] : memref<12812288xf32, #tpu.memory_space<hbm>> -> memref<2000xf32, #tpu.memory_space<hbm>>
    %dma_wait3A_42 = tpu.memref_slice %arg4[%multiple_of3A_36] : memref<12812288xf32, #tpu.memory_space<hbm>> -> memref<2000xf32, #tpu.memory_space<hbm>>
    %dma_wait3A_43 = arith.constant 0 : i32
    %dma_wait3A_44 = tpu.memref_slice %arg7[%dma_wait3A, %dma_wait3A_37, %dma_wait3A_43] : memref<2x4x2000xf32, #tpu.memory_space<vmem>> -> memref<1x1x2000xf32, #tpu.memory_space<vmem>>
    %dma_wait3A_45 = tpu.memref_squeeze %dma_wait3A_44 : memref<1x1x2000xf32, #tpu.memory_space<vmem>> -> memref<2000xf32, #tpu.memory_space<vmem>>
    tpu.wait_dma2 semaphore(%arg10 : memref<!tpu.dma_semaphore, #tpu.memory_space<semaphore_mem>>) src(%dma_wait3A_45 : memref<2000xf32, #tpu.memory_space<vmem>>) dst(%dma_wait3A_42 : memref<2000xf32, #tpu.memory_space<hbm>>)
    %mul3A_46 = arith.constant 4 : i32
    %mul3A_47 = arith.muli %add3A, %mul3A_46 : i32
    %add3A_48 = arith.constant 1 : i32
    %add3A_49 = arith.addi %mul3A_47, %add3A_48 : i32
    %mul3A_50 = arith.constant 100096 : i32
    %mul3A_51 = arith.muli %add3A_49, %mul3A_50 : i32
    %add3A_52 = arith.constant 96000 : i32
    %add3A_53 = arith.addi %mul3A_51, %add3A_52 : i32
    %multiple_of3A_54 = tpu.assume_multiple %add3A_53, 8 : i32
    %dma_wait3A_55 = arith.constant 0 : i32
    %dma_wait3A_56 = arith.constant 1 : i32
    %dma_wait3A_57 = arith.constant 0 : i32
    %dma_wait3A_58 = tpu.memref_slice %arg7[%dma_wait3A_55, %dma_wait3A_56, %dma_wait3A_57] : memref<2x4x2000xf32, #tpu.memory_space<vmem>> -> memref<1x1x2000xf32, #tpu.memory_space<vmem>>
    %dma_wait3A_59 = tpu.memref_squeeze %dma_wait3A_58 : memref<1x1x2000xf32, #tpu.memory_space<vmem>> -> memref<2000xf32, #tpu.memory_space<vmem>>
    %dma_wait3A_60 = tpu.memref_slice %arg4[%multiple_of3A_54] : memref<12812288xf32, #tpu.memory_space<hbm>> -> memref<2000xf32, #tpu.memory_space<hbm>>
    %dma_wait3A_61 = tpu.memref_slice %arg4[%multiple_of3A_54] : memref<12812288xf32, #tpu.memory_space<hbm>> -> memref<2000xf32, #tpu.memory_space<hbm>>
    %dma_wait3A_62 = arith.constant 0 : i32
    %dma_wait3A_63 = tpu.memref_slice %arg7[%dma_wait3A_55, %dma_wait3A_56, %dma_wait3A_62] : memref<2x4x2000xf32, #tpu.memory_space<vmem>> -> memref<1x1x2000xf32, #tpu.memory_space<vmem>>
    %dma_wait3A_64 = tpu.memref_squeeze %dma_wait3A_63 : memref<1x1x2000xf32, #tpu.memory_space<vmem>> -> memref<2000xf32, #tpu.memory_space<vmem>>
    tpu.wait_dma2 semaphore(%arg10 : memref<!tpu.dma_semaphore, #tpu.memory_space<semaphore_mem>>) src(%dma_wait3A_64 : memref<2000xf32, #tpu.memory_space<vmem>>) dst(%dma_wait3A_61 : memref<2000xf32, #tpu.memory_space<hbm>>)
    %mul3A_65 = arith.constant 4 : i32
    %mul3A_66 = arith.muli %add3A, %mul3A_65 : i32
    %add3A_67 = arith.constant 2 : i32
    %add3A_68 = arith.addi %mul3A_66, %add3A_67 : i32
    %mul3A_69 = arith.constant 100096 : i32
    %mul3A_70 = arith.muli %add3A_68, %mul3A_69 : i32
    %add3A_71 = arith.constant 96000 : i32
    %add3A_72 = arith.addi %mul3A_70, %add3A_71 : i32
    %multiple_of3A_73 = tpu.assume_multiple %add3A_72, 8 : i32
    %dma_wait3A_74 = arith.constant 0 : i32
    %dma_wait3A_75 = arith.constant 2 : i32
    %dma_wait3A_76 = arith.constant 0 : i32
    %dma_wait3A_77 = tpu.memref_slice %arg7[%dma_wait3A_74, %dma_wait3A_75, %dma_wait3A_76] : memref<2x4x2000xf32, #tpu.memory_space<vmem>> -> memref<1x1x2000xf32, #tpu.memory_space<vmem>>
    %dma_wait3A_78 = tpu.memref_squeeze %dma_wait3A_77 : memref<1x1x2000xf32, #tpu.memory_space<vmem>> -> memref<2000xf32, #tpu.memory_space<vmem>>
    %dma_wait3A_79 = tpu.memref_slice %arg4[%multiple_of3A_73] : memref<12812288xf32, #tpu.memory_space<hbm>> -> memref<2000xf32, #tpu.memory_space<hbm>>
    %dma_wait3A_80 = tpu.memref_slice %arg4[%multiple_of3A_73] : memref<12812288xf32, #tpu.memory_space<hbm>> -> memref<2000xf32, #tpu.memory_space<hbm>>
    %dma_wait3A_81 = arith.constant 0 : i32
    %dma_wait3A_82 = tpu.memref_slice %arg7[%dma_wait3A_74, %dma_wait3A_75, %dma_wait3A_81] : memref<2x4x2000xf32, #tpu.memory_space<vmem>> -> memref<1x1x2000xf32, #tpu.memory_space<vmem>>
    %dma_wait3A_83 = tpu.memref_squeeze %dma_wait3A_82 : memref<1x1x2000xf32, #tpu.memory_space<vmem>> -> memref<2000xf32, #tpu.memory_space<vmem>>
    tpu.wait_dma2 semaphore(%arg10 : memref<!tpu.dma_semaphore, #tpu.memory_space<semaphore_mem>>) src(%dma_wait3A_83 : memref<2000xf32, #tpu.memory_space<vmem>>) dst(%dma_wait3A_80 : memref<2000xf32, #tpu.memory_space<hbm>>)
    %mul3A_84 = arith.constant 4 : i32
    %mul3A_85 = arith.muli %add3A, %mul3A_84 : i32
    %add3A_86 = arith.constant 3 : i32
    %add3A_87 = arith.addi %mul3A_85, %add3A_86 : i32
    %mul3A_88 = arith.constant 100096 : i32
    %mul3A_89 = arith.muli %add3A_87, %mul3A_88 : i32
    %add3A_90 = arith.constant 96000 : i32
    %add3A_91 = arith.addi %mul3A_89, %add3A_90 : i32
    %multiple_of3A_92 = tpu.assume_multiple %add3A_91, 8 : i32
    %dma_wait3A_93 = arith.constant 0 : i32
    %dma_wait3A_94 = arith.constant 3 : i32
    %dma_wait3A_95 = arith.constant 0 : i32
    %dma_wait3A_96 = tpu.memref_slice %arg7[%dma_wait3A_93, %dma_wait3A_94, %dma_wait3A_95] : memref<2x4x2000xf32, #tpu.memory_space<vmem>> -> memref<1x1x2000xf32, #tpu.memory_space<vmem>>
    %dma_wait3A_97 = tpu.memref_squeeze %dma_wait3A_96 : memref<1x1x2000xf32, #tpu.memory_space<vmem>> -> memref<2000xf32, #tpu.memory_space<vmem>>
    %dma_wait3A_98 = tpu.memref_slice %arg4[%multiple_of3A_92] : memref<12812288xf32, #tpu.memory_space<hbm>> -> memref<2000xf32, #tpu.memory_space<hbm>>
    %dma_wait3A_99 = tpu.memref_slice %arg4[%multiple_of3A_92] : memref<12812288xf32, #tpu.memory_space<hbm>> -> memref<2000xf32, #tpu.memory_space<hbm>>
    %dma_wait3A_100 = arith.constant 0 : i32
    %dma_wait3A_101 = tpu.memref_slice %arg7[%dma_wait3A_93, %dma_wait3A_94, %dma_wait3A_100] : memref<2x4x2000xf32, #tpu.memory_space<vmem>> -> memref<1x1x2000xf32, #tpu.memory_space<vmem>>
    %dma_wait3A_102 = tpu.memref_squeeze %dma_wait3A_101 : memref<1x1x2000xf32, #tpu.memory_space<vmem>> -> memref<2000xf32, #tpu.memory_space<vmem>>
    tpu.wait_dma2 semaphore(%arg10 : memref<!tpu.dma_semaphore, #tpu.memory_space<semaphore_mem>>) src(%dma_wait3A_102 : memref<2000xf32, #tpu.memory_space<vmem>>) dst(%dma_wait3A_99 : memref<2000xf32, #tpu.memory_space<hbm>>)
    %mul3A_103 = arith.constant 4 : i32
    %mul3A_104 = arith.muli %add3A, %mul3A_103 : i32
    %add3A_105 = arith.constant 0 : i32
    %add3A_106 = arith.addi %mul3A_104, %add3A_105 : i32
    %mul3A_107 = arith.constant 100096 : i32
    %mul3A_108 = arith.muli %add3A_106, %mul3A_107 : i32
    %add3A_109 = arith.constant 98000 : i32
    %add3A_110 = arith.addi %mul3A_108, %add3A_109 : i32
    %multiple_of3A_111 = tpu.assume_multiple %add3A_110, 8 : i32
    %dma_wait3A_112 = arith.constant 1 : i32
    %dma_wait3A_113 = arith.constant 0 : i32
    %dma_wait3A_114 = arith.constant 0 : i32
    %dma_wait3A_115 = tpu.memref_slice %arg7[%dma_wait3A_112, %dma_wait3A_113, %dma_wait3A_114] : memref<2x4x2000xf32, #tpu.memory_space<vmem>> -> memref<1x1x2000xf32, #tpu.memory_space<vmem>>
    %dma_wait3A_116 = tpu.memref_squeeze %dma_wait3A_115 : memref<1x1x2000xf32, #tpu.memory_space<vmem>> -> memref<2000xf32, #tpu.memory_space<vmem>>
    %dma_wait3A_117 = tpu.memref_slice %arg4[%multiple_of3A_111] : memref<12812288xf32, #tpu.memory_space<hbm>> -> memref<2000xf32, #tpu.memory_space<hbm>>
    %dma_wait3A_118 = tpu.memref_slice %arg4[%multiple_of3A_111] : memref<12812288xf32, #tpu.memory_space<hbm>> -> memref<2000xf32, #tpu.memory_space<hbm>>
    %dma_wait3A_119 = arith.constant 0 : i32
    %dma_wait3A_120 = tpu.memref_slice %arg7[%dma_wait3A_112, %dma_wait3A_113, %dma_wait3A_119] : memref<2x4x2000xf32, #tpu.memory_space<vmem>> -> memref<1x1x2000xf32, #tpu.memory_space<vmem>>
    %dma_wait3A_121 = tpu.memref_squeeze %dma_wait3A_120 : memref<1x1x2000xf32, #tpu.memory_space<vmem>> -> memref<2000xf32, #tpu.memory_space<vmem>>
    tpu.wait_dma2 semaphore(%arg11 : memref<!tpu.dma_semaphore, #tpu.memory_space<semaphore_mem>>) src(%dma_wait3A_121 : memref<2000xf32, #tpu.memory_space<vmem>>) dst(%dma_wait3A_118 : memref<2000xf32, #tpu.memory_space<hbm>>)
    %mul3A_122 = arith.constant 4 : i32
    %mul3A_123 = arith.muli %add3A, %mul3A_122 : i32
    %add3A_124 = arith.constant 1 : i32
    %add3A_125 = arith.addi %mul3A_123, %add3A_124 : i32
    %mul3A_126 = arith.constant 100096 : i32
    %mul3A_127 = arith.muli %add3A_125, %mul3A_126 : i32
    %add3A_128 = arith.constant 98000 : i32
    %add3A_129 = arith.addi %mul3A_127, %add3A_128 : i32
    %multiple_of3A_130 = tpu.assume_multiple %add3A_129, 8 : i32
    %dma_wait3A_131 = arith.constant 1 : i32
    %dma_wait3A_132 = arith.constant 1 : i32
    %dma_wait3A_133 = arith.constant 0 : i32
    %dma_wait3A_134 = tpu.memref_slice %arg7[%dma_wait3A_131, %dma_wait3A_132, %dma_wait3A_133] : memref<2x4x2000xf32, #tpu.memory_space<vmem>> -> memref<1x1x2000xf32, #tpu.memory_space<vmem>>
    %dma_wait3A_135 = tpu.memref_squeeze %dma_wait3A_134 : memref<1x1x2000xf32, #tpu.memory_space<vmem>> -> memref<2000xf32, #tpu.memory_space<vmem>>
    %dma_wait3A_136 = tpu.memref_slice %arg4[%multiple_of3A_130] : memref<12812288xf32, #tpu.memory_space<hbm>> -> memref<2000xf32, #tpu.memory_space<hbm>>
    %dma_wait3A_137 = tpu.memref_slice %arg4[%multiple_of3A_130] : memref<12812288xf32, #tpu.memory_space<hbm>> -> memref<2000xf32, #tpu.memory_space<hbm>>
    %dma_wait3A_138 = arith.constant 0 : i32
    %dma_wait3A_139 = tpu.memref_slice %arg7[%dma_wait3A_131, %dma_wait3A_132, %dma_wait3A_138] : memref<2x4x2000xf32, #tpu.memory_space<vmem>> -> memref<1x1x2000xf32, #tpu.memory_space<vmem>>
    %dma_wait3A_140 = tpu.memref_squeeze %dma_wait3A_139 : memref<1x1x2000xf32, #tpu.memory_space<vmem>> -> memref<2000xf32, #tpu.memory_space<vmem>>
    tpu.wait_dma2 semaphore(%arg11 : memref<!tpu.dma_semaphore, #tpu.memory_space<semaphore_mem>>) src(%dma_wait3A_140 : memref<2000xf32, #tpu.memory_space<vmem>>) dst(%dma_wait3A_137 : memref<2000xf32, #tpu.memory_space<hbm>>)
    %mul3A_141 = arith.constant 4 : i32
    %mul3A_142 = arith.muli %add3A, %mul3A_141 : i32
    %add3A_143 = arith.constant 2 : i32
    %add3A_144 = arith.addi %mul3A_142, %add3A_143 : i32
    %mul3A_145 = arith.constant 100096 : i32
    %mul3A_146 = arith.muli %add3A_144, %mul3A_145 : i32
    %add3A_147 = arith.constant 98000 : i32
    %add3A_148 = arith.addi %mul3A_146, %add3A_147 : i32
    %multiple_of3A_149 = tpu.assume_multiple %add3A_148, 8 : i32
    %dma_wait3A_150 = arith.constant 1 : i32
    %dma_wait3A_151 = arith.constant 2 : i32
    %dma_wait3A_152 = arith.constant 0 : i32
    %dma_wait3A_153 = tpu.memref_slice %arg7[%dma_wait3A_150, %dma_wait3A_151, %dma_wait3A_152] : memref<2x4x2000xf32, #tpu.memory_space<vmem>> -> memref<1x1x2000xf32, #tpu.memory_space<vmem>>
    %dma_wait3A_154 = tpu.memref_squeeze %dma_wait3A_153 : memref<1x1x2000xf32, #tpu.memory_space<vmem>> -> memref<2000xf32, #tpu.memory_space<vmem>>
    %dma_wait3A_155 = tpu.memref_slice %arg4[%multiple_of3A_149] : memref<12812288xf32, #tpu.memory_space<hbm>> -> memref<2000xf32, #tpu.memory_space<hbm>>
    %dma_wait3A_156 = tpu.memref_slice %arg4[%multiple_of3A_149] : memref<12812288xf32, #tpu.memory_space<hbm>> -> memref<2000xf32, #tpu.memory_space<hbm>>
    %dma_wait3A_157 = arith.constant 0 : i32
    %dma_wait3A_158 = tpu.memref_slice %arg7[%dma_wait3A_150, %dma_wait3A_151, %dma_wait3A_157] : memref<2x4x2000xf32, #tpu.memory_space<vmem>> -> memref<1x1x2000xf32, #tpu.memory_space<vmem>>
    %dma_wait3A_159 = tpu.memref_squeeze %dma_wait3A_158 : memref<1x1x2000xf32, #tpu.memory_space<vmem>> -> memref<2000xf32, #tpu.memory_space<vmem>>
    tpu.wait_dma2 semaphore(%arg11 : memref<!tpu.dma_semaphore, #tpu.memory_space<semaphore_mem>>) src(%dma_wait3A_159 : memref<2000xf32, #tpu.memory_space<vmem>>) dst(%dma_wait3A_156 : memref<2000xf32, #tpu.memory_space<hbm>>)
    %mul3A_160 = arith.constant 4 : i32
    %mul3A_161 = arith.muli %add3A, %mul3A_160 : i32
    %add3A_162 = arith.constant 3 : i32
    %add3A_163 = arith.addi %mul3A_161, %add3A_162 : i32
    %mul3A_164 = arith.constant 100096 : i32
    %mul3A_165 = arith.muli %add3A_163, %mul3A_164 : i32
    %add3A_166 = arith.constant 98000 : i32
    %add3A_167 = arith.addi %mul3A_165, %add3A_166 : i32
    %multiple_of3A_168 = tpu.assume_multiple %add3A_167, 8 : i32
    %dma_wait3A_169 = arith.constant 1 : i32
    %dma_wait3A_170 = arith.constant 3 : i32
    %dma_wait3A_171 = arith.constant 0 : i32
    %dma_wait3A_172 = tpu.memref_slice %arg7[%dma_wait3A_169, %dma_wait3A_170, %dma_wait3A_171] : memref<2x4x2000xf32, #tpu.memory_space<vmem>> -> memref<1x1x2000xf32, #tpu.memory_space<vmem>>
    %dma_wait3A_173 = tpu.memref_squeeze %dma_wait3A_172 : memref<1x1x2000xf32, #tpu.memory_space<vmem>> -> memref<2000xf32, #tpu.memory_space<vmem>>
    %dma_wait3A_174 = tpu.memref_slice %arg4[%multiple_of3A_168] : memref<12812288xf32, #tpu.memory_space<hbm>> -> memref<2000xf32, #tpu.memory_space<hbm>>
    %dma_wait3A_175 = tpu.memref_slice %arg4[%multiple_of3A_168] : memref<12812288xf32, #tpu.memory_space<hbm>> -> memref<2000xf32, #tpu.memory_space<hbm>>
    %dma_wait3A_176 = arith.constant 0 : i32
    %dma_wait3A_177 = tpu.memref_slice %arg7[%dma_wait3A_169, %dma_wait3A_170, %dma_wait3A_176] : memref<2x4x2000xf32, #tpu.memory_space<vmem>> -> memref<1x1x2000xf32, #tpu.memory_space<vmem>>
    %dma_wait3A_178 = tpu.memref_squeeze %dma_wait3A_177 : memref<1x1x2000xf32, #tpu.memory_space<vmem>> -> memref<2000xf32, #tpu.memory_space<vmem>>
    tpu.wait_dma2 semaphore(%arg11 : memref<!tpu.dma_semaphore, #tpu.memory_space<semaphore_mem>>) src(%dma_wait3A_178 : memref<2000xf32, #tpu.memory_space<vmem>>) dst(%dma_wait3A_175 : memref<2000xf32, #tpu.memory_space<hbm>>)
    return
  }
}

module attributes {stable_mosaic.version = 14 : i64} {
  func.func @_retile_body(%arg0: i32, %arg1: memref<12812288xf32, #tpu.memory_space<any>>, %arg2: memref<1x8x100096xf32, #tpu.memory_space<vmem>>, %arg3: memref<8x!tpu.dma_semaphore, #tpu.memory_space<semaphore_mem>>) attributes {dimension_semantics = [#tpu.dimension_semantics<arbitrary>], iteration_bounds = array<i64: 16>, scalar_prefetch = 0 : i64, scratch_operands = 1 : i64, tpu.core_type = #tpu.core_type<tc>, window_params = [{}, {transform_indices = @transform_1, window_bounds = array<i64: 1, 8, 100096>}]} {
    %mul3A = arith.constant 8 : i32
    %mul3A_0 = arith.muli %mul3A, %arg0 : i32
    %add3A = arith.constant 0 : i32
    %add3A_1 = arith.addi %mul3A_0, %add3A : i32
    %mul3A_2 = arith.constant 100096 : i32
    %mul3A_3 = arith.muli %add3A_1, %mul3A_2 : i32
    %multiple_of3A = tpu.assume_multiple %mul3A_3, 128 : i32
    %dma_start3A = arith.constant 0 : i32
    %dma_start3A_4 = arith.constant 0 : i32
    %dma_start3A_5 = arith.constant 0 : i32
    %dma_start3A_6 = tpu.memref_slice %arg3[%dma_start3A_5] : memref<8x!tpu.dma_semaphore, #tpu.memory_space<semaphore_mem>> -> memref<1x!tpu.dma_semaphore, #tpu.memory_space<semaphore_mem>>
    %dma_start3A_7 = tpu.memref_squeeze %dma_start3A_6 : memref<1x!tpu.dma_semaphore, #tpu.memory_space<semaphore_mem>> -> memref<!tpu.dma_semaphore, #tpu.memory_space<semaphore_mem>>
    %dma_start3A_8 = arith.constant 0 : i32
    %dma_start3A_9 = tpu.memref_slice %arg2[%dma_start3A, %dma_start3A_4, %dma_start3A_8] : memref<1x8x100096xf32, #tpu.memory_space<vmem>> -> memref<1x1x100096xf32, #tpu.memory_space<vmem>>
    %dma_start3A_10 = tpu.memref_squeeze %dma_start3A_9 : memref<1x1x100096xf32, #tpu.memory_space<vmem>> -> memref<100096xf32, #tpu.memory_space<vmem>>
    %dma_start3A_11 = tpu.memref_slice %arg1[%multiple_of3A] : memref<12812288xf32, #tpu.memory_space<any>> -> memref<100096xf32, #tpu.memory_space<any>>
    tpu.enqueue_dma source(%dma_start3A_11 : memref<100096xf32, #tpu.memory_space<any>>) target(%dma_start3A_10 : memref<100096xf32, #tpu.memory_space<vmem>>) target_semaphore(%dma_start3A_7 : memref<!tpu.dma_semaphore, #tpu.memory_space<semaphore_mem>>)
    %mul3A_12 = arith.constant 8 : i32
    %mul3A_13 = arith.muli %mul3A_12, %arg0 : i32
    %add3A_14 = arith.constant 1 : i32
    %add3A_15 = arith.addi %mul3A_13, %add3A_14 : i32
    %mul3A_16 = arith.constant 100096 : i32
    %mul3A_17 = arith.muli %add3A_15, %mul3A_16 : i32
    %multiple_of3A_18 = tpu.assume_multiple %mul3A_17, 128 : i32
    %dma_start3A_19 = arith.constant 0 : i32
    %dma_start3A_20 = arith.constant 1 : i32
    %dma_start3A_21 = arith.constant 1 : i32
    %dma_start3A_22 = tpu.memref_slice %arg3[%dma_start3A_21] : memref<8x!tpu.dma_semaphore, #tpu.memory_space<semaphore_mem>> -> memref<1x!tpu.dma_semaphore, #tpu.memory_space<semaphore_mem>>
    %dma_start3A_23 = tpu.memref_squeeze %dma_start3A_22 : memref<1x!tpu.dma_semaphore, #tpu.memory_space<semaphore_mem>> -> memref<!tpu.dma_semaphore, #tpu.memory_space<semaphore_mem>>
    %dma_start3A_24 = arith.constant 0 : i32
    %dma_start3A_25 = tpu.memref_slice %arg2[%dma_start3A_19, %dma_start3A_20, %dma_start3A_24] : memref<1x8x100096xf32, #tpu.memory_space<vmem>> -> memref<1x1x100096xf32, #tpu.memory_space<vmem>>
    %dma_start3A_26 = tpu.memref_squeeze %dma_start3A_25 : memref<1x1x100096xf32, #tpu.memory_space<vmem>> -> memref<100096xf32, #tpu.memory_space<vmem>>
    %dma_start3A_27 = tpu.memref_slice %arg1[%multiple_of3A_18] : memref<12812288xf32, #tpu.memory_space<any>> -> memref<100096xf32, #tpu.memory_space<any>>
    tpu.enqueue_dma source(%dma_start3A_27 : memref<100096xf32, #tpu.memory_space<any>>) target(%dma_start3A_26 : memref<100096xf32, #tpu.memory_space<vmem>>) target_semaphore(%dma_start3A_23 : memref<!tpu.dma_semaphore, #tpu.memory_space<semaphore_mem>>)
    %mul3A_28 = arith.constant 8 : i32
    %mul3A_29 = arith.muli %mul3A_28, %arg0 : i32
    %add3A_30 = arith.constant 2 : i32
    %add3A_31 = arith.addi %mul3A_29, %add3A_30 : i32
    %mul3A_32 = arith.constant 100096 : i32
    %mul3A_33 = arith.muli %add3A_31, %mul3A_32 : i32
    %multiple_of3A_34 = tpu.assume_multiple %mul3A_33, 128 : i32
    %dma_start3A_35 = arith.constant 0 : i32
    %dma_start3A_36 = arith.constant 2 : i32
    %dma_start3A_37 = arith.constant 2 : i32
    %dma_start3A_38 = tpu.memref_slice %arg3[%dma_start3A_37] : memref<8x!tpu.dma_semaphore, #tpu.memory_space<semaphore_mem>> -> memref<1x!tpu.dma_semaphore, #tpu.memory_space<semaphore_mem>>
    %dma_start3A_39 = tpu.memref_squeeze %dma_start3A_38 : memref<1x!tpu.dma_semaphore, #tpu.memory_space<semaphore_mem>> -> memref<!tpu.dma_semaphore, #tpu.memory_space<semaphore_mem>>
    %dma_start3A_40 = arith.constant 0 : i32
    %dma_start3A_41 = tpu.memref_slice %arg2[%dma_start3A_35, %dma_start3A_36, %dma_start3A_40] : memref<1x8x100096xf32, #tpu.memory_space<vmem>> -> memref<1x1x100096xf32, #tpu.memory_space<vmem>>
    %dma_start3A_42 = tpu.memref_squeeze %dma_start3A_41 : memref<1x1x100096xf32, #tpu.memory_space<vmem>> -> memref<100096xf32, #tpu.memory_space<vmem>>
    %dma_start3A_43 = tpu.memref_slice %arg1[%multiple_of3A_34] : memref<12812288xf32, #tpu.memory_space<any>> -> memref<100096xf32, #tpu.memory_space<any>>
    tpu.enqueue_dma source(%dma_start3A_43 : memref<100096xf32, #tpu.memory_space<any>>) target(%dma_start3A_42 : memref<100096xf32, #tpu.memory_space<vmem>>) target_semaphore(%dma_start3A_39 : memref<!tpu.dma_semaphore, #tpu.memory_space<semaphore_mem>>)
    %mul3A_44 = arith.constant 8 : i32
    %mul3A_45 = arith.muli %mul3A_44, %arg0 : i32
    %add3A_46 = arith.constant 3 : i32
    %add3A_47 = arith.addi %mul3A_45, %add3A_46 : i32
    %mul3A_48 = arith.constant 100096 : i32
    %mul3A_49 = arith.muli %add3A_47, %mul3A_48 : i32
    %multiple_of3A_50 = tpu.assume_multiple %mul3A_49, 128 : i32
    %dma_start3A_51 = arith.constant 0 : i32
    %dma_start3A_52 = arith.constant 3 : i32
    %dma_start3A_53 = arith.constant 3 : i32
    %dma_start3A_54 = tpu.memref_slice %arg3[%dma_start3A_53] : memref<8x!tpu.dma_semaphore, #tpu.memory_space<semaphore_mem>> -> memref<1x!tpu.dma_semaphore, #tpu.memory_space<semaphore_mem>>
    %dma_start3A_55 = tpu.memref_squeeze %dma_start3A_54 : memref<1x!tpu.dma_semaphore, #tpu.memory_space<semaphore_mem>> -> memref<!tpu.dma_semaphore, #tpu.memory_space<semaphore_mem>>
    %dma_start3A_56 = arith.constant 0 : i32
    %dma_start3A_57 = tpu.memref_slice %arg2[%dma_start3A_51, %dma_start3A_52, %dma_start3A_56] : memref<1x8x100096xf32, #tpu.memory_space<vmem>> -> memref<1x1x100096xf32, #tpu.memory_space<vmem>>
    %dma_start3A_58 = tpu.memref_squeeze %dma_start3A_57 : memref<1x1x100096xf32, #tpu.memory_space<vmem>> -> memref<100096xf32, #tpu.memory_space<vmem>>
    %dma_start3A_59 = tpu.memref_slice %arg1[%multiple_of3A_50] : memref<12812288xf32, #tpu.memory_space<any>> -> memref<100096xf32, #tpu.memory_space<any>>
    tpu.enqueue_dma source(%dma_start3A_59 : memref<100096xf32, #tpu.memory_space<any>>) target(%dma_start3A_58 : memref<100096xf32, #tpu.memory_space<vmem>>) target_semaphore(%dma_start3A_55 : memref<!tpu.dma_semaphore, #tpu.memory_space<semaphore_mem>>)
    %mul3A_60 = arith.constant 8 : i32
    %mul3A_61 = arith.muli %mul3A_60, %arg0 : i32
    %add3A_62 = arith.constant 4 : i32
    %add3A_63 = arith.addi %mul3A_61, %add3A_62 : i32
    %mul3A_64 = arith.constant 100096 : i32
    %mul3A_65 = arith.muli %add3A_63, %mul3A_64 : i32
    %multiple_of3A_66 = tpu.assume_multiple %mul3A_65, 128 : i32
    %dma_start3A_67 = arith.constant 0 : i32
    %dma_start3A_68 = arith.constant 4 : i32
    %dma_start3A_69 = arith.constant 4 : i32
    %dma_start3A_70 = tpu.memref_slice %arg3[%dma_start3A_69] : memref<8x!tpu.dma_semaphore, #tpu.memory_space<semaphore_mem>> -> memref<1x!tpu.dma_semaphore, #tpu.memory_space<semaphore_mem>>
    %dma_start3A_71 = tpu.memref_squeeze %dma_start3A_70 : memref<1x!tpu.dma_semaphore, #tpu.memory_space<semaphore_mem>> -> memref<!tpu.dma_semaphore, #tpu.memory_space<semaphore_mem>>
    %dma_start3A_72 = arith.constant 0 : i32
    %dma_start3A_73 = tpu.memref_slice %arg2[%dma_start3A_67, %dma_start3A_68, %dma_start3A_72] : memref<1x8x100096xf32, #tpu.memory_space<vmem>> -> memref<1x1x100096xf32, #tpu.memory_space<vmem>>
    %dma_start3A_74 = tpu.memref_squeeze %dma_start3A_73 : memref<1x1x100096xf32, #tpu.memory_space<vmem>> -> memref<100096xf32, #tpu.memory_space<vmem>>
    %dma_start3A_75 = tpu.memref_slice %arg1[%multiple_of3A_66] : memref<12812288xf32, #tpu.memory_space<any>> -> memref<100096xf32, #tpu.memory_space<any>>
    tpu.enqueue_dma source(%dma_start3A_75 : memref<100096xf32, #tpu.memory_space<any>>) target(%dma_start3A_74 : memref<100096xf32, #tpu.memory_space<vmem>>) target_semaphore(%dma_start3A_71 : memref<!tpu.dma_semaphore, #tpu.memory_space<semaphore_mem>>)
    %mul3A_76 = arith.constant 8 : i32
    %mul3A_77 = arith.muli %mul3A_76, %arg0 : i32
    %add3A_78 = arith.constant 5 : i32
    %add3A_79 = arith.addi %mul3A_77, %add3A_78 : i32
    %mul3A_80 = arith.constant 100096 : i32
    %mul3A_81 = arith.muli %add3A_79, %mul3A_80 : i32
    %multiple_of3A_82 = tpu.assume_multiple %mul3A_81, 128 : i32
    %dma_start3A_83 = arith.constant 0 : i32
    %dma_start3A_84 = arith.constant 5 : i32
    %dma_start3A_85 = arith.constant 5 : i32
    %dma_start3A_86 = tpu.memref_slice %arg3[%dma_start3A_85] : memref<8x!tpu.dma_semaphore, #tpu.memory_space<semaphore_mem>> -> memref<1x!tpu.dma_semaphore, #tpu.memory_space<semaphore_mem>>
    %dma_start3A_87 = tpu.memref_squeeze %dma_start3A_86 : memref<1x!tpu.dma_semaphore, #tpu.memory_space<semaphore_mem>> -> memref<!tpu.dma_semaphore, #tpu.memory_space<semaphore_mem>>
    %dma_start3A_88 = arith.constant 0 : i32
    %dma_start3A_89 = tpu.memref_slice %arg2[%dma_start3A_83, %dma_start3A_84, %dma_start3A_88] : memref<1x8x100096xf32, #tpu.memory_space<vmem>> -> memref<1x1x100096xf32, #tpu.memory_space<vmem>>
    %dma_start3A_90 = tpu.memref_squeeze %dma_start3A_89 : memref<1x1x100096xf32, #tpu.memory_space<vmem>> -> memref<100096xf32, #tpu.memory_space<vmem>>
    %dma_start3A_91 = tpu.memref_slice %arg1[%multiple_of3A_82] : memref<12812288xf32, #tpu.memory_space<any>> -> memref<100096xf32, #tpu.memory_space<any>>
    tpu.enqueue_dma source(%dma_start3A_91 : memref<100096xf32, #tpu.memory_space<any>>) target(%dma_start3A_90 : memref<100096xf32, #tpu.memory_space<vmem>>) target_semaphore(%dma_start3A_87 : memref<!tpu.dma_semaphore, #tpu.memory_space<semaphore_mem>>)
    %mul3A_92 = arith.constant 8 : i32
    %mul3A_93 = arith.muli %mul3A_92, %arg0 : i32
    %add3A_94 = arith.constant 6 : i32
    %add3A_95 = arith.addi %mul3A_93, %add3A_94 : i32
    %mul3A_96 = arith.constant 100096 : i32
    %mul3A_97 = arith.muli %add3A_95, %mul3A_96 : i32
    %multiple_of3A_98 = tpu.assume_multiple %mul3A_97, 128 : i32
    %dma_start3A_99 = arith.constant 0 : i32
    %dma_start3A_100 = arith.constant 6 : i32
    %dma_start3A_101 = arith.constant 6 : i32
    %dma_start3A_102 = tpu.memref_slice %arg3[%dma_start3A_101] : memref<8x!tpu.dma_semaphore, #tpu.memory_space<semaphore_mem>> -> memref<1x!tpu.dma_semaphore, #tpu.memory_space<semaphore_mem>>
    %dma_start3A_103 = tpu.memref_squeeze %dma_start3A_102 : memref<1x!tpu.dma_semaphore, #tpu.memory_space<semaphore_mem>> -> memref<!tpu.dma_semaphore, #tpu.memory_space<semaphore_mem>>
    %dma_start3A_104 = arith.constant 0 : i32
    %dma_start3A_105 = tpu.memref_slice %arg2[%dma_start3A_99, %dma_start3A_100, %dma_start3A_104] : memref<1x8x100096xf32, #tpu.memory_space<vmem>> -> memref<1x1x100096xf32, #tpu.memory_space<vmem>>
    %dma_start3A_106 = tpu.memref_squeeze %dma_start3A_105 : memref<1x1x100096xf32, #tpu.memory_space<vmem>> -> memref<100096xf32, #tpu.memory_space<vmem>>
    %dma_start3A_107 = tpu.memref_slice %arg1[%multiple_of3A_98] : memref<12812288xf32, #tpu.memory_space<any>> -> memref<100096xf32, #tpu.memory_space<any>>
    tpu.enqueue_dma source(%dma_start3A_107 : memref<100096xf32, #tpu.memory_space<any>>) target(%dma_start3A_106 : memref<100096xf32, #tpu.memory_space<vmem>>) target_semaphore(%dma_start3A_103 : memref<!tpu.dma_semaphore, #tpu.memory_space<semaphore_mem>>)
    %mul3A_108 = arith.constant 8 : i32
    %mul3A_109 = arith.muli %mul3A_108, %arg0 : i32
    %add3A_110 = arith.constant 7 : i32
    %add3A_111 = arith.addi %mul3A_109, %add3A_110 : i32
    %mul3A_112 = arith.constant 100096 : i32
    %mul3A_113 = arith.muli %add3A_111, %mul3A_112 : i32
    %multiple_of3A_114 = tpu.assume_multiple %mul3A_113, 128 : i32
    %dma_start3A_115 = arith.constant 0 : i32
    %dma_start3A_116 = arith.constant 7 : i32
    %dma_start3A_117 = arith.constant 7 : i32
    %dma_start3A_118 = tpu.memref_slice %arg3[%dma_start3A_117] : memref<8x!tpu.dma_semaphore, #tpu.memory_space<semaphore_mem>> -> memref<1x!tpu.dma_semaphore, #tpu.memory_space<semaphore_mem>>
    %dma_start3A_119 = tpu.memref_squeeze %dma_start3A_118 : memref<1x!tpu.dma_semaphore, #tpu.memory_space<semaphore_mem>> -> memref<!tpu.dma_semaphore, #tpu.memory_space<semaphore_mem>>
    %dma_start3A_120 = arith.constant 0 : i32
    %dma_start3A_121 = tpu.memref_slice %arg2[%dma_start3A_115, %dma_start3A_116, %dma_start3A_120] : memref<1x8x100096xf32, #tpu.memory_space<vmem>> -> memref<1x1x100096xf32, #tpu.memory_space<vmem>>
    %dma_start3A_122 = tpu.memref_squeeze %dma_start3A_121 : memref<1x1x100096xf32, #tpu.memory_space<vmem>> -> memref<100096xf32, #tpu.memory_space<vmem>>
    %dma_start3A_123 = tpu.memref_slice %arg1[%multiple_of3A_114] : memref<12812288xf32, #tpu.memory_space<any>> -> memref<100096xf32, #tpu.memory_space<any>>
    tpu.enqueue_dma source(%dma_start3A_123 : memref<100096xf32, #tpu.memory_space<any>>) target(%dma_start3A_122 : memref<100096xf32, #tpu.memory_space<vmem>>) target_semaphore(%dma_start3A_119 : memref<!tpu.dma_semaphore, #tpu.memory_space<semaphore_mem>>)
    %dma_wait3A = arith.constant 0 : i32
    %dma_wait3A_124 = arith.constant 0 : i32
    %dma_wait3A_125 = arith.constant 0 : i32
    %dma_wait3A_126 = tpu.memref_slice %arg3[%dma_wait3A_125] : memref<8x!tpu.dma_semaphore, #tpu.memory_space<semaphore_mem>> -> memref<1x!tpu.dma_semaphore, #tpu.memory_space<semaphore_mem>>
    %dma_wait3A_127 = tpu.memref_squeeze %dma_wait3A_126 : memref<1x!tpu.dma_semaphore, #tpu.memory_space<semaphore_mem>> -> memref<!tpu.dma_semaphore, #tpu.memory_space<semaphore_mem>>
    %dma_wait3A_128 = arith.constant 0 : i32
    %dma_wait3A_129 = tpu.memref_slice %arg2[%dma_wait3A, %dma_wait3A_124, %dma_wait3A_128] : memref<1x8x100096xf32, #tpu.memory_space<vmem>> -> memref<1x1x100096xf32, #tpu.memory_space<vmem>>
    %dma_wait3A_130 = tpu.memref_squeeze %dma_wait3A_129 : memref<1x1x100096xf32, #tpu.memory_space<vmem>> -> memref<100096xf32, #tpu.memory_space<vmem>>
    %dma_wait3A_131 = arith.constant 0 : i32
    %dma_wait3A_132 = tpu.memref_slice %arg1[%dma_wait3A_131] : memref<12812288xf32, #tpu.memory_space<any>> -> memref<100096xf32, #tpu.memory_space<any>>
    tpu.wait_dma2 semaphore(%dma_wait3A_127 : memref<!tpu.dma_semaphore, #tpu.memory_space<semaphore_mem>>) src(%dma_wait3A_132 : memref<100096xf32, #tpu.memory_space<any>>) dst(%dma_wait3A_130 : memref<100096xf32, #tpu.memory_space<vmem>>)
    %dma_wait3A_133 = arith.constant 0 : i32
    %dma_wait3A_134 = arith.constant 1 : i32
    %dma_wait3A_135 = arith.constant 1 : i32
    %dma_wait3A_136 = tpu.memref_slice %arg3[%dma_wait3A_135] : memref<8x!tpu.dma_semaphore, #tpu.memory_space<semaphore_mem>> -> memref<1x!tpu.dma_semaphore, #tpu.memory_space<semaphore_mem>>
    %dma_wait3A_137 = tpu.memref_squeeze %dma_wait3A_136 : memref<1x!tpu.dma_semaphore, #tpu.memory_space<semaphore_mem>> -> memref<!tpu.dma_semaphore, #tpu.memory_space<semaphore_mem>>
    %dma_wait3A_138 = arith.constant 0 : i32
    %dma_wait3A_139 = tpu.memref_slice %arg2[%dma_wait3A_133, %dma_wait3A_134, %dma_wait3A_138] : memref<1x8x100096xf32, #tpu.memory_space<vmem>> -> memref<1x1x100096xf32, #tpu.memory_space<vmem>>
    %dma_wait3A_140 = tpu.memref_squeeze %dma_wait3A_139 : memref<1x1x100096xf32, #tpu.memory_space<vmem>> -> memref<100096xf32, #tpu.memory_space<vmem>>
    %dma_wait3A_141 = arith.constant 0 : i32
    %dma_wait3A_142 = tpu.memref_slice %arg1[%dma_wait3A_141] : memref<12812288xf32, #tpu.memory_space<any>> -> memref<100096xf32, #tpu.memory_space<any>>
    tpu.wait_dma2 semaphore(%dma_wait3A_137 : memref<!tpu.dma_semaphore, #tpu.memory_space<semaphore_mem>>) src(%dma_wait3A_142 : memref<100096xf32, #tpu.memory_space<any>>) dst(%dma_wait3A_140 : memref<100096xf32, #tpu.memory_space<vmem>>)
    %dma_wait3A_143 = arith.constant 0 : i32
    %dma_wait3A_144 = arith.constant 2 : i32
    %dma_wait3A_145 = arith.constant 2 : i32
    %dma_wait3A_146 = tpu.memref_slice %arg3[%dma_wait3A_145] : memref<8x!tpu.dma_semaphore, #tpu.memory_space<semaphore_mem>> -> memref<1x!tpu.dma_semaphore, #tpu.memory_space<semaphore_mem>>
    %dma_wait3A_147 = tpu.memref_squeeze %dma_wait3A_146 : memref<1x!tpu.dma_semaphore, #tpu.memory_space<semaphore_mem>> -> memref<!tpu.dma_semaphore, #tpu.memory_space<semaphore_mem>>
    %dma_wait3A_148 = arith.constant 0 : i32
    %dma_wait3A_149 = tpu.memref_slice %arg2[%dma_wait3A_143, %dma_wait3A_144, %dma_wait3A_148] : memref<1x8x100096xf32, #tpu.memory_space<vmem>> -> memref<1x1x100096xf32, #tpu.memory_space<vmem>>
    %dma_wait3A_150 = tpu.memref_squeeze %dma_wait3A_149 : memref<1x1x100096xf32, #tpu.memory_space<vmem>> -> memref<100096xf32, #tpu.memory_space<vmem>>
    %dma_wait3A_151 = arith.constant 0 : i32
    %dma_wait3A_152 = tpu.memref_slice %arg1[%dma_wait3A_151] : memref<12812288xf32, #tpu.memory_space<any>> -> memref<100096xf32, #tpu.memory_space<any>>
    tpu.wait_dma2 semaphore(%dma_wait3A_147 : memref<!tpu.dma_semaphore, #tpu.memory_space<semaphore_mem>>) src(%dma_wait3A_152 : memref<100096xf32, #tpu.memory_space<any>>) dst(%dma_wait3A_150 : memref<100096xf32, #tpu.memory_space<vmem>>)
    %dma_wait3A_153 = arith.constant 0 : i32
    %dma_wait3A_154 = arith.constant 3 : i32
    %dma_wait3A_155 = arith.constant 3 : i32
    %dma_wait3A_156 = tpu.memref_slice %arg3[%dma_wait3A_155] : memref<8x!tpu.dma_semaphore, #tpu.memory_space<semaphore_mem>> -> memref<1x!tpu.dma_semaphore, #tpu.memory_space<semaphore_mem>>
    %dma_wait3A_157 = tpu.memref_squeeze %dma_wait3A_156 : memref<1x!tpu.dma_semaphore, #tpu.memory_space<semaphore_mem>> -> memref<!tpu.dma_semaphore, #tpu.memory_space<semaphore_mem>>
    %dma_wait3A_158 = arith.constant 0 : i32
    %dma_wait3A_159 = tpu.memref_slice %arg2[%dma_wait3A_153, %dma_wait3A_154, %dma_wait3A_158] : memref<1x8x100096xf32, #tpu.memory_space<vmem>> -> memref<1x1x100096xf32, #tpu.memory_space<vmem>>
    %dma_wait3A_160 = tpu.memref_squeeze %dma_wait3A_159 : memref<1x1x100096xf32, #tpu.memory_space<vmem>> -> memref<100096xf32, #tpu.memory_space<vmem>>
    %dma_wait3A_161 = arith.constant 0 : i32
    %dma_wait3A_162 = tpu.memref_slice %arg1[%dma_wait3A_161] : memref<12812288xf32, #tpu.memory_space<any>> -> memref<100096xf32, #tpu.memory_space<any>>
    tpu.wait_dma2 semaphore(%dma_wait3A_157 : memref<!tpu.dma_semaphore, #tpu.memory_space<semaphore_mem>>) src(%dma_wait3A_162 : memref<100096xf32, #tpu.memory_space<any>>) dst(%dma_wait3A_160 : memref<100096xf32, #tpu.memory_space<vmem>>)
    %dma_wait3A_163 = arith.constant 0 : i32
    %dma_wait3A_164 = arith.constant 4 : i32
    %dma_wait3A_165 = arith.constant 4 : i32
    %dma_wait3A_166 = tpu.memref_slice %arg3[%dma_wait3A_165] : memref<8x!tpu.dma_semaphore, #tpu.memory_space<semaphore_mem>> -> memref<1x!tpu.dma_semaphore, #tpu.memory_space<semaphore_mem>>
    %dma_wait3A_167 = tpu.memref_squeeze %dma_wait3A_166 : memref<1x!tpu.dma_semaphore, #tpu.memory_space<semaphore_mem>> -> memref<!tpu.dma_semaphore, #tpu.memory_space<semaphore_mem>>
    %dma_wait3A_168 = arith.constant 0 : i32
    %dma_wait3A_169 = tpu.memref_slice %arg2[%dma_wait3A_163, %dma_wait3A_164, %dma_wait3A_168] : memref<1x8x100096xf32, #tpu.memory_space<vmem>> -> memref<1x1x100096xf32, #tpu.memory_space<vmem>>
    %dma_wait3A_170 = tpu.memref_squeeze %dma_wait3A_169 : memref<1x1x100096xf32, #tpu.memory_space<vmem>> -> memref<100096xf32, #tpu.memory_space<vmem>>
    %dma_wait3A_171 = arith.constant 0 : i32
    %dma_wait3A_172 = tpu.memref_slice %arg1[%dma_wait3A_171] : memref<12812288xf32, #tpu.memory_space<any>> -> memref<100096xf32, #tpu.memory_space<any>>
    tpu.wait_dma2 semaphore(%dma_wait3A_167 : memref<!tpu.dma_semaphore, #tpu.memory_space<semaphore_mem>>) src(%dma_wait3A_172 : memref<100096xf32, #tpu.memory_space<any>>) dst(%dma_wait3A_170 : memref<100096xf32, #tpu.memory_space<vmem>>)
    %dma_wait3A_173 = arith.constant 0 : i32
    %dma_wait3A_174 = arith.constant 5 : i32
    %dma_wait3A_175 = arith.constant 5 : i32
    %dma_wait3A_176 = tpu.memref_slice %arg3[%dma_wait3A_175] : memref<8x!tpu.dma_semaphore, #tpu.memory_space<semaphore_mem>> -> memref<1x!tpu.dma_semaphore, #tpu.memory_space<semaphore_mem>>
    %dma_wait3A_177 = tpu.memref_squeeze %dma_wait3A_176 : memref<1x!tpu.dma_semaphore, #tpu.memory_space<semaphore_mem>> -> memref<!tpu.dma_semaphore, #tpu.memory_space<semaphore_mem>>
    %dma_wait3A_178 = arith.constant 0 : i32
    %dma_wait3A_179 = tpu.memref_slice %arg2[%dma_wait3A_173, %dma_wait3A_174, %dma_wait3A_178] : memref<1x8x100096xf32, #tpu.memory_space<vmem>> -> memref<1x1x100096xf32, #tpu.memory_space<vmem>>
    %dma_wait3A_180 = tpu.memref_squeeze %dma_wait3A_179 : memref<1x1x100096xf32, #tpu.memory_space<vmem>> -> memref<100096xf32, #tpu.memory_space<vmem>>
    %dma_wait3A_181 = arith.constant 0 : i32
    %dma_wait3A_182 = tpu.memref_slice %arg1[%dma_wait3A_181] : memref<12812288xf32, #tpu.memory_space<any>> -> memref<100096xf32, #tpu.memory_space<any>>
    tpu.wait_dma2 semaphore(%dma_wait3A_177 : memref<!tpu.dma_semaphore, #tpu.memory_space<semaphore_mem>>) src(%dma_wait3A_182 : memref<100096xf32, #tpu.memory_space<any>>) dst(%dma_wait3A_180 : memref<100096xf32, #tpu.memory_space<vmem>>)
    %dma_wait3A_183 = arith.constant 0 : i32
    %dma_wait3A_184 = arith.constant 6 : i32
    %dma_wait3A_185 = arith.constant 6 : i32
    %dma_wait3A_186 = tpu.memref_slice %arg3[%dma_wait3A_185] : memref<8x!tpu.dma_semaphore, #tpu.memory_space<semaphore_mem>> -> memref<1x!tpu.dma_semaphore, #tpu.memory_space<semaphore_mem>>
    %dma_wait3A_187 = tpu.memref_squeeze %dma_wait3A_186 : memref<1x!tpu.dma_semaphore, #tpu.memory_space<semaphore_mem>> -> memref<!tpu.dma_semaphore, #tpu.memory_space<semaphore_mem>>
    %dma_wait3A_188 = arith.constant 0 : i32
    %dma_wait3A_189 = tpu.memref_slice %arg2[%dma_wait3A_183, %dma_wait3A_184, %dma_wait3A_188] : memref<1x8x100096xf32, #tpu.memory_space<vmem>> -> memref<1x1x100096xf32, #tpu.memory_space<vmem>>
    %dma_wait3A_190 = tpu.memref_squeeze %dma_wait3A_189 : memref<1x1x100096xf32, #tpu.memory_space<vmem>> -> memref<100096xf32, #tpu.memory_space<vmem>>
    %dma_wait3A_191 = arith.constant 0 : i32
    %dma_wait3A_192 = tpu.memref_slice %arg1[%dma_wait3A_191] : memref<12812288xf32, #tpu.memory_space<any>> -> memref<100096xf32, #tpu.memory_space<any>>
    tpu.wait_dma2 semaphore(%dma_wait3A_187 : memref<!tpu.dma_semaphore, #tpu.memory_space<semaphore_mem>>) src(%dma_wait3A_192 : memref<100096xf32, #tpu.memory_space<any>>) dst(%dma_wait3A_190 : memref<100096xf32, #tpu.memory_space<vmem>>)
    %dma_wait3A_193 = arith.constant 0 : i32
    %dma_wait3A_194 = arith.constant 7 : i32
    %dma_wait3A_195 = arith.constant 7 : i32
    %dma_wait3A_196 = tpu.memref_slice %arg3[%dma_wait3A_195] : memref<8x!tpu.dma_semaphore, #tpu.memory_space<semaphore_mem>> -> memref<1x!tpu.dma_semaphore, #tpu.memory_space<semaphore_mem>>
    %dma_wait3A_197 = tpu.memref_squeeze %dma_wait3A_196 : memref<1x!tpu.dma_semaphore, #tpu.memory_space<semaphore_mem>> -> memref<!tpu.dma_semaphore, #tpu.memory_space<semaphore_mem>>
    %dma_wait3A_198 = arith.constant 0 : i32
    %dma_wait3A_199 = tpu.memref_slice %arg2[%dma_wait3A_193, %dma_wait3A_194, %dma_wait3A_198] : memref<1x8x100096xf32, #tpu.memory_space<vmem>> -> memref<1x1x100096xf32, #tpu.memory_space<vmem>>
    %dma_wait3A_200 = tpu.memref_squeeze %dma_wait3A_199 : memref<1x1x100096xf32, #tpu.memory_space<vmem>> -> memref<100096xf32, #tpu.memory_space<vmem>>
    %dma_wait3A_201 = arith.constant 0 : i32
    %dma_wait3A_202 = tpu.memref_slice %arg1[%dma_wait3A_201] : memref<12812288xf32, #tpu.memory_space<any>> -> memref<100096xf32, #tpu.memory_space<any>>
    tpu.wait_dma2 semaphore(%dma_wait3A_197 : memref<!tpu.dma_semaphore, #tpu.memory_space<semaphore_mem>>) src(%dma_wait3A_202 : memref<100096xf32, #tpu.memory_space<any>>) dst(%dma_wait3A_200 : memref<100096xf32, #tpu.memory_space<vmem>>)
    return
  }
  func.func @transform_1(%arg0: i32) -> (i32, i32, i32) {
    %jit3A = arith.constant 2 : i32
    %div3A = arith.divsi %arg0, %jit3A : i32
    %sign3A = arith.constant 0 : i32
    %sign3A_0 = arith.cmpi sgt, %arg0, %sign3A : i32
    %sign3A_1 = arith.extui %sign3A_0 : i1 to i32
    %sign3A_2 = arith.constant 0 : i32
    %sign3A_3 = arith.cmpi slt, %arg0, %sign3A_2 : i32
    %sign3A_4 = arith.extui %sign3A_3 : i1 to i32
    %sign3A_5 = arith.subi %sign3A_1, %sign3A_4 : i32
    %sign3A_6 = arith.constant 0 : i32
    %sign3A_7 = arith.cmpi sgt, %jit3A, %sign3A_6 : i32
    %sign3A_8 = arith.extui %sign3A_7 : i1 to i32
    %sign3A_9 = arith.constant 0 : i32
    %sign3A_10 = arith.cmpi slt, %jit3A, %sign3A_9 : i32
    %sign3A_11 = arith.extui %sign3A_10 : i1 to i32
    %sign3A_12 = arith.subi %sign3A_8, %sign3A_11 : i32
    %ne3A = arith.cmpi ne, %sign3A_5, %sign3A_12 : i32
    %rem3A = arith.remsi %arg0, %jit3A : i32
    %ne3A_13 = arith.constant 0 : i32
    %ne3A_14 = arith.cmpi ne, %rem3A, %ne3A_13 : i32
    %and3A = arith.andi %ne3A, %ne3A_14 : i1
    %sub3A = arith.constant 1 : i32
    %sub3A_15 = arith.subi %div3A, %sub3A : i32
    %select_n3A = arith.select %and3A, %sub3A_15, %div3A : i32
    %jit3A_16 = arith.constant 2 : i32
    %eq3A = arith.constant 0 : i32
    %eq3A_17 = arith.cmpi eq, %jit3A_16, %eq3A : i32
    %jit3A_18 = arith.constant 1 : i32
    %select_n3A_19 = arith.select %eq3A_17, %jit3A_18, %jit3A_16 : i32
    %rem3A_20 = arith.remsi %arg0, %select_n3A_19 : i32
    %ne3A_21 = arith.constant 0 : i32
    %ne3A_22 = arith.cmpi ne, %rem3A_20, %ne3A_21 : i32
    %lt3A = arith.constant 0 : i32
    %lt3A_23 = arith.cmpi slt, %rem3A_20, %lt3A : i32
    %lt3A_24 = arith.constant 0 : i32
    %lt3A_25 = arith.cmpi slt, %select_n3A_19, %lt3A_24 : i32
    %ne3A_26 = arith.xori %lt3A_23, %lt3A_25 : i1
    %and3A_27 = arith.andi %ne3A_26, %ne3A_22 : i1
    %add3A = arith.addi %rem3A_20, %select_n3A_19 : i32
    %select_n3A_28 = arith.select %and3A_27, %add3A, %rem3A_20 : i32
    %c0_i32 = arith.constant 0 : i32
    %c0_i32_29 = arith.constant 0 : i32
    return %select_n3A, %select_n3A_28, %c0_i32 : i32, i32, i32
  }
}

module attributes {stable_mosaic.version = 14 : i64} {
  func.func @_matmul_body(%arg0: i32, %arg1: memref<128x4096xf32, #tpu.memory_space<vmem>>, %arg2: memref<512x4096xf32, #tpu.memory_space<vmem>>, %arg3: memref<128x512xf32, #tpu.memory_space<vmem>>) attributes {dimension_semantics = [#tpu.dimension_semantics<arbitrary>], iteration_bounds = array<i64: 16>, scalar_prefetch = 0 : i64, scratch_operands = 0 : i64, tpu.core_type = #tpu.core_type<tc>, window_params = [{pipeline_mode = #tpu.pipeline_mode<synchronous>, transform_indices = @transform_0, window_bounds = array<i64: 128, 4096>}, {transform_indices = @transform_1, window_bounds = array<i64: 512, 4096>}, {transform_indices = @transform_2, window_bounds = array<i64: 128, 512>}]} {
    %get3A = arith.constant 0 : index
    %get3A_0 = arith.constant 0 : index
    %get3A_1 = vector.load %arg1[%get3A, %get3A_0] : memref<128x4096xf32, #tpu.memory_space<vmem>>, vector<128x4096xf32>
    %get3A_2 = arith.constant 0 : index
    %get3A_3 = arith.constant 0 : index
    %get3A_4 = vector.load %arg2[%get3A_2, %get3A_3] : memref<512x4096xf32, #tpu.memory_space<vmem>>, vector<512x4096xf32>
    %dot_general3A = arith.constant dense<0.000000e+00> : vector<128x512xf32>
    %dot_general3A_5 = tpu.matmul %get3A_1, %get3A_4, %dot_general3A {dimension_numbers = #tpu.dot_dimension_numbers<[1], [1], [0], [0], [0, 0, 1, 0], [], []>, transpose_lhs_hint = false} : vector<128x4096xf32>, vector<512x4096xf32>, vector<128x512xf32> -> vector<128x512xf32>
    %swap3A = arith.constant 0 : index
    %swap3A_6 = arith.constant 0 : index
    %swap3A_7 = vector.load %arg3[%swap3A, %swap3A_6] : memref<128x512xf32, #tpu.memory_space<vmem>>, vector<128x512xf32>
    tpu.vector_store %arg3[%swap3A, %swap3A_6], %dot_general3A_5 {strides = array<i32>} : memref<128x512xf32, #tpu.memory_space<vmem>>, vector<128x512xf32>,
    return
  }
  func.func @transform_0(%arg0: i32) -> (i32, i32) {
    %c0_i32 = arith.constant 0 : i32
    %c0_i32_0 = arith.constant 0 : i32
    %c0_i32_1 = arith.constant 0 : i32
    return %c0_i32, %c0_i32_0 : i32, i32
  }
  func.func @transform_1(%arg0: i32) -> (i32, i32) {
    %c0_i32 = arith.constant 0 : i32
    %c0_i32_0 = arith.constant 0 : i32
    return %arg0, %c0_i32 : i32, i32
  }
  func.func @transform_2(%arg0: i32) -> (i32, i32) {
    %c0_i32 = arith.constant 0 : i32
    %c0_i32_0 = arith.constant 0 : i32
    return %c0_i32, %arg0 : i32, i32
  }
}

</mosaic_0001>

<sc_bundles>
// kernel: kernel.5.cloned.1.call-start
scs
__scs_entry_jumppad:
0x0: {  	(pc) =	sbr.rel $0x88, $3  }
0x1: {  	(tag) =	ssettag $0x0;
	lr =	simm.s32 $0x1  }
0x2: {  	[smem:$0x3F9E] =	sst lr;
	_ =	strace $0xD0000000  }
0x3: {  	_ = 	snop  }
0x4: {  	_ = 	snop  }
0x5: {  	_ = 	snop  }
0x6: {  	_ = 	snop  }
0x7: {  	_ = 	snop  }
__scs_overlays_trampoline_lowered:
0x8: {  	[smem:$0x3FAD] =	sst s0  }
0x9: {  	[smem:$0x3FAE] =	sst s1  }
0xa: {  	[smem:$0x3FAF] =	sst s2  }
0xb: {  	[smem:$0x3FB0] =	sst s3  }
0xc: {  	[smem:$0x3FB1] =	sst s4  }
0xd: {  	[smem:$0x3FB2] =	sst s5  }
0xe: {  	[smem:$0x3FB3] =	sst s6  }
0xf: {  	[smem:$0x3FB4] =	sst s7  }
0x10: {  	[smem:$0x3FB5] =	sst s8  }
0x11: {  	[smem:$0x3FB6] =	sst s9;
	s0 =	simm.s32 @!p0 $0x0  }
0x12: {  	s1 =	sld [smem:$0x3F9C];
	s0 =	simm.s32 @p0 $0x1  }
0x13: {  	[smem:$0x3FB7] =	sst s0;
	s0 =	simm.s32 @!p1 $0x0  }
0x14: {  	s2 =	sld [smem:$0x3F9B];
	s0 =	simm.s32 @p1 $0x1  }
0x15: {  	[smem:$0x3FB8] =	sst s0;
	s0 =	simm.s32 @!p2 $0x0  }
0x16: {  	s3 =	sld [smem:$0x3FDB];
	s0 =	simm.s32 @p2 $0x1  }
0x17: {  	s4 =	simm.s32 $0x1BF5;
	[smem:$0x3FBA] =	sst s0  }
0x18: {  	s0 =	sld [smem:$0x3F9D];
	_ =	swait.ge [sflag:s4], $0x0  }
0x19: {  	s7 =	sld [smem:$0x3F9E]  }
0x1a: {  	s8 =	sadd.s32 $0xFFFFE003, lr  }
0x1b: {  	s9 =	sadd.s32 $0xFFFFFEF7, lr;
	s5 =	simm.s32 $0xFFFFFFFF;
	p2 =	slt.u32 s8, $0xFFFFF086  }
0x1c: {  	p1 =	slt.u32 s9, $0xF7A;
	s5 =	simm.s32 @!p2 $0x0  }
0x1d: {  	s5 =	simm.s32 @p1 $0x1;
	p0 =	seq.s32 s7, s2  }
0x1e: {  	s7 =	smul.u32 @!p0 $0xF7A, s2;
	p2 =	seq.s32 @!p0 s5, $0x0  }
0x1f: {  	s9 =	smul.u32 $0xF7A, s1;
	s8 =	simm.s32 @!p0 $0x1BF5;
	p2 =	por !p2, p0  }
0x20: {  	[sflag:s8] =	ssyncset.s32 @!p0 $0xFFFFF086;
	s6 =	sadd.s32 @!p0 s3, s7;
	s7 =	simm.s32 @!p0 $0x108  }
0x21: {  	s3 =	sadd.s32 s3, s9;
	s6 =	sadd.s32 @!p0 $0x88, s6;
	s7 =	simm.s32 @p2 $0x1082  }
0x22: {  	[simem:s7], [sflag:s8] =	dma.local @!p0 [hbm:s6], $0xF7A  }
0x23: {  	s9 =	sor.u32 $0xD0000000, s2;
	s6 =	simm.s32 $0x108;
	_ =	swait.ge @!p0 [sflag:s8], $0x0  }
0x24: {  	s3 =	sadd.s32 $0x88, s3;
	s6 =	simm.s32 @!p1 $0x1082;
	[sflag:s4] =	ssyncset.s32 $0xFFFFF086  }
0x25: {  	[simem:s6], [sflag:s4] =	dma.local [hbm:s3], $0xF7A  }
0x26: {  	[smem:$0x3F9E] =	sst s1;
	(tag) =	ssettag s2;
	_ =	strace s9  }
0x27: {  	s1 =	sld [smem:$0x3FAE]  }
0x28: {  	s2 =	sld [smem:$0x3FAF]  }
0x29: {  	s4 =	sld [smem:$0x3FB1]  }
0x2a: {  	p0 =	seq.s32 s5, $0x0;
	s5 =	sld [smem:$0x3FB2]  }
0x2b: {  	s6 =	sld [smem:$0x3FB3]  }
0x2c: {  	s7 =	sld [smem:$0x3FB4]  }
0x2d: {  	s3 =	simm.s32 $0x108;
	s8 =	sld [smem:$0x3FB5]  }
0x2e: {  	s3 =	simm.s32 @!p0 $0x1082;
	s9 =	sld [smem:$0x3FB6]  }
0x2f: {  	lr =	sadd.s32 s0, s3;
	s0 =	sld [smem:$0x3FAD]  }
0x30: {  	s3 =	sld [smem:$0x3FB0]  }
0x31: {  	[smem:$0x3FB9] =	sst s10  }
0x32: {  	s10 =	sld [smem:$0x3FB7];
	_ =	sdelay $0x3  }
0x33: {  	p0 =	seq.s32 s10, $0x1;
	s10 =	sld [smem:$0x3FB9];
	_ =	sdelay $0x3  }
0x34: {  	[smem:$0x3FB9] =	sst s10  }
0x35: {  	s10 =	sld [smem:$0x3FB8];
	_ =	sdelay $0x3  }
0x36: {  	p1 =	seq.s32 s10, $0x1;
	s10 =	sld [smem:$0x3FB9];
	_ =	sdelay $0x3  }
0x37: {  	[smem:$0x3FB9] =	sst s10  }
0x38: {  	s10 =	sld [smem:$0x3FBA]  }
0x39: {  	_ = 	snop;
	(pc) =	sbr.ind lr, $3  }
0x3a: {  	_ = 	snop  }
0x3b: {  	_ = 	snop  }
0x3c: {  	p2 =	seq.s32 s10, $0x1;
	s10 =	sld [smem:$0x3FB9]  }
0x3d: {  	_ =	shalt  }
0x3e: {  	_ =	shalt  }
0x3f: {  	_ =	shalt  }
0x40: {  	_ =	shalt  }
0x41: {  	_ =	shalt  }
0x42: {  	_ =	shalt  }
0x43: {  	_ =	shalt  }
0x44: {  	_ =	shalt  }
0x45: {  	_ =	shalt  }
0x46: {  	_ =	shalt  }
0x47: {  	_ =	shalt  }
0x48: {  	_ =	shalt  }
0x49: {  	_ =	shalt  }
0x4a: {  	_ =	shalt  }
0x4b: {  	_ =	shalt  }
0x4c: {  	_ =	shalt  }
0x4d: {  	_ =	shalt  }
0x4e: {  	_ =	shalt  }
0x4f: {  	_ =	shalt  }
0x50: {  	_ =	shalt  }
0x51: {  	_ =	shalt  }
0x52: {  	_ =	shalt  }
0x53: {  	_ =	shalt  }
0x54: {  	_ =	shalt  }
0x55: {  	_ =	shalt  }
0x56: {  	_ =	shalt  }
0x57: {  	_ =	shalt  }
0x58: {  	_ =	shalt  }
0x59: {  	_ =	shalt  }
0x5a: {  	_ =	shalt  }
0x5b: {  	_ =	shalt  }
0x5c: {  	_ =	shalt  }
0x5d: {  	_ =	shalt  }
0x5e: {  	_ =	shalt  }
0x5f: {  	_ =	shalt  }
0x60: {  	_ =	shalt  }
0x61: {  	_ =	shalt  }
0x62: {  	_ =	shalt  }
0x63: {  	_ =	shalt  }
0x64: {  	_ =	shalt  }
0x65: {  	_ =	shalt  }
0x66: {  	_ =	shalt  }
0x67: {  	_ =	shalt  }
0x68: {  	_ =	shalt  }
0x69: {  	_ =	shalt  }
0x6a: {  	_ =	shalt  }
0x6b: {  	_ =	shalt  }
0x6c: {  	_ =	shalt  }
0x6d: {  	_ =	shalt  }
0x6e: {  	_ =	shalt  }
0x6f: {  	_ =	shalt  }
0x70: {  	_ =	shalt  }
0x71: {  	_ =	shalt  }
0x72: {  	_ =	shalt  }
0x73: {  	_ =	shalt  }
0x74: {  	_ =	shalt  }
0x75: {  	_ =	shalt  }
0x76: {  	_ =	shalt  }
0x77: {  	_ =	shalt  }
0x78: {  	_ =	shalt  }
0x79: {  	_ =	shalt  }
0x7a: {  	_ =	shalt  }
0x7b: {  	_ =	shalt  }
0x7c: {  	_ =	shalt  }
0x7d: {  	_ =	shalt  }
0x7e: {  	_ =	shalt  }
0x7f: {  	_ =	shalt  }
0x80: {  	_ =	shalt  }
0x81: {  	_ =	shalt  }
0x82: {  	_ =	shalt  }
0x83: {  	_ =	shalt  }
0x84: {  	_ =	shalt  }
0x85: {  	_ =	shalt  }
0x86: {  	_ =	shalt  }
0x87: {  	_ =	shalt  }
.Lfunc_end0:
.L_simem_size_0:
called_computation_lowered:
.L_overlay_start_0:
0x88: {  	s2 =	sld [smem:$0x3FD9]  }
0x89: {  	s3 =	sld [smem:$0x3FFE];
	_ =	sdelay $0x1  }
0x8a: {  	s1 =	srdreg.scid  }
0x8b: {  	s0 =	sand.u32 $0x1, s1  }
0x8c: {  	s17 =	sshll.u32 s0, $0xA;
	s2 =	sadd.s32 s3, s2  }
0x8d: {  	s2 =	sadd.s32 s2, s17  }
0x8e: {  	[smem:$0x3FC5] =	sst s2  }
0x8f: {  	_ = 	snop  }
0x90: {  	s2 =	sld [smem:$0x3FC7]  }
0x91: {  	s18 =	sld [smem:$0x3FD0];
	(tm) =	ssettm $0x1  }
0x92: {  	s4 =	sld [smem:$0x3FFB];
	_ =	sdelay $0x3  }
0x93: {  	_ =	strace s4  }
0x94: {  	s4 =	sld [smem:$0x3FFC];
	_ =	sdelay $0x3  }
0x95: {  	_ =	strace s4  }
0x96: {  	s4 =	sld [smem:$0x3FFD];
	_ =	sdelay $0x3  }
0x97: {  	_ =	strace s4  }
0x98: {  	_ =	strace $0x8FFFFFFF  }
0x99: {  	s19 =	sld [smem:$0x3FDB];
	_ =	sdelay $0x1  }
0x9a: {  	s5 =	simm.s32 $_scs_section_size  }
0x9b: {  	s6 =	simm.s32 $_size__tile_overlayer_lowered;
	s7 =	simm.s32 $_tile_overlayer_lowered  }
0x9c: {  	s22 =	simm.s32 $0x1BFF;
	s21 =	sshll.u32 s7, $0x1;
	s4 =	sadd.s32 s5, s19  }
0x9d: {  	s8 =	simm.s32 $0x0;
	s20 =	sshll.u32 s6, $0x1;
	s6 =	sadd.s32 s21, s4  }
0x9e: {  	[timem:s8], [sflag:s22] =	dma.local [hbm:s6], s20  }
0x9f: {  	_ =	swait.ge [sflag:s22], s20  }
0xa0: {  	s5 =	ssub.s32 $0x0, s20;
	[sflag:s22] =	ssyncset.done $0x0  }
0xa1: {  	[sflag:s22] =	ssyncadd.s32 s5;
	_ =	sdelay $0x1  }
0xa2: {  	s23 =	simm.s32 $0x1B8B  }
0xa3: {  	_ =	swait.ge [sflag:s23], $0x1  }
0xa4: {  	[sflag:s23] =	ssyncset.done $0x0  }
0xa5: {  	s25 =	simm.s32 $0x1B8E;
	s24 =	sld [smem:$0x3FFE];
	[sflag:s23] =	ssyncadd.s32 $0xFFFFFFFF  }
0xa6: {  	s26 =	simm.s32 $execute0_lowered;
	[smem:$0x3FD2] =	sst s25  }
0xa7: {  	s6 =	sshll.u32 s26, $0x1;
	_ =	strace $0x80000046;
	[dreg:$0x1] =	wrdreg $0xFFFFFFFF  }
0xa8: {  	s28 =	simm.s32 $_size_execute0_lowered;
	s4 =	sadd.s32 s4, s6;
	[dreg:$0x0] =	wrdreg $0x0  }
0xa9: {  	s6 =	sshll.u32 s28, $0x1;
	[dreg:$0x2] =	wrdreg s4  }
0xaa: {  	[dreg:$0x3] =	wrdreg s6  }
0xab: {  	[dreg:$0x4] =	wrdreg $0xC0  }
0xac: {  	_ =	task [dreg:s8], $0x5FFFF  }
0xad: {  	[dreg:$0x1] =	wrdreg $0xFFFFFFFF  }
0xae: {  	[dreg:$0x0] =	wrdreg $0x60  }
0xaf: {  	[dreg:$0x2] =	wrdreg s18  }
0xb0: {  	[dreg:$0x3] =	wrdreg s2  }
0xb1: {  	[dreg:$0x4] =	wrdreg s24  }
0xb2: {  	[dreg:$0x5] =	wrdreg $0x9  }
0xb3: {  	_ =	task.clear_ibuf [dreg:s8], $0x6FFFF;
	_ =	strace $0x90000046  }
0xb4: {  	s29 =	simm.s32 $0x9;
	_ =	strace $0x80000048  }
0xb5: {  	_ =	swait.ge [sflag:s29], $0x1  }
0xb6: {  	[sflag:s29] =	ssyncadd.s32 $0xFFFFFFFF  }
0xb7: {  	_ =	strace $0x90000048  }
0xb8: {  	_ =	sfence  }
0xb9: {  	s30 =	sld [smem:$0x0];
	_ =	sdelay $0x2  }
0xba: {  	s31 =	sshll.u32 s1, $0xD;
	s1 =	sshrl.u32 s1, $0x2  }
0xbb: {  	s3 =	sand.u32 $0x4000, s31;
	s1 =	sadd.s32 s1, s30  }
0xbc: {  	s0 =	sor.u32 s3, s0;
	s1 =	sshll.u32 s1, $0x11  }
0xbd: {  	s0 =	sor.u32 s1, s0  }
0xbe: {  	s0 =	sadd.s32 $0x8F2B, s0  }
0xbf: {  	[sflag:s0] =	ssyncadd.remote.s32 $0x1  }
0xc0: {  	_ =	sfence.sel $0xFFFF  }
0xc1: {  	[dreg:$0x0] =	wrdreg $0xFFFFFFFF;
	(pc) =	sbr.abs _section_cstart, $3  }
0xc2: {  	[dreg:$0x1] =	wrdreg $0xFFFFFFFF  }
0xc3: {  	_ =	task.clear_ibuf [dreg:s8], $0x2FFFF;
	_ =	strace $0x9FFFFFFF  }
0xc4: {  	(tm) =	ssettm $0x7FFFFFFF  }
0xc5: {  	_ =	shalt  }
tec
execute0_lowered:
.L_overlay_start_1:
0x0: {  	(tag) =	ssettag $0x1  }
0x1: {  	s0 =	rddreg [dreg:$0x0]  }
0x2: {  	s1 =	rddreg [dreg:$0x1]  }
0x3: {  	s2 =	rddreg [dreg:$0x2];
	s3 =	simm.s32 $0x0;
	s4 =	srdreg.scid  }
0x4: {  	s5 =	stileid.u32;
	s12 =	simm.s32 $0x5;
	s14 =	simm.s32 $0x87D0  }
0x5: {  	s15 =	simm.s32 $0x1;
	s16 =	simm.s32 $0x2000;
	s17 =	simm.s32 $0x4000  }
0x6: {  	s18 =	simm.s32 $0x6000;
	s19 =	simm.s32 $0x8FA0;
	s20 =	simm.s32 $0x9770  }
0x7: {  	s21 =	simm.s32 $0x9F40;
	s22 =	simm.s32 $0xA710;
	s23 =	simm.s32 $0x2  }
0x8: {  	s24 =	simm.s32 $0xAEE0;
	s28 =	simm.s32 $0xC650;
	s29 =	simm.s32 $0x3  }
0x9: {  	s30 =	simm.s32 $0x4;
	s31 =	simm.s32 $0x0;
	[smem:$0x7FF] =	sst s3  }
0xa: {  	s4 =	sand.u32 $0x1, s4;
	s5 =	sshll.u32 s5, $0x1;
	s26 =	sadd.s32 $0xFA, s1  }
0xb: {  	_ =	strace $0x80000047;
	s6 =	ssub.s32 $0x2, s4;
	s4 =	sor.u32 s4, s5  }
.Ltmp0:
0xc: {  	s5 =	sadd.s32 $0x600, s2;
	[dreg:$0x5] =	wrdreg s26;
	(pc) =	sbr.rel .LBB2_1-.Ltmp0, $4  }
0xd: {  	s7 =	sshrl.u32 s6, $0x1;
	s8 =	sshll.u32 s4, $0xC;
	s4 =	smul.u32 $0x61C00, s4  }
0xe: {  	s26 =	simm.s32 $0xBE80;
	s25 =	ssub.s32 s6, s7;
	s0 =	sadd.s32 s0, s8  }
0xf: {  	[dreg:$0x4] =	wrdreg s0;
	s8 =	sadd.s32 $0x18700, s4;
	s9 =	sadd.s32 $0x30E00, s4  }
0x10: {  	s10 =	sadd.s32 $0x49500, s4;
	s11 =	smax.u32 s25, $0x1;
	s25 =	simm.s32 $0xB6B0  }
.LBB2_8:
0x11: {  	_ =	swait.ge [sflag:s29], $0x7D0  }
0x12: {  	[sflag:s29] =	ssyncset.done $0x0  }
0x13: {  	[sflag:s29] =	ssyncadd.s32 $0xFFFFF830  }
0x14: {  	_ =	swait.ge [sflag:s29], $0x7D0  }
0x15: {  	[sflag:s29] =	ssyncset.done $0x0  }
0x16: {  	[sflag:s29] =	ssyncadd.s32 $0xFFFFF830  }
0x17: {  	_ =	swait.ge [sflag:s29], $0x7D0  }
0x18: {  	[sflag:s29] =	ssyncset.done $0x0  }
0x19: {  	[sflag:s29] =	ssyncadd.s32 $0xFFFFF830  }
0x1a: {  	_ =	swait.ge [sflag:s29], $0x7D0  }
0x1b: {  	[sflag:s29] =	ssyncset.done $0x0  }
0x1c: {  	[sflag:s29] =	ssyncadd.s32 $0xFFFFF830  }
0x1d: {  	_ =	swait.ge [sflag:s30], $0x7D0  }
0x1e: {  	[sflag:s30] =	ssyncset.done $0x0  }
0x1f: {  	[sflag:s30] =	ssyncadd.s32 $0xFFFFF830  }
0x20: {  	_ =	swait.ge [sflag:s30], $0x7D0  }
0x21: {  	[sflag:s30] =	ssyncset.done $0x0  }
0x22: {  	s31 =	sadd.s32 $0x1, s31;
	[sflag:s30] =	ssyncadd.s32 $0xFFFFF830  }
0x23: {  	p0 =	sne.s32 s31, s11;
	_ =	swait.ge [sflag:s30], $0x7D0  }
.Ltmp1:
0x24: {  	[sflag:s30] =	ssyncset.done $0x0;
	(pc) =	sbr.rel @!p0 .LBB2_9-.Ltmp1, $4  }
0x25: {  	[sflag:s30] =	ssyncadd.s32 $0xFFFFF830  }
0x26: {  	_ =	swait.ge [sflag:s30], $0x7D0  }
0x27: {  	[sflag:s30] =	ssyncset.done $0x0  }
0x28: {  	[sflag:s30] =	ssyncadd.s32 $0xFFFFF830  }
.LBB2_1:
0x29: {  	s0 =	rddreg [dreg:$0x4]  }
0x2a: {  	[tilespmem:s3], [sflag:$0x5] =	stream.linear.gather [hbm4b:s0+s3], $0x8000, $0x38;
	[tilespmem:$0xCE20] =	vst v63  }
0x2b: {  	_ =	swait.ge [sflag:s12], $0x8000  }
0x2c: {  	[sflag:s12] =	ssyncset.done $0x0  }
0x2d: {  	s7 =	simm.s32 $0x8000;
	[sflag:s12] =	ssyncadd.s32 $0xFFFF8000  }
0x2e: {  	[tilespmem:s7], [sflag:$0x1] =	stream.linear.gather [hbm4b:s1+s3], $0x7D0, $0x38;
	[tilespmem:$0xCE20] =	vst v63  }
0x2f: {  	s0 =	simm.s32 $0x0;
	s13 =	rddreg [dreg:$0x5]  }
0x30: {  	[tilespmem:s14], [sflag:$0x2] =	stream.linear.gather [hbm4b:s13+s3], $0x7D0, $0x38;
	[tilespmem:$0xCE20] =	vst v63  }
.LBB2_2:
0x31: {  	p0 =	seq.s32 s0, $0x0  }
0x32: {  	s2 =	simm.s32 @!p0 $0x3  }
0x33: {  	_ =	swait.ge @!p0 [sflag:s2], $0x7D0  }
0x34: {  	[sflag:s2] =	ssyncset.done @!p0 $0x0  }
0x35: {  	[sflag:s2] =	ssyncadd.s32 @!p0 $0xFFFFF830  }
0x36: {  	_ =	swait.ge @!p0 [sflag:s2], $0x7D0  }
0x37: {  	[sflag:s2] =	ssyncset.done @!p0 $0x0  }
0x38: {  	[sflag:s2] =	ssyncadd.s32 @!p0 $0xFFFFF830  }
0x39: {  	_ =	swait.ge @!p0 [sflag:s2], $0x7D0  }
0x3a: {  	[sflag:s2] =	ssyncset.done @!p0 $0x0  }
0x3b: {  	[sflag:s2] =	ssyncadd.s32 @!p0 $0xFFFFF830  }
0x3c: {  	_ =	swait.ge @!p0 [sflag:s2], $0x7D0  }
0x3d: {  	[sflag:s2] =	ssyncset.done @!p0 $0x0  }
0x3e: {  	[sflag:s2] =	ssyncadd.s32 @!p0 $0xFFFFF830  }
0x3f: {  	_ =	swait.ge [sflag:s15], $0x7D0  }
0x40: {  	[sflag:s15] =	ssyncset.done $0x0  }
0x41: {  	s7 =	simm.s32 $0x80C0;
	[sflag:s15] =	ssyncadd.s32 $0xFFFFF830  }
0x42: {  	v0 =	vld [tilespmem:s7+$0x80]  }
0x43: {  	v1 =	vld [tilespmem:s7+$0x90]  }
0x44: {  	v20 =	vld [tilespmem:s7+$0xA0]  }
0x45: {  	v21 =	vld [tilespmem:s7+$0xB0]  }
0x46: {  	v22 =	vld [tilespmem:s7+$0xC0]  }
0x47: {  	v4 =	vld [tilespmem:s7+$0xFFFFFF50]  }
0x48: {  	v3 =	vld [tilespmem:s7+$0xFFFFFF60]  }
0x49: {  	v2 =	vld [tilespmem:s7+$0xFFFFFF70]  }
0x4a: {  	v10 =	vld [tilespmem:s7+$0xFFFFFF80]  }
0x4b: {  	v9 =	vld [tilespmem:s7+$0xFFFFFF90]  }
0x4c: {  	v16 =	vld [tilespmem:s7+$0xFFFFFFE0]  }
0x4d: {  	v5 =	vld.idx.msk [tilespmem:v0+s3+$0x0], $0xffff  }
0x4e: {  	v6 =	vld.idx.msk [tilespmem:v1+s3+$0x0], $0xffff  }
0x4f: {  	v7 =	vld.idx.msk [tilespmem:v20+s3+$0x0], $0xffff  }
0x50: {  	v8 =	vld.idx.msk [tilespmem:v21+s3+$0x0], $0xffff  }
0x51: {  	v11 =	vld.idx.msk [tilespmem:v22+s3+$0x0], $0xffff  }
0x52: {  	v38 =	vld.idx.msk [tilespmem:v4+s3+$0x0], $0xffff  }
0x53: {  	v39 =	vld.idx.msk [tilespmem:v3+s3+$0x0], $0xffff  }
0x54: {  	v26 =	vld.idx.msk [tilespmem:v2+s3+$0x0], $0xffff  }
0x55: {  	v42 =	vld.idx.msk [tilespmem:v9+s3+$0x0], $0xffff  }
0x56: {  	s13 =	simm.s32 $0x9F40;
	v47 =	vld.idx.msk [tilespmem:v16+s3+$0x0], $0xffff  }
0x57: {  	[tilespmem:s13+$0xFFFFF1A0] =	vst v5;
	v5 =	vld [tilespmem:s7+$0xFFFFFFA0]  }
0x58: {  	[tilespmem:s13+$0xFFFFF1B0] =	vst v6;
	v6 =	vld [tilespmem:s7+$0xFFFFFFB0]  }
0x59: {  	[tilespmem:s13+$0xFFFFF1C0] =	vst v7;
	v7 =	vld [tilespmem:s7+$0xFFFFFFC0]  }
0x5a: {  	[tilespmem:s13+$0xFFFFF1D0] =	vst v8;
	v8 =	vld [tilespmem:s7+$0xFFFFFFD0]  }
0x5b: {  	[tilespmem:s13+$0xFFFFF1E0] =	vst v11;
	v11 =	vld [tilespmem:s7+$0xFFFFFFF0]  }
0x5c: {  	v12 =	vld.idx.msk [tilespmem:v0+s16+$0x0], $0xffff  }
0x5d: {  	v13 =	vld.idx.msk [tilespmem:v1+s16+$0x0], $0xffff  }
0x5e: {  	v14 =	vld.idx.msk [tilespmem:v20+s16+$0x0], $0xffff  }
0x5f: {  	v15 =	vld.idx.msk [tilespmem:v21+s16+$0x0], $0xffff  }
0x60: {  	v17 =	vld.idx.msk [tilespmem:v22+s16+$0x0], $0xffff  }
0x61: {  	[tilespmem:s13+$0xFFFFF970] =	vst v12;
	v12 =	vld [tilespmem:s7+$0x0]  }
0x62: {  	[tilespmem:s13+$0xFFFFF980] =	vst v13;
	v13 =	vld [tilespmem:s7+$0x10]  }
0x63: {  	[tilespmem:s13+$0xFFFFF990] =	vst v14;
	v14 =	vld [tilespmem:s7+$0x20]  }
0x64: {  	[tilespmem:s13+$0xFFFFF9A0] =	vst v15;
	v15 =	vld [tilespmem:s7+$0x30]  }
0x65: {  	[tilespmem:s13+$0xFFFFF9B0] =	vst v17;
	v17 =	vld [tilespmem:s7+$0x40]  }
0x66: {  	v18 =	vld.idx.msk [tilespmem:v0+s17+$0x0], $0xffff  }
0x67: {  	v19 =	vld.idx.msk [tilespmem:v1+s17+$0x0], $0xffff  }
0x68: {  	v23 =	vld.idx.msk [tilespmem:v20+s17+$0x0], $0xffff  }
0x69: {  	v24 =	vld.idx.msk [tilespmem:v21+s17+$0x0], $0xffff  }
0x6a: {  	v25 =	vld.idx.msk [tilespmem:v22+s17+$0x0], $0xffff  }
0x6b: {  	v43 =	vld.idx.msk [tilespmem:v5+s3+$0x0], $0xffff  }
0x6c: {  	v44 =	vld.idx.msk [tilespmem:v6+s3+$0x0], $0xffff  }
0x6d: {  	v45 =	vld.idx.msk [tilespmem:v7+s3+$0x0], $0xffff  }
0x6e: {  	v46 =	vld.idx.msk [tilespmem:v8+s3+$0x0], $0xffff;
	[tilespmem:s13+$0x140] =	vst v18  }
0x6f: {  	v48 =	vld.idx.msk [tilespmem:v11+s3+$0x0], $0xffff;
	[tilespmem:s13+$0x150] =	vst v19  }
0x70: {  	v18 =	vld [tilespmem:s7+$0x50];
	[tilespmem:s13+$0x160] =	vst v23  }
0x71: {  	v19 =	vld [tilespmem:s7+$0x60];
	[tilespmem:s13+$0x170] =	vst v24  }
0x72: {  	v23 =	vld [tilespmem:s7+$0xFFFFFF40];
	[tilespmem:s13+$0x180] =	vst v25  }
0x73: {  	[tilespmem:s13+$0xFFFFF0B0] =	vst v42;
	v22 =	vld.idx.msk [tilespmem:v22+s18+$0x0], $0xffff  }
0x74: {  	v27 =	vld.idx.msk [tilespmem:v0+s18+$0x0], $0xffff;
	[tilespmem:s13+$0xFFFFF0C0] =	vst v43  }
0x75: {  	v28 =	vld.idx.msk [tilespmem:v1+s18+$0x0], $0xffff;
	[tilespmem:s13+$0xFFFFF0D0] =	vst v44  }
0x76: {  	[tilespmem:s13+$0xFFFFF0E0] =	vst v45;
	v49 =	vld.idx.msk [tilespmem:v12+s3+$0x0], $0xffff  }
0x77: {  	[tilespmem:s13+$0xFFFFF0F0] =	vst v46;
	v50 =	vld.idx.msk [tilespmem:v13+s3+$0x0], $0xffff  }
0x78: {  	v51 =	vld.idx.msk [tilespmem:v14+s3+$0x0], $0xffff;
	[tilespmem:s13+$0xFFFFF100] =	vst v47  }
0x79: {  	v1 =	vld.idx.msk [tilespmem:v20+s18+$0x0], $0xffff;
	[tilespmem:s13+$0xFFFFF110] =	vst v48  }
0x7a: {  	v0 =	vld.idx.msk [tilespmem:v21+s18+$0x0], $0xffff;
	[tilespmem:s13+$0x950] =	vst v22  }
0x7b: {  	v62 =	vld.idx.msk [tilespmem:v9+s16+$0x0], $0xffff;
	[tilespmem:s13+$0x910] =	vst v27  }
0x7c: {  	v63 =	vld.idx.msk [tilespmem:v5+s16+$0x0], $0xffff;
	[tilespmem:s13+$0x920] =	vst v28  }
0x7d: {  	v30 =	vld.idx.msk [tilespmem:v6+s16+$0x0], $0xffff;
	[tilespmem:s13+$0xFFFFF120] =	vst v49  }
0x7e: {  	v31 =	vld.idx.msk [tilespmem:v7+s16+$0x0], $0xffff;
	[tilespmem:s13+$0xFFFFF130] =	vst v50  }
0x7f: {  	v32 =	vld.idx.msk [tilespmem:v8+s16+$0x0], $0xffff;
	[tilespmem:s13+$0xFFFFF140] =	vst v51  }
0x80: {  	v41 =	vld.idx.msk [tilespmem:v10+s3+$0x0], $0xffff;
	[tilespmem:s13+$0xFFFFF880] =	vst v62  }
0x81: {  	v20 =	vld [tilespmem:s7+$0x70];
	[tilespmem:s13+$0xFFFFF890] =	vst v63  }
0x82: {  	v52 =	vld.idx.msk [tilespmem:v15+s3+$0x0], $0xffff;
	[tilespmem:s13+$0xFFFFF8A0] =	vst v30  }
0x83: {  	v53 =	vld.idx.msk [tilespmem:v17+s3+$0x0], $0xffff;
	[tilespmem:s13+$0xFFFFF8B0] =	vst v31  }
0x84: {  	[tilespmem:s13+$0xFFFFF8C0] =	vst v32;
	v40 =	vld.idx.msk [tilespmem:v23+s3+$0x0], $0xffff  }
0x85: {  	[tilespmem:s13+$0xFFFFF070] =	vst v38;
	v54 =	vld.idx.msk [tilespmem:v18+s3+$0x0], $0xffff  }
0x86: {  	[tilespmem:s13+$0xFFFFF080] =	vst v39;
	v55 =	vld.idx.msk [tilespmem:v19+s3+$0x0], $0xffff  }
0x87: {  	[tilespmem:s13+$0xFFFFF090] =	vst v26;
	v33 =	vld.idx.msk [tilespmem:v16+s16+$0x0], $0xffff  }
0x88: {  	[tilespmem:s13+$0xFFFFF0A0] =	vst v41;
	v34 =	vld.idx.msk [tilespmem:v11+s16+$0x0], $0xffff  }
0x89: {  	v56 =	vld.idx.msk [tilespmem:v20+s3+$0x0], $0xffff;
	[tilespmem:s13+$0xFFFFF150] =	vst v52  }
0x8a: {  	v35 =	vld.idx.msk [tilespmem:v12+s16+$0x0], $0xffff;
	[tilespmem:s13+$0xFFFFF160] =	vst v53  }
0x8b: {  	v36 =	vld.idx.msk [tilespmem:v13+s16+$0x0], $0xffff;
	[tilespmem:s13+$0xFFFFF060] =	vst v40  }
0x8c: {  	v37 =	vld.idx.msk [tilespmem:v14+s16+$0x0], $0xffff;
	[tilespmem:s13+$0xFFFFF170] =	vst v54  }
0x8d: {  	v47 =	vld.idx.msk [tilespmem:v9+s17+$0x0], $0xffff;
	[tilespmem:s13+$0xFFFFF180] =	vst v55  }
0x8e: {  	v48 =	vld.idx.msk [tilespmem:v5+s17+$0x0], $0xffff;
	[tilespmem:s13+$0xFFFFF8D0] =	vst v33  }
0x8f: {  	v49 =	vld.idx.msk [tilespmem:v6+s17+$0x0], $0xffff;
	[tilespmem:s13+$0xFFFFF8E0] =	vst v34  }
0x90: {  	v50 =	vld.idx.msk [tilespmem:v7+s17+$0x0], $0xffff;
	[tilespmem:s13+$0xFFFFF8F0] =	vst v35  }
0x91: {  	v51 =	vld.idx.msk [tilespmem:v8+s17+$0x0], $0xffff;
	[tilespmem:s13+$0xFFFFF900] =	vst v36  }
0x92: {  	[tilespmem:s13+$0xFFFFF910] =	vst v37;
	v57 =	vld.idx.msk [tilespmem:v23+s16+$0x0], $0xffff  }
0x93: {  	[tilespmem:s13+$0x50] =	vst v47;
	v58 =	vld.idx.msk [tilespmem:v4+s16+$0x0], $0xffff  }
0x94: {  	[tilespmem:s13+$0x60] =	vst v48;
	v59 =	vld.idx.msk [tilespmem:v3+s16+$0x0], $0xffff  }
0x95: {  	[tilespmem:s13+$0x70] =	vst v49;
	v60 =	vld.idx.msk [tilespmem:v2+s16+$0x0], $0xffff  }
0x96: {  	[tilespmem:s13+$0x80] =	vst v50;
	v61 =	vld.idx.msk [tilespmem:v10+s16+$0x0], $0xffff  }
0x97: {  	[tilespmem:s13+$0x90] =	vst v51;
	v52 =	vld.idx.msk [tilespmem:v16+s17+$0x0], $0xffff  }
0x98: {  	[tilespmem:s13+$0xFFFFF190] =	vst v56;
	v53 =	vld.idx.msk [tilespmem:v11+s17+$0x0], $0xffff  }
0x99: {  	v54 =	vld.idx.msk [tilespmem:v12+s17+$0x0], $0xffff;
	[tilespmem:s13+$0xFFFFF830] =	vst v57  }
0x9a: {  	v55 =	vld.idx.msk [tilespmem:v13+s17+$0x0], $0xffff;
	[tilespmem:s13+$0xFFFFF840] =	vst v58  }
0x9b: {  	v56 =	vld.idx.msk [tilespmem:v14+s17+$0x0], $0xffff;
	[tilespmem:s13+$0xFFFFF850] =	vst v59  }
0x9c: {  	v9 =	vld.idx.msk [tilespmem:v9+s18+$0x0], $0xffff;
	[tilespmem:s13+$0xFFFFF860] =	vst v60  }
0x9d: {  	v5 =	vld.idx.msk [tilespmem:v5+s18+$0x0], $0xffff;
	[tilespmem:s13+$0xFFFFF870] =	vst v61  }
0x9e: {  	v38 =	vld.idx.msk [tilespmem:v15+s16+$0x0], $0xffff;
	[tilespmem:s13+$0xA0] =	vst v52  }
0x9f: {  	v39 =	vld.idx.msk [tilespmem:v17+s16+$0x0], $0xffff;
	[tilespmem:s13+$0xB0] =	vst v53  }
0xa0: {  	v40 =	vld.idx.msk [tilespmem:v18+s16+$0x0], $0xffff;
	[tilespmem:s13+$0xC0] =	vst v54  }
0xa1: {  	v41 =	vld.idx.msk [tilespmem:v19+s16+$0x0], $0xffff;
	[tilespmem:s13+$0xD0] =	vst v55  }
0xa2: {  	v42 =	vld.idx.msk [tilespmem:v20+s16+$0x0], $0xffff;
	[tilespmem:s13+$0xE0] =	vst v56  }
0xa3: {  	v28 =	vld.idx.msk [tilespmem:v23+s17+$0x0], $0xffff;
	[tilespmem:s13+$0xFFFFF920] =	vst v38  }
0xa4: {  	v43 =	vld.idx.msk [tilespmem:v4+s17+$0x0], $0xffff;
	[tilespmem:s13+$0xFFFFF930] =	vst v39  }
0xa5: {  	v44 =	vld.idx.msk [tilespmem:v3+s17+$0x0], $0xffff;
	[tilespmem:s13+$0xFFFFF940] =	vst v40  }
0xa6: {  	v45 =	vld.idx.msk [tilespmem:v2+s17+$0x0], $0xffff;
	[tilespmem:s13+$0xFFFFF950] =	vst v41  }
0xa7: {  	v46 =	vld.idx.msk [tilespmem:v10+s17+$0x0], $0xffff;
	[tilespmem:s13+$0xFFFFF960] =	vst v42  }
0xa8: {  	v57 =	vld.idx.msk [tilespmem:v15+s17+$0x0], $0xffff;
	[tilespmem:s13+$0x0] =	vst v28  }
0xa9: {  	v58 =	vld.idx.msk [tilespmem:v17+s17+$0x0], $0xffff;
	[tilespmem:s13+$0x10] =	vst v43  }
0xaa: {  	v59 =	vld.idx.msk [tilespmem:v18+s17+$0x0], $0xffff;
	[tilespmem:s13+$0x20] =	vst v44  }
0xab: {  	v60 =	vld.idx.msk [tilespmem:v19+s17+$0x0], $0xffff;
	[tilespmem:s13+$0x30] =	vst v45  }
0xac: {  	v61 =	vld.idx.msk [tilespmem:v20+s17+$0x0], $0xffff;
	[tilespmem:s13+$0x40] =	vst v46  }
0xad: {  	v23 =	vld.idx.msk [tilespmem:v23+s18+$0x0], $0xffff;
	[tilespmem:s13+$0xF0] =	vst v57  }
0xae: {  	v4 =	vld.idx.msk [tilespmem:v4+s18+$0x0], $0xffff;
	[tilespmem:s13+$0x100] =	vst v58  }
0xaf: {  	v3 =	vld.idx.msk [tilespmem:v3+s18+$0x0], $0xffff;
	[tilespmem:s13+$0x110] =	vst v59  }
0xb0: {  	v2 =	vld.idx.msk [tilespmem:v2+s18+$0x0], $0xffff;
	[tilespmem:s13+$0x120] =	vst v60  }
0xb1: {  	v10 =	vld.idx.msk [tilespmem:v10+s18+$0x0], $0xffff;
	[tilespmem:s13+$0x130] =	vst v61  }
0xb2: {  	v62 =	vld.idx.msk [tilespmem:v12+s18+$0x0], $0xffff;
	[tilespmem:s13+$0x7D0] =	vst v23  }
0xb3: {  	v63 =	vld.idx.msk [tilespmem:v13+s18+$0x0], $0xffff;
	[tilespmem:s13+$0x7E0] =	vst v4  }
0xb4: {  	v4 =	vld.idx.msk [tilespmem:v6+s18+$0x0], $0xffff;
	[tilespmem:s13+$0x7F0] =	vst v3  }
0xb5: {  	v3 =	vld.idx.msk [tilespmem:v7+s18+$0x0], $0xffff;
	[tilespmem:s13+$0x800] =	vst v2  }
0xb6: {  	v6 =	vld.idx.msk [tilespmem:v8+s18+$0x0], $0xffff;
	[tilespmem:s13+$0x810] =	vst v10  }
0xb7: {  	v7 =	vld.idx.msk [tilespmem:v16+s18+$0x0], $0xffff;
	[tilespmem:s13+$0x820] =	vst v9  }
0xb8: {  	v8 =	vld.idx.msk [tilespmem:v11+s18+$0x0], $0xffff;
	[tilespmem:s13+$0x830] =	vst v5  }
0xb9: {  	v2 =	vld.idx.msk [tilespmem:v14+s18+$0x0], $0xffff;
	[tilespmem:s13+$0x890] =	vst v62  }
0xba: {  	[tilespmem:s13+$0x8A0] =	vst v63  }
0xbb: {  	v5 =	vld.idx.msk [tilespmem:v18+s18+$0x0], $0xffff;
	[tilespmem:s13+$0x840] =	vst v4  }
0xbc: {  	[tilespmem:s13+$0x850] =	vst v3;
	v3 =	vld.idx.msk [tilespmem:v15+s18+$0x0], $0xffff  }
0xbd: {  	[tilespmem:s13+$0x860] =	vst v6;
	v4 =	vld.idx.msk [tilespmem:v17+s18+$0x0], $0xffff  }
0xbe: {  	[tilespmem:s13+$0x870] =	vst v7;
	v6 =	vld.idx.msk [tilespmem:v19+s18+$0x0], $0xffff  }
0xbf: {  	s6 =	simm.s32 $0x8250;
	s2 =	simm.s32 $0x0;
	[tilespmem:s13+$0x880] =	vst v8;
	v7 =	vld.idx.msk [tilespmem:v20+s18+$0x0], $0xffff  }
.LBB2_3:
0xc0: {  	v22 =	vld [tilespmem:s6+$0x80];
	[tilespmem:s13+$0x8B0] =	vst v2  }
0xc1: {  	v23 =	vld [tilespmem:s6+$0x90];
	[tilespmem:s13+$0x8C0] =	vst v3  }
0xc2: {  	v24 =	vld [tilespmem:s6+$0xA0];
	[tilespmem:s13+$0x8D0] =	vst v4  }
0xc3: {  	v25 =	vld [tilespmem:s6+$0xB0];
	[tilespmem:s13+$0x8E0] =	vst v5  }
0xc4: {  	v26 =	vld [tilespmem:s6+$0xC0];
	[tilespmem:s13+$0x8F0] =	vst v6  }
0xc5: {  	v2 =	vld [tilespmem:s6+$0xFFFFFF50];
	[tilespmem:s13+$0x900] =	vst v7  }
0xc6: {  	v3 =	vld [tilespmem:s6+$0xFFFFFF60];
	[tilespmem:s13+$0x930] =	vst v1  }
0xc7: {  	v4 =	vld [tilespmem:s6+$0xFFFFFF70];
	[tilespmem:s13+$0x940] =	vst v0  }
0xc8: {  	v0 =	vld.idx.msk [tilespmem:v22+s3+$0x0], $0xffff  }
0xc9: {  	v1 =	vld.idx.msk [tilespmem:v23+s3+$0x0], $0xffff  }
0xca: {  	v8 =	vld.idx.msk [tilespmem:v24+s3+$0x0], $0xffff  }
0xcb: {  	v9 =	vld.idx.msk [tilespmem:v25+s3+$0x0], $0xffff  }
0xcc: {  	s2 =	sadd.s32 $0x5, s2;
	v11 =	vld.idx.msk [tilespmem:v26+s3+$0x0], $0xffff  }
0xcd: {  	p0 =	slt.u32 s2, $0x14;
	s13 =	sadd.s32 $0x190, s13;
	v5 =	vld [tilespmem:s6+$0xFFFFFF80]  }
0xce: {  	v10 =	vld [tilespmem:s6+$0xFFFFFF90];
	[tilespmem:s13+$0xFFFFF1A0] =	vst v0  }
0xcf: {  	v6 =	vld [tilespmem:s6+$0xFFFFFFA0];
	[tilespmem:s13+$0xFFFFF1B0] =	vst v1  }
0xd0: {  	v7 =	vld [tilespmem:s6+$0xFFFFFFB0];
	[tilespmem:s13+$0xFFFFF1C0] =	vst v8  }
0xd1: {  	v8 =	vld [tilespmem:s6+$0xFFFFFFC0];
	[tilespmem:s13+$0xFFFFF1D0] =	vst v9  }
0xd2: {  	v9 =	vld [tilespmem:s6+$0xFFFFFFD0];
	[tilespmem:s13+$0xFFFFF1E0] =	vst v11  }
0xd3: {  	v0 =	vld.idx.msk [tilespmem:v22+s16+$0x0], $0xffff  }
0xd4: {  	v1 =	vld.idx.msk [tilespmem:v23+s16+$0x0], $0xffff  }
0xd5: {  	v14 =	vld.idx.msk [tilespmem:v24+s16+$0x0], $0xffff  }
0xd6: {  	v15 =	vld.idx.msk [tilespmem:v25+s16+$0x0], $0xffff  }
0xd7: {  	v17 =	vld.idx.msk [tilespmem:v26+s16+$0x0], $0xffff  }
0xd8: {  	v16 =	vld [tilespmem:s6+$0xFFFFFFE0]  }
0xd9: {  	v11 =	vld [tilespmem:s6+$0xFFFFFFF0];
	[tilespmem:s13+$0xFFFFF970] =	vst v0  }
0xda: {  	v12 =	vld [tilespmem:s6+$0x0];
	[tilespmem:s13+$0xFFFFF980] =	vst v1  }
0xdb: {  	v13 =	vld [tilespmem:s6+$0x10];
	[tilespmem:s13+$0xFFFFF990] =	vst v14  }
0xdc: {  	v14 =	vld [tilespmem:s6+$0x20];
	[tilespmem:s13+$0xFFFFF9A0] =	vst v15  }
0xdd: {  	v15 =	vld [tilespmem:s6+$0x30];
	[tilespmem:s13+$0xFFFFF9B0] =	vst v17  }
0xde: {  	v0 =	vld.idx.msk [tilespmem:v22+s17+$0x0], $0xffff  }
0xdf: {  	v1 =	vld.idx.msk [tilespmem:v23+s17+$0x0], $0xffff  }
0xe0: {  	v21 =	vld.idx.msk [tilespmem:v24+s17+$0x0], $0xffff  }
0xe1: {  	v27 =	vld.idx.msk [tilespmem:v25+s17+$0x0], $0xffff  }
0xe2: {  	v28 =	vld.idx.msk [tilespmem:v26+s17+$0x0], $0xffff  }
0xe3: {  	v20 =	vld [tilespmem:s6+$0x40]  }
0xe4: {  	v17 =	vld [tilespmem:s6+$0x50];
	[tilespmem:s13+$0x140] =	vst v0  }
0xe5: {  	v18 =	vld [tilespmem:s6+$0x60];
	[tilespmem:s13+$0x150] =	vst v1  }
0xe6: {  	v19 =	vld [tilespmem:s6+$0x70];
	[tilespmem:s13+$0x160] =	vst v21  }
0xe7: {  	v21 =	vld [tilespmem:s6+$0xFFFFFF40];
	[tilespmem:s13+$0x170] =	vst v27  }
0xe8: {  	v27 =	vld.idx.msk [tilespmem:v2+s3+$0x0], $0xffff;
	[tilespmem:s13+$0x180] =	vst v28  }
0xe9: {  	v26 =	vld.idx.msk [tilespmem:v26+s18+$0x0], $0xffff  }
0xea: {  	v28 =	vld.idx.msk [tilespmem:v3+s3+$0x0], $0xffff  }
0xeb: {  	v29 =	vld.idx.msk [tilespmem:v4+s3+$0x0], $0xffff  }
0xec: {  	v22 =	vld.idx.msk [tilespmem:v22+s18+$0x0], $0xffff  }
0xed: {  	v23 =	vld.idx.msk [tilespmem:v23+s18+$0x0], $0xffff  }
0xee: {  	v1 =	vld.idx.msk [tilespmem:v24+s18+$0x0], $0xffff  }
0xef: {  	v0 =	vld.idx.msk [tilespmem:v25+s18+$0x0], $0xffff;
	[tilespmem:s13+$0x950] =	vst v26  }
0xf0: {  	v24 =	vld.idx.msk [tilespmem:v21+s3+$0x0], $0xffff  }
0xf1: {  	v25 =	vld.idx.msk [tilespmem:v5+s3+$0x0], $0xffff;
	[tilespmem:s13+$0xFFFFF070] =	vst v27  }
0xf2: {  	[tilespmem:s13+$0xFFFFF080] =	vst v28;
	v26 =	vld.idx.msk [tilespmem:v10+s3+$0x0], $0xffff  }
0xf3: {  	[tilespmem:s13+$0xFFFFF090] =	vst v29;
	v27 =	vld.idx.msk [tilespmem:v6+s3+$0x0], $0xffff  }
0xf4: {  	v28 =	vld.idx.msk [tilespmem:v7+s3+$0x0], $0xffff;
	[tilespmem:s13+$0x910] =	vst v22  }
0xf5: {  	v22 =	vld.idx.msk [tilespmem:v8+s3+$0x0], $0xffff;
	[tilespmem:s13+$0x920] =	vst v23  }
0xf6: {  	[tilespmem:s13+$0xFFFFF060] =	vst v24;
	v23 =	vld.idx.msk [tilespmem:v9+s3+$0x0], $0xffff  }
0xf7: {  	[tilespmem:s13+$0xFFFFF0A0] =	vst v25;
	v24 =	vld.idx.msk [tilespmem:v16+s3+$0x0], $0xffff  }
0xf8: {  	[tilespmem:s13+$0xFFFFF0B0] =	vst v26;
	v25 =	vld.idx.msk [tilespmem:v11+s3+$0x0], $0xffff  }
0xf9: {  	[tilespmem:s13+$0xFFFFF0C0] =	vst v27;
	v26 =	vld.idx.msk [tilespmem:v12+s3+$0x0], $0xffff  }
0xfa: {  	[tilespmem:s13+$0xFFFFF0D0] =	vst v28;
	v27 =	vld.idx.msk [tilespmem:v13+s3+$0x0], $0xffff  }
0xfb: {  	[tilespmem:s13+$0xFFFFF0E0] =	vst v22;
	v22 =	vld.idx.msk [tilespmem:v14+s3+$0x0], $0xffff  }
0xfc: {  	[tilespmem:s13+$0xFFFFF0F0] =	vst v23;
	v23 =	vld.idx.msk [tilespmem:v15+s3+$0x0], $0xffff  }
0xfd: {  	[tilespmem:s13+$0xFFFFF100] =	vst v24;
	v24 =	vld.idx.msk [tilespmem:v20+s3+$0x0], $0xffff  }
0xfe: {  	[tilespmem:s13+$0xFFFFF110] =	vst v25;
	v25 =	vld.idx.msk [tilespmem:v17+s3+$0x0], $0xffff  }
0xff: {  	[tilespmem:s13+$0xFFFFF120] =	vst v26;
	v26 =	vld.idx.msk [tilespmem:v18+s3+$0x0], $0xffff  }
0x100: {  	[tilespmem:s13+$0xFFFFF130] =	vst v27;
	v27 =	vld.idx.msk [tilespmem:v19+s3+$0x0], $0xffff  }
0x101: {  	v28 =	vld.idx.msk [tilespmem:v21+s16+$0x0], $0xffff;
	[tilespmem:s13+$0xFFFFF140] =	vst v22  }
0x102: {  	v22 =	vld.idx.msk [tilespmem:v2+s16+$0x0], $0xffff;
	[tilespmem:s13+$0xFFFFF150] =	vst v23  }
0x103: {  	v23 =	vld.idx.msk [tilespmem:v3+s16+$0x0], $0xffff;
	[tilespmem:s13+$0xFFFFF160] =	vst v24  }
0x104: {  	v24 =	vld.idx.msk [tilespmem:v4+s16+$0x0], $0xffff;
	[tilespmem:s13+$0xFFFFF170] =	vst v25  }
0x105: {  	v25 =	vld.idx.msk [tilespmem:v5+s16+$0x0], $0xffff;
	[tilespmem:s13+$0xFFFFF180] =	vst v26  }
0x106: {  	v26 =	vld.idx.msk [tilespmem:v10+s16+$0x0], $0xffff;
	[tilespmem:s13+$0xFFFFF190] =	vst v27  }
0x107: {  	[tilespmem:s13+$0xFFFFF830] =	vst v28;
	v27 =	vld.idx.msk [tilespmem:v6+s16+$0x0], $0xffff  }
0x108: {  	[tilespmem:s13+$0xFFFFF840] =	vst v22;
	v22 =	vld.idx.msk [tilespmem:v7+s16+$0x0], $0xffff  }
0x109: {  	[tilespmem:s13+$0xFFFFF850] =	vst v23;
	v23 =	vld.idx.msk [tilespmem:v8+s16+$0x0], $0xffff  }
0x10a: {  	[tilespmem:s13+$0xFFFFF860] =	vst v24;
	v24 =	vld.idx.msk [tilespmem:v9+s16+$0x0], $0xffff  }
0x10b: {  	[tilespmem:s13+$0xFFFFF870] =	vst v25;
	v25 =	vld.idx.msk [tilespmem:v16+s16+$0x0], $0xffff  }
0x10c: {  	[tilespmem:s13+$0xFFFFF880] =	vst v26;
	v26 =	vld.idx.msk [tilespmem:v11+s16+$0x0], $0xffff  }
0x10d: {  	[tilespmem:s13+$0xFFFFF890] =	vst v27;
	v27 =	vld.idx.msk [tilespmem:v12+s16+$0x0], $0xffff  }
0x10e: {  	[tilespmem:s13+$0xFFFFF8A0] =	vst v22;
	v22 =	vld.idx.msk [tilespmem:v13+s16+$0x0], $0xffff  }
0x10f: {  	[tilespmem:s13+$0xFFFFF8B0] =	vst v23;
	v23 =	vld.idx.msk [tilespmem:v14+s16+$0x0], $0xffff  }
0x110: {  	[tilespmem:s13+$0xFFFFF8C0] =	vst v24;
	v24 =	vld.idx.msk [tilespmem:v15+s16+$0x0], $0xffff  }
0x111: {  	[tilespmem:s13+$0xFFFFF8D0] =	vst v25;
	v25 =	vld.idx.msk [tilespmem:v20+s16+$0x0], $0xffff  }
0x112: {  	[tilespmem:s13+$0xFFFFF8E0] =	vst v26;
	v26 =	vld.idx.msk [tilespmem:v17+s16+$0x0], $0xffff  }
0x113: {  	[tilespmem:s13+$0xFFFFF8F0] =	vst v27;
	v27 =	vld.idx.msk [tilespmem:v18+s16+$0x0], $0xffff  }
0x114: {  	[tilespmem:s13+$0xFFFFF900] =	vst v22;
	v22 =	vld.idx.msk [tilespmem:v19+s16+$0x0], $0xffff  }
0x115: {  	v28 =	vld.idx.msk [tilespmem:v21+s17+$0x0], $0xffff;
	[tilespmem:s13+$0xFFFFF910] =	vst v23  }
0x116: {  	v23 =	vld.idx.msk [tilespmem:v2+s17+$0x0], $0xffff;
	[tilespmem:s13+$0xFFFFF920] =	vst v24  }
0x117: {  	v24 =	vld.idx.msk [tilespmem:v3+s17+$0x0], $0xffff;
	[tilespmem:s13+$0xFFFFF930] =	vst v25  }
0x118: {  	v25 =	vld.idx.msk [tilespmem:v4+s17+$0x0], $0xffff;
	[tilespmem:s13+$0xFFFFF940] =	vst v26  }
0x119: {  	v26 =	vld.idx.msk [tilespmem:v5+s17+$0x0], $0xffff;
	[tilespmem:s13+$0xFFFFF950] =	vst v27  }
0x11a: {  	v27 =	vld.idx.msk [tilespmem:v10+s17+$0x0], $0xffff;
	[tilespmem:s13+$0xFFFFF960] =	vst v22  }
0x11b: {  	[tilespmem:s13+$0x0] =	vst v28;
	v22 =	vld.idx.msk [tilespmem:v6+s17+$0x0], $0xffff  }
0x11c: {  	[tilespmem:s13+$0x10] =	vst v23;
	v23 =	vld.idx.msk [tilespmem:v7+s17+$0x0], $0xffff  }
0x11d: {  	[tilespmem:s13+$0x20] =	vst v24;
	v24 =	vld.idx.msk [tilespmem:v8+s17+$0x0], $0xffff  }
0x11e: {  	[tilespmem:s13+$0x30] =	vst v25;
	v25 =	vld.idx.msk [tilespmem:v9+s17+$0x0], $0xffff  }
0x11f: {  	[tilespmem:s13+$0x40] =	vst v26;
	v26 =	vld.idx.msk [tilespmem:v16+s17+$0x0], $0xffff  }
0x120: {  	[tilespmem:s13+$0x50] =	vst v27;
	v27 =	vld.idx.msk [tilespmem:v11+s17+$0x0], $0xffff  }
0x121: {  	[tilespmem:s13+$0x60] =	vst v22;
	v22 =	vld.idx.msk [tilespmem:v12+s17+$0x0], $0xffff  }
0x122: {  	[tilespmem:s13+$0x70] =	vst v23;
	v23 =	vld.idx.msk [tilespmem:v13+s17+$0x0], $0xffff  }
0x123: {  	[tilespmem:s13+$0x80] =	vst v24;
	v24 =	vld.idx.msk [tilespmem:v14+s17+$0x0], $0xffff  }
0x124: {  	[tilespmem:s13+$0x90] =	vst v25;
	v25 =	vld.idx.msk [tilespmem:v15+s17+$0x0], $0xffff  }
0x125: {  	[tilespmem:s13+$0xA0] =	vst v26;
	v26 =	vld.idx.msk [tilespmem:v20+s17+$0x0], $0xffff  }
0x126: {  	[tilespmem:s13+$0xB0] =	vst v27;
	v27 =	vld.idx.msk [tilespmem:v17+s17+$0x0], $0xffff  }
0x127: {  	[tilespmem:s13+$0xC0] =	vst v22;
	v22 =	vld.idx.msk [tilespmem:v18+s17+$0x0], $0xffff  }
0x128: {  	[tilespmem:s13+$0xD0] =	vst v23;
	v23 =	vld.idx.msk [tilespmem:v19+s17+$0x0], $0xffff  }
0x129: {  	v21 =	vld.idx.msk [tilespmem:v21+s18+$0x0], $0xffff;
	[tilespmem:s13+$0xE0] =	vst v24  }
0x12a: {  	v2 =	vld.idx.msk [tilespmem:v2+s18+$0x0], $0xffff;
	[tilespmem:s13+$0xF0] =	vst v25  }
0x12b: {  	v3 =	vld.idx.msk [tilespmem:v3+s18+$0x0], $0xffff;
	[tilespmem:s13+$0x100] =	vst v26  }
0x12c: {  	v4 =	vld.idx.msk [tilespmem:v4+s18+$0x0], $0xffff;
	[tilespmem:s13+$0x110] =	vst v27  }
0x12d: {  	v5 =	vld.idx.msk [tilespmem:v5+s18+$0x0], $0xffff;
	[tilespmem:s13+$0x120] =	vst v22  }
0x12e: {  	v10 =	vld.idx.msk [tilespmem:v10+s18+$0x0], $0xffff;
	[tilespmem:s13+$0x130] =	vst v23  }
0x12f: {  	[tilespmem:s13+$0x7D0] =	vst v21;
	v6 =	vld.idx.msk [tilespmem:v6+s18+$0x0], $0xffff  }
0x130: {  	[tilespmem:s13+$0x7E0] =	vst v2;
	v2 =	vld.idx.msk [tilespmem:v7+s18+$0x0], $0xffff  }
0x131: {  	[tilespmem:s13+$0x7F0] =	vst v3;
	v3 =	vld.idx.msk [tilespmem:v8+s18+$0x0], $0xffff  }
0x132: {  	[tilespmem:s13+$0x800] =	vst v4;
	v4 =	vld.idx.msk [tilespmem:v9+s18+$0x0], $0xffff  }
0x133: {  	[tilespmem:s13+$0x810] =	vst v5;
	v5 =	vld.idx.msk [tilespmem:v16+s18+$0x0], $0xffff  }
0x134: {  	[tilespmem:s13+$0x820] =	vst v10;
	v7 =	vld.idx.msk [tilespmem:v11+s18+$0x0], $0xffff  }
0x135: {  	[tilespmem:s13+$0x830] =	vst v6;
	v6 =	vld.idx.msk [tilespmem:v12+s18+$0x0], $0xffff  }
0x136: {  	[tilespmem:s13+$0x840] =	vst v2;
	v8 =	vld.idx.msk [tilespmem:v13+s18+$0x0], $0xffff  }
0x137: {  	[tilespmem:s13+$0x850] =	vst v3;
	v2 =	vld.idx.msk [tilespmem:v14+s18+$0x0], $0xffff  }
.Ltmp2:
0x138: {  	[tilespmem:s13+$0x860] =	vst v4;
	v3 =	vld.idx.msk [tilespmem:v15+s18+$0x0], $0xffff;
	(pc) =	sbr.rel @p0 .LBB2_3-.Ltmp2, $4  }
0x139: {  	[tilespmem:s13+$0x870] =	vst v5;
	v4 =	vld.idx.msk [tilespmem:v20+s18+$0x0], $0xffff  }
0x13a: {  	[tilespmem:s13+$0x880] =	vst v7;
	v5 =	vld.idx.msk [tilespmem:v17+s18+$0x0], $0xffff  }
0x13b: {  	[tilespmem:s13+$0x890] =	vst v6;
	v6 =	vld.idx.msk [tilespmem:v18+s18+$0x0], $0xffff  }
0x13c: {  	s6 =	sadd.s32 $0x190, s6;
	[tilespmem:s13+$0x8A0] =	vst v8;
	v7 =	vld.idx.msk [tilespmem:v19+s18+$0x0], $0xffff  }
0x13d: {  	[tilespmem:s13+$0x8B0] =	vst v2  }
0x13e: {  	[tilespmem:s13+$0x8C0] =	vst v3  }
0x13f: {  	[tilespmem:s13+$0x930] =	vst v1  }
0x140: {  	s2 =	smul.u32 $0xFA0, s0;
	[tilespmem:s13+$0x940] =	vst v0  }
0x141: {  	[tilespmem:s13+$0x8D0] =	vst v4  }
0x142: {  	[tilespmem:s13+$0x8E0] =	vst v5;
	s6 =	sadd.s32 s4, s2  }
0x143: {  	[tilespmem:s13+$0x8F0] =	vst v6;
	s6 =	sshrl.u32 s6, $0x3  }
0x144: {  	[tilespmem:s13+$0x900] =	vst v7;
	s6 =	sadd.s32 s5, s6;
	s13 =	sadd.s32 s8, s2  }
0x145: {  	[hbm4b:s6+s3] =	stream.linear.scatter [tilespmem:s19], [sflag:$0x3], $0x7D0, $0x38;
	[tilespmem:$0xCE20] =	vst v63  }
0x146: {  	s6 =	sshrl.u32 s13, $0x3  }
0x147: {  	s7 =	sadd.s32 s9, s2;
	s6 =	sadd.s32 s5, s6  }
0x148: {  	[hbm4b:s6+s3] =	stream.linear.scatter [tilespmem:s20], [sflag:$0x3], $0x7D0, $0x38;
	[tilespmem:$0xCE20] =	vst v63  }
0x149: {  	s6 =	sshrl.u32 s7, $0x3  }
0x14a: {  	s13 =	sadd.s32 s10, s2;
	s6 =	sadd.s32 s5, s6  }
0x14b: {  	[hbm4b:s6+s3] =	stream.linear.scatter [tilespmem:s21], [sflag:$0x3], $0x7D0, $0x38;
	[tilespmem:$0xCE20] =	vst v63  }
0x14c: {  	s6 =	sshrl.u32 s13, $0x3  }
0x14d: {  	p0 =	seq.s32 s0, $0x18;
	s6 =	sadd.s32 s5, s6  }
0x14e: {  	[hbm4b:s6+s3] =	stream.linear.scatter [tilespmem:s22], [sflag:$0x3], $0x7D0, $0x38;
	[tilespmem:$0xCE20] =	vst v63  }
0x14f: {  	p1 =	seq.s32 @!p0 s0, $0x0;
	s6 =	sshrl.u32 @!p0 s2, $0x3  }
0x150: {  	p1 =	por p0, !p1;
	s6 =	sadd.s32 @!p0 s1, s6  }
0x151: {  	s7 =	simm.s32 @!p0 $0x0;
	s13 =	simm.s32 @!p0 $0x8000;
	s6 =	sadd.s32 @!p0 $0x1F4, s6  }
0x152: {  	[tilespmem:s13], [sflag:$0x1] =	stream.linear.gather @!p0 [hbm4b:s6+s7], $0x7D0, $0x38;
	[tilespmem:$0xCE20] =	vst v63  }
0x153: {  	_ =	swait.ge @p1 [sflag:s30], $0x7D0  }
0x154: {  	[sflag:s30] =	ssyncset.done @p1 $0x0  }
0x155: {  	[sflag:s30] =	ssyncadd.s32 @p1 $0xFFFFF830  }
0x156: {  	_ =	swait.ge @p1 [sflag:s30], $0x7D0  }
0x157: {  	[sflag:s30] =	ssyncset.done @p1 $0x0  }
0x158: {  	[sflag:s30] =	ssyncadd.s32 @p1 $0xFFFFF830  }
0x159: {  	_ =	swait.ge @p1 [sflag:s30], $0x7D0  }
0x15a: {  	[sflag:s30] =	ssyncset.done @p1 $0x0  }
0x15b: {  	[sflag:s30] =	ssyncadd.s32 @p1 $0xFFFFF830  }
0x15c: {  	_ =	swait.ge @p1 [sflag:s30], $0x7D0  }
0x15d: {  	[sflag:s30] =	ssyncset.done @p1 $0x0  }
0x15e: {  	[sflag:s30] =	ssyncadd.s32 @p1 $0xFFFFF830  }
0x15f: {  	_ =	swait.ge [sflag:s23], $0x7D0  }
0x160: {  	[sflag:s23] =	ssyncset.done $0x0  }
0x161: {  	s7 =	simm.s32 $0x8950;
	[sflag:s23] =	ssyncadd.s32 $0xFFFFF830  }
0x162: {  	v0 =	vld [tilespmem:s7+$0xFFFFFFC0]  }
0x163: {  	v1 =	vld [tilespmem:s7+$0xFFFFFFD0]  }
0x164: {  	v20 =	vld [tilespmem:s7+$0xFFFFFFE0]  }
0x165: {  	v21 =	vld [tilespmem:s7+$0xFFFFFFF0]  }
0x166: {  	v22 =	vld [tilespmem:s7+$0x0]  }
0x167: {  	v4 =	vld [tilespmem:s7+$0xFFFFFE90]  }
0x168: {  	v3 =	vld [tilespmem:s7+$0xFFFFFEA0]  }
0x169: {  	v2 =	vld [tilespmem:s7+$0xFFFFFEB0]  }
0x16a: {  	v10 =	vld [tilespmem:s7+$0xFFFFFEC0]  }
0x16b: {  	v9 =	vld [tilespmem:s7+$0xFFFFFED0]  }
0x16c: {  	v16 =	vld [tilespmem:s7+$0xFFFFFF20]  }
0x16d: {  	v5 =	vld.idx.msk [tilespmem:v0+s3+$0x0], $0xffff  }
0x16e: {  	v6 =	vld.idx.msk [tilespmem:v1+s3+$0x0], $0xffff  }
0x16f: {  	v7 =	vld.idx.msk [tilespmem:v20+s3+$0x0], $0xffff  }
0x170: {  	v8 =	vld.idx.msk [tilespmem:v21+s3+$0x0], $0xffff  }
0x171: {  	v11 =	vld.idx.msk [tilespmem:v22+s3+$0x0], $0xffff  }
0x172: {  	v38 =	vld.idx.msk [tilespmem:v4+s3+$0x0], $0xffff  }
0x173: {  	v39 =	vld.idx.msk [tilespmem:v3+s3+$0x0], $0xffff  }
0x174: {  	v26 =	vld.idx.msk [tilespmem:v2+s3+$0x0], $0xffff  }
0x175: {  	v42 =	vld.idx.msk [tilespmem:v9+s3+$0x0], $0xffff  }
0x176: {  	s13 =	simm.s32 $0xC7D0;
	v47 =	vld.idx.msk [tilespmem:v16+s3+$0x0], $0xffff  }
0x177: {  	[tilespmem:s13+$0xFFFFE850] =	vst v5;
	v5 =	vld [tilespmem:s7+$0xFFFFFEE0]  }
0x178: {  	[tilespmem:s13+$0xFFFFE860] =	vst v6;
	v6 =	vld [tilespmem:s7+$0xFFFFFEF0]  }
0x179: {  	[tilespmem:s13+$0xFFFFE870] =	vst v7;
	v7 =	vld [tilespmem:s7+$0xFFFFFF00]  }
0x17a: {  	[tilespmem:s13+$0xFFFFE880] =	vst v8;
	v8 =	vld [tilespmem:s7+$0xFFFFFF10]  }
0x17b: {  	[tilespmem:s13+$0xFFFFE890] =	vst v11;
	v11 =	vld [tilespmem:s7+$0xFFFFFF30]  }
0x17c: {  	v12 =	vld.idx.msk [tilespmem:v0+s16+$0x0], $0xffff  }
0x17d: {  	v13 =	vld.idx.msk [tilespmem:v1+s16+$0x0], $0xffff  }
0x17e: {  	v14 =	vld.idx.msk [tilespmem:v20+s16+$0x0], $0xffff  }
0x17f: {  	v15 =	vld.idx.msk [tilespmem:v21+s16+$0x0], $0xffff  }
0x180: {  	v17 =	vld.idx.msk [tilespmem:v22+s16+$0x0], $0xffff  }
0x181: {  	[tilespmem:s13+$0xFFFFF020] =	vst v12;
	v12 =	vld [tilespmem:s7+$0xFFFFFF40]  }
0x182: {  	[tilespmem:s13+$0xFFFFF030] =	vst v13;
	v13 =	vld [tilespmem:s7+$0xFFFFFF50]  }
0x183: {  	[tilespmem:s13+$0xFFFFF040] =	vst v14;
	v14 =	vld [tilespmem:s7+$0xFFFFFF60]  }
0x184: {  	[tilespmem:s13+$0xFFFFF050] =	vst v15;
	v15 =	vld [tilespmem:s7+$0xFFFFFF70]  }
0x185: {  	[tilespmem:s13+$0xFFFFF060] =	vst v17;
	v17 =	vld [tilespmem:s7+$0xFFFFFF80]  }
0x186: {  	v18 =	vld.idx.msk [tilespmem:v0+s17+$0x0], $0xffff  }
0x187: {  	v19 =	vld.idx.msk [tilespmem:v1+s17+$0x0], $0xffff  }
0x188: {  	v23 =	vld.idx.msk [tilespmem:v20+s17+$0x0], $0xffff  }
0x189: {  	v24 =	vld.idx.msk [tilespmem:v21+s17+$0x0], $0xffff  }
0x18a: {  	v25 =	vld.idx.msk [tilespmem:v22+s17+$0x0], $0xffff  }
0x18b: {  	v43 =	vld.idx.msk [tilespmem:v5+s3+$0x0], $0xffff  }
0x18c: {  	v44 =	vld.idx.msk [tilespmem:v6+s3+$0x0], $0xffff  }
0x18d: {  	v45 =	vld.idx.msk [tilespmem:v7+s3+$0x0], $0xffff  }
0x18e: {  	v46 =	vld.idx.msk [tilespmem:v8+s3+$0x0], $0xffff;
	[tilespmem:s13+$0xFFFFF7F0] =	vst v18  }
0x18f: {  	v48 =	vld.idx.msk [tilespmem:v11+s3+$0x0], $0xffff;
	[tilespmem:s13+$0xFFFFF800] =	vst v19  }
0x190: {  	v18 =	vld [tilespmem:s7+$0xFFFFFF90];
	[tilespmem:s13+$0xFFFFF810] =	vst v23  }
0x191: {  	v19 =	vld [tilespmem:s7+$0xFFFFFFA0];
	[tilespmem:s13+$0xFFFFF820] =	vst v24  }
0x192: {  	v23 =	vld [tilespmem:s7+$0xFFFFFE80];
	[tilespmem:s13+$0xFFFFF830] =	vst v25  }
0x193: {  	[tilespmem:s13+$0xFFFFE760] =	vst v42;
	v22 =	vld.idx.msk [tilespmem:v22+s18+$0x0], $0xffff  }
0x194: {  	v27 =	vld.idx.msk [tilespmem:v0+s18+$0x0], $0xffff;
	[tilespmem:s13+$0xFFFFE770] =	vst v43  }
0x195: {  	v28 =	vld.idx.msk [tilespmem:v1+s18+$0x0], $0xffff;
	[tilespmem:s13+$0xFFFFE780] =	vst v44  }
0x196: {  	[tilespmem:s13+$0xFFFFE790] =	vst v45;
	v49 =	vld.idx.msk [tilespmem:v12+s3+$0x0], $0xffff  }
0x197: {  	[tilespmem:s13+$0xFFFFE7A0] =	vst v46;
	v50 =	vld.idx.msk [tilespmem:v13+s3+$0x0], $0xffff  }
0x198: {  	v51 =	vld.idx.msk [tilespmem:v14+s3+$0x0], $0xffff;
	[tilespmem:s13+$0xFFFFE7B0] =	vst v47  }
0x199: {  	v1 =	vld.idx.msk [tilespmem:v20+s18+$0x0], $0xffff;
	[tilespmem:s13+$0xFFFFE7C0] =	vst v48  }
0x19a: {  	v0 =	vld.idx.msk [tilespmem:v21+s18+$0x0], $0xffff;
	[tilespmem:s13+$0x0] =	vst v22  }
0x19b: {  	v62 =	vld.idx.msk [tilespmem:v9+s16+$0x0], $0xffff;
	[tilespmem:s13+$0xFFFFFFC0] =	vst v27  }
0x19c: {  	v63 =	vld.idx.msk [tilespmem:v5+s16+$0x0], $0xffff;
	[tilespmem:s13+$0xFFFFFFD0] =	vst v28  }
0x19d: {  	v30 =	vld.idx.msk [tilespmem:v6+s16+$0x0], $0xffff;
	[tilespmem:s13+$0xFFFFE7D0] =	vst v49  }
0x19e: {  	v31 =	vld.idx.msk [tilespmem:v7+s16+$0x0], $0xffff;
	[tilespmem:s13+$0xFFFFE7E0] =	vst v50  }
0x19f: {  	v32 =	vld.idx.msk [tilespmem:v8+s16+$0x0], $0xffff;
	[tilespmem:s13+$0xFFFFE7F0] =	vst v51  }
0x1a0: {  	v41 =	vld.idx.msk [tilespmem:v10+s3+$0x0], $0xffff;
	[tilespmem:s13+$0xFFFFEF30] =	vst v62  }
0x1a1: {  	v20 =	vld [tilespmem:s7+$0xFFFFFFB0];
	[tilespmem:s13+$0xFFFFEF40] =	vst v63  }
0x1a2: {  	v52 =	vld.idx.msk [tilespmem:v15+s3+$0x0], $0xffff;
	[tilespmem:s13+$0xFFFFEF50] =	vst v30  }
0x1a3: {  	v53 =	vld.idx.msk [tilespmem:v17+s3+$0x0], $0xffff;
	[tilespmem:s13+$0xFFFFEF60] =	vst v31  }
0x1a4: {  	[tilespmem:s13+$0xFFFFEF70] =	vst v32;
	v40 =	vld.idx.msk [tilespmem:v23+s3+$0x0], $0xffff  }
0x1a5: {  	[tilespmem:s13+$0xFFFFE720] =	vst v38;
	v54 =	vld.idx.msk [tilespmem:v18+s3+$0x0], $0xffff  }
0x1a6: {  	[tilespmem:s13+$0xFFFFE730] =	vst v39;
	v55 =	vld.idx.msk [tilespmem:v19+s3+$0x0], $0xffff  }
0x1a7: {  	[tilespmem:s13+$0xFFFFE740] =	vst v26;
	v33 =	vld.idx.msk [tilespmem:v16+s16+$0x0], $0xffff  }
0x1a8: {  	[tilespmem:s13+$0xFFFFE750] =	vst v41;
	v34 =	vld.idx.msk [tilespmem:v11+s16+$0x0], $0xffff  }
0x1a9: {  	v56 =	vld.idx.msk [tilespmem:v20+s3+$0x0], $0xffff;
	[tilespmem:s13+$0xFFFFE800] =	vst v52  }
0x1aa: {  	v35 =	vld.idx.msk [tilespmem:v12+s16+$0x0], $0xffff;
	[tilespmem:s13+$0xFFFFE810] =	vst v53  }
0x1ab: {  	v36 =	vld.idx.msk [tilespmem:v13+s16+$0x0], $0xffff;
	[tilespmem:s13+$0xFFFFE710] =	vst v40  }
0x1ac: {  	v37 =	vld.idx.msk [tilespmem:v14+s16+$0x0], $0xffff;
	[tilespmem:s13+$0xFFFFE820] =	vst v54  }
0x1ad: {  	v47 =	vld.idx.msk [tilespmem:v9+s17+$0x0], $0xffff;
	[tilespmem:s13+$0xFFFFE830] =	vst v55  }
0x1ae: {  	v48 =	vld.idx.msk [tilespmem:v5+s17+$0x0], $0xffff;
	[tilespmem:s13+$0xFFFFEF80] =	vst v33  }
0x1af: {  	v49 =	vld.idx.msk [tilespmem:v6+s17+$0x0], $0xffff;
	[tilespmem:s13+$0xFFFFEF90] =	vst v34  }
0x1b0: {  	v50 =	vld.idx.msk [tilespmem:v7+s17+$0x0], $0xffff;
	[tilespmem:s13+$0xFFFFEFA0] =	vst v35  }
0x1b1: {  	v51 =	vld.idx.msk [tilespmem:v8+s17+$0x0], $0xffff;
	[tilespmem:s13+$0xFFFFEFB0] =	vst v36  }
0x1b2: {  	[tilespmem:s13+$0xFFFFEFC0] =	vst v37;
	v57 =	vld.idx.msk [tilespmem:v23+s16+$0x0], $0xffff  }
0x1b3: {  	[tilespmem:s13+$0xFFFFF700] =	vst v47;
	v58 =	vld.idx.msk [tilespmem:v4+s16+$0x0], $0xffff  }
0x1b4: {  	[tilespmem:s13+$0xFFFFF710] =	vst v48;
	v59 =	vld.idx.msk [tilespmem:v3+s16+$0x0], $0xffff  }
0x1b5: {  	[tilespmem:s13+$0xFFFFF720] =	vst v49;
	v60 =	vld.idx.msk [tilespmem:v2+s16+$0x0], $0xffff  }
0x1b6: {  	[tilespmem:s13+$0xFFFFF730] =	vst v50;
	v61 =	vld.idx.msk [tilespmem:v10+s16+$0x0], $0xffff  }
0x1b7: {  	[tilespmem:s13+$0xFFFFF740] =	vst v51;
	v52 =	vld.idx.msk [tilespmem:v16+s17+$0x0], $0xffff  }
0x1b8: {  	[tilespmem:s13+$0xFFFFE840] =	vst v56;
	v53 =	vld.idx.msk [tilespmem:v11+s17+$0x0], $0xffff  }
0x1b9: {  	v54 =	vld.idx.msk [tilespmem:v12+s17+$0x0], $0xffff;
	[tilespmem:s13+$0xFFFFEEE0] =	vst v57  }
0x1ba: {  	v55 =	vld.idx.msk [tilespmem:v13+s17+$0x0], $0xffff;
	[tilespmem:s13+$0xFFFFEEF0] =	vst v58  }
0x1bb: {  	v56 =	vld.idx.msk [tilespmem:v14+s17+$0x0], $0xffff;
	[tilespmem:s13+$0xFFFFEF00] =	vst v59  }
0x1bc: {  	v9 =	vld.idx.msk [tilespmem:v9+s18+$0x0], $0xffff;
	[tilespmem:s13+$0xFFFFEF10] =	vst v60  }
0x1bd: {  	v5 =	vld.idx.msk [tilespmem:v5+s18+$0x0], $0xffff;
	[tilespmem:s13+$0xFFFFEF20] =	vst v61  }
0x1be: {  	v38 =	vld.idx.msk [tilespmem:v15+s16+$0x0], $0xffff;
	[tilespmem:s13+$0xFFFFF750] =	vst v52  }
0x1bf: {  	v39 =	vld.idx.msk [tilespmem:v17+s16+$0x0], $0xffff;
	[tilespmem:s13+$0xFFFFF760] =	vst v53  }
0x1c0: {  	v40 =	vld.idx.msk [tilespmem:v18+s16+$0x0], $0xffff;
	[tilespmem:s13+$0xFFFFF770] =	vst v54  }
0x1c1: {  	v41 =	vld.idx.msk [tilespmem:v19+s16+$0x0], $0xffff;
	[tilespmem:s13+$0xFFFFF780] =	vst v55  }
0x1c2: {  	v42 =	vld.idx.msk [tilespmem:v20+s16+$0x0], $0xffff;
	[tilespmem:s13+$0xFFFFF790] =	vst v56  }
0x1c3: {  	v28 =	vld.idx.msk [tilespmem:v23+s17+$0x0], $0xffff;
	[tilespmem:s13+$0xFFFFEFD0] =	vst v38  }
0x1c4: {  	v43 =	vld.idx.msk [tilespmem:v4+s17+$0x0], $0xffff;
	[tilespmem:s13+$0xFFFFEFE0] =	vst v39  }
0x1c5: {  	v44 =	vld.idx.msk [tilespmem:v3+s17+$0x0], $0xffff;
	[tilespmem:s13+$0xFFFFEFF0] =	vst v40  }
0x1c6: {  	v45 =	vld.idx.msk [tilespmem:v2+s17+$0x0], $0xffff;
	[tilespmem:s13+$0xFFFFF000] =	vst v41  }
0x1c7: {  	v46 =	vld.idx.msk [tilespmem:v10+s17+$0x0], $0xffff;
	[tilespmem:s13+$0xFFFFF010] =	vst v42  }
0x1c8: {  	v57 =	vld.idx.msk [tilespmem:v15+s17+$0x0], $0xffff;
	[tilespmem:s13+$0xFFFFF6B0] =	vst v28  }
0x1c9: {  	v58 =	vld.idx.msk [tilespmem:v17+s17+$0x0], $0xffff;
	[tilespmem:s13+$0xFFFFF6C0] =	vst v43  }
0x1ca: {  	v59 =	vld.idx.msk [tilespmem:v18+s17+$0x0], $0xffff;
	[tilespmem:s13+$0xFFFFF6D0] =	vst v44  }
0x1cb: {  	v60 =	vld.idx.msk [tilespmem:v19+s17+$0x0], $0xffff;
	[tilespmem:s13+$0xFFFFF6E0] =	vst v45  }
0x1cc: {  	v61 =	vld.idx.msk [tilespmem:v20+s17+$0x0], $0xffff;
	[tilespmem:s13+$0xFFFFF6F0] =	vst v46  }
0x1cd: {  	v23 =	vld.idx.msk [tilespmem:v23+s18+$0x0], $0xffff;
	[tilespmem:s13+$0xFFFFF7A0] =	vst v57  }
0x1ce: {  	v4 =	vld.idx.msk [tilespmem:v4+s18+$0x0], $0xffff;
	[tilespmem:s13+$0xFFFFF7B0] =	vst v58  }
0x1cf: {  	v3 =	vld.idx.msk [tilespmem:v3+s18+$0x0], $0xffff;
	[tilespmem:s13+$0xFFFFF7C0] =	vst v59  }
0x1d0: {  	v2 =	vld.idx.msk [tilespmem:v2+s18+$0x0], $0xffff;
	[tilespmem:s13+$0xFFFFF7D0] =	vst v60  }
0x1d1: {  	v10 =	vld.idx.msk [tilespmem:v10+s18+$0x0], $0xffff;
	[tilespmem:s13+$0xFFFFF7E0] =	vst v61  }
0x1d2: {  	v62 =	vld.idx.msk [tilespmem:v12+s18+$0x0], $0xffff;
	[tilespmem:s13+$0xFFFFFE80] =	vst v23  }
0x1d3: {  	v63 =	vld.idx.msk [tilespmem:v13+s18+$0x0], $0xffff;
	[tilespmem:s13+$0xFFFFFE90] =	vst v4  }
0x1d4: {  	v4 =	vld.idx.msk [tilespmem:v6+s18+$0x0], $0xffff;
	[tilespmem:s13+$0xFFFFFEA0] =	vst v3  }
0x1d5: {  	v3 =	vld.idx.msk [tilespmem:v7+s18+$0x0], $0xffff;
	[tilespmem:s13+$0xFFFFFEB0] =	vst v2  }
0x1d6: {  	v6 =	vld.idx.msk [tilespmem:v8+s18+$0x0], $0xffff;
	[tilespmem:s13+$0xFFFFFEC0] =	vst v10  }
0x1d7: {  	v7 =	vld.idx.msk [tilespmem:v16+s18+$0x0], $0xffff;
	[tilespmem:s13+$0xFFFFFED0] =	vst v9  }
0x1d8: {  	v8 =	vld.idx.msk [tilespmem:v11+s18+$0x0], $0xffff;
	[tilespmem:s13+$0xFFFFFEE0] =	vst v5  }
0x1d9: {  	v2 =	vld.idx.msk [tilespmem:v14+s18+$0x0], $0xffff;
	[tilespmem:s13+$0xFFFFFF40] =	vst v62  }
0x1da: {  	[tilespmem:s13+$0xFFFFFF50] =	vst v63  }
0x1db: {  	v5 =	vld.idx.msk [tilespmem:v18+s18+$0x0], $0xffff;
	[tilespmem:s13+$0xFFFFFEF0] =	vst v4  }
0x1dc: {  	[tilespmem:s13+$0xFFFFFF00] =	vst v3;
	v3 =	vld.idx.msk [tilespmem:v15+s18+$0x0], $0xffff  }
0x1dd: {  	[tilespmem:s13+$0xFFFFFF10] =	vst v6;
	v4 =	vld.idx.msk [tilespmem:v17+s18+$0x0], $0xffff  }
0x1de: {  	[tilespmem:s13+$0xFFFFFF20] =	vst v7;
	v6 =	vld.idx.msk [tilespmem:v19+s18+$0x0], $0xffff  }
0x1df: {  	s6 =	simm.s32 $0x0;
	s7 =	simm.s32 $0x8AE0;
	[tilespmem:s13+$0xFFFFFF30] =	vst v8;
	v7 =	vld.idx.msk [tilespmem:v20+s18+$0x0], $0xffff  }
.LBB2_5:
0x1e0: {  	v22 =	vld [tilespmem:s7+$0xFFFFFFC0];
	[tilespmem:s13+$0xFFFFFF60] =	vst v2  }
0x1e1: {  	v23 =	vld [tilespmem:s7+$0xFFFFFFD0];
	[tilespmem:s13+$0xFFFFFF70] =	vst v3  }
0x1e2: {  	v24 =	vld [tilespmem:s7+$0xFFFFFFE0];
	[tilespmem:s13+$0xFFFFFF80] =	vst v4  }
0x1e3: {  	v25 =	vld [tilespmem:s7+$0xFFFFFFF0];
	[tilespmem:s13+$0xFFFFFF90] =	vst v5  }
0x1e4: {  	v26 =	vld [tilespmem:s7+$0x0];
	[tilespmem:s13+$0xFFFFFFA0] =	vst v6  }
0x1e5: {  	v2 =	vld [tilespmem:s7+$0xFFFFFE90];
	[tilespmem:s13+$0xFFFFFFB0] =	vst v7  }
0x1e6: {  	v3 =	vld [tilespmem:s7+$0xFFFFFEA0];
	[tilespmem:s13+$0xFFFFFFE0] =	vst v1  }
0x1e7: {  	v4 =	vld [tilespmem:s7+$0xFFFFFEB0];
	[tilespmem:s13+$0xFFFFFFF0] =	vst v0  }
0x1e8: {  	v0 =	vld.idx.msk [tilespmem:v22+s3+$0x0], $0xffff  }
0x1e9: {  	v1 =	vld.idx.msk [tilespmem:v23+s3+$0x0], $0xffff  }
0x1ea: {  	v8 =	vld.idx.msk [tilespmem:v24+s3+$0x0], $0xffff  }
0x1eb: {  	v9 =	vld.idx.msk [tilespmem:v25+s3+$0x0], $0xffff  }
0x1ec: {  	s6 =	sadd.s32 $0x5, s6;
	v11 =	vld.idx.msk [tilespmem:v26+s3+$0x0], $0xffff  }
0x1ed: {  	p1 =	slt.u32 s6, $0x14;
	s13 =	sadd.s32 $0x190, s13;
	v5 =	vld [tilespmem:s7+$0xFFFFFEC0]  }
0x1ee: {  	v10 =	vld [tilespmem:s7+$0xFFFFFED0];
	[tilespmem:s13+$0xFFFFE850] =	vst v0  }
0x1ef: {  	v6 =	vld [tilespmem:s7+$0xFFFFFEE0];
	[tilespmem:s13+$0xFFFFE860] =	vst v1  }
0x1f0: {  	v7 =	vld [tilespmem:s7+$0xFFFFFEF0];
	[tilespmem:s13+$0xFFFFE870] =	vst v8  }
0x1f1: {  	v8 =	vld [tilespmem:s7+$0xFFFFFF00];
	[tilespmem:s13+$0xFFFFE880] =	vst v9  }
0x1f2: {  	v9 =	vld [tilespmem:s7+$0xFFFFFF10];
	[tilespmem:s13+$0xFFFFE890] =	vst v11  }
0x1f3: {  	v0 =	vld.idx.msk [tilespmem:v22+s16+$0x0], $0xffff  }
0x1f4: {  	v1 =	vld.idx.msk [tilespmem:v23+s16+$0x0], $0xffff  }
0x1f5: {  	v14 =	vld.idx.msk [tilespmem:v24+s16+$0x0], $0xffff  }
0x1f6: {  	v15 =	vld.idx.msk [tilespmem:v25+s16+$0x0], $0xffff  }
0x1f7: {  	v17 =	vld.idx.msk [tilespmem:v26+s16+$0x0], $0xffff  }
0x1f8: {  	v16 =	vld [tilespmem:s7+$0xFFFFFF20]  }
0x1f9: {  	v11 =	vld [tilespmem:s7+$0xFFFFFF30];
	[tilespmem:s13+$0xFFFFF020] =	vst v0  }
0x1fa: {  	v12 =	vld [tilespmem:s7+$0xFFFFFF40];
	[tilespmem:s13+$0xFFFFF030] =	vst v1  }
0x1fb: {  	v13 =	vld [tilespmem:s7+$0xFFFFFF50];
	[tilespmem:s13+$0xFFFFF040] =	vst v14  }
0x1fc: {  	v14 =	vld [tilespmem:s7+$0xFFFFFF60];
	[tilespmem:s13+$0xFFFFF050] =	vst v15  }
0x1fd: {  	v15 =	vld [tilespmem:s7+$0xFFFFFF70];
	[tilespmem:s13+$0xFFFFF060] =	vst v17  }
0x1fe: {  	v0 =	vld.idx.msk [tilespmem:v22+s17+$0x0], $0xffff  }
0x1ff: {  	v1 =	vld.idx.msk [tilespmem:v23+s17+$0x0], $0xffff  }
0x200: {  	v21 =	vld.idx.msk [tilespmem:v24+s17+$0x0], $0xffff  }
0x201: {  	v27 =	vld.idx.msk [tilespmem:v25+s17+$0x0], $0xffff  }
0x202: {  	v28 =	vld.idx.msk [tilespmem:v26+s17+$0x0], $0xffff  }
0x203: {  	v20 =	vld [tilespmem:s7+$0xFFFFFF80]  }
0x204: {  	v17 =	vld [tilespmem:s7+$0xFFFFFF90];
	[tilespmem:s13+$0xFFFFF7F0] =	vst v0  }
0x205: {  	v18 =	vld [tilespmem:s7+$0xFFFFFFA0];
	[tilespmem:s13+$0xFFFFF800] =	vst v1  }
0x206: {  	v19 =	vld [tilespmem:s7+$0xFFFFFFB0];
	[tilespmem:s13+$0xFFFFF810] =	vst v21  }
0x207: {  	v21 =	vld [tilespmem:s7+$0xFFFFFE80];
	[tilespmem:s13+$0xFFFFF820] =	vst v27  }
0x208: {  	v27 =	vld.idx.msk [tilespmem:v2+s3+$0x0], $0xffff;
	[tilespmem:s13+$0xFFFFF830] =	vst v28  }
0x209: {  	v26 =	vld.idx.msk [tilespmem:v26+s18+$0x0], $0xffff  }
0x20a: {  	v28 =	vld.idx.msk [tilespmem:v3+s3+$0x0], $0xffff  }
0x20b: {  	v29 =	vld.idx.msk [tilespmem:v4+s3+$0x0], $0xffff  }
0x20c: {  	v22 =	vld.idx.msk [tilespmem:v22+s18+$0x0], $0xffff  }
0x20d: {  	v23 =	vld.idx.msk [tilespmem:v23+s18+$0x0], $0xffff  }
0x20e: {  	v1 =	vld.idx.msk [tilespmem:v24+s18+$0x0], $0xffff  }
0x20f: {  	v0 =	vld.idx.msk [tilespmem:v25+s18+$0x0], $0xffff;
	[tilespmem:s13+$0x0] =	vst v26  }
0x210: {  	v24 =	vld.idx.msk [tilespmem:v21+s3+$0x0], $0xffff  }
0x211: {  	v25 =	vld.idx.msk [tilespmem:v5+s3+$0x0], $0xffff;
	[tilespmem:s13+$0xFFFFE720] =	vst v27  }
0x212: {  	[tilespmem:s13+$0xFFFFE730] =	vst v28;
	v26 =	vld.idx.msk [tilespmem:v10+s3+$0x0], $0xffff  }
0x213: {  	[tilespmem:s13+$0xFFFFE740] =	vst v29;
	v27 =	vld.idx.msk [tilespmem:v6+s3+$0x0], $0xffff  }
0x214: {  	v28 =	vld.idx.msk [tilespmem:v7+s3+$0x0], $0xffff;
	[tilespmem:s13+$0xFFFFFFC0] =	vst v22  }
0x215: {  	v22 =	vld.idx.msk [tilespmem:v8+s3+$0x0], $0xffff;
	[tilespmem:s13+$0xFFFFFFD0] =	vst v23  }
0x216: {  	[tilespmem:s13+$0xFFFFE710] =	vst v24;
	v23 =	vld.idx.msk [tilespmem:v9+s3+$0x0], $0xffff  }
0x217: {  	[tilespmem:s13+$0xFFFFE750] =	vst v25;
	v24 =	vld.idx.msk [tilespmem:v16+s3+$0x0], $0xffff  }
0x218: {  	[tilespmem:s13+$0xFFFFE760] =	vst v26;
	v25 =	vld.idx.msk [tilespmem:v11+s3+$0x0], $0xffff  }
0x219: {  	[tilespmem:s13+$0xFFFFE770] =	vst v27;
	v26 =	vld.idx.msk [tilespmem:v12+s3+$0x0], $0xffff  }
0x21a: {  	[tilespmem:s13+$0xFFFFE780] =	vst v28;
	v27 =	vld.idx.msk [tilespmem:v13+s3+$0x0], $0xffff  }
0x21b: {  	[tilespmem:s13+$0xFFFFE790] =	vst v22;
	v22 =	vld.idx.msk [tilespmem:v14+s3+$0x0], $0xffff  }
0x21c: {  	[tilespmem:s13+$0xFFFFE7A0] =	vst v23;
	v23 =	vld.idx.msk [tilespmem:v15+s3+$0x0], $0xffff  }
0x21d: {  	[tilespmem:s13+$0xFFFFE7B0] =	vst v24;
	v24 =	vld.idx.msk [tilespmem:v20+s3+$0x0], $0xffff  }
0x21e: {  	[tilespmem:s13+$0xFFFFE7C0] =	vst v25;
	v25 =	vld.idx.msk [tilespmem:v17+s3+$0x0], $0xffff  }
0x21f: {  	[tilespmem:s13+$0xFFFFE7D0] =	vst v26;
	v26 =	vld.idx.msk [tilespmem:v18+s3+$0x0], $0xffff  }
0x220: {  	[tilespmem:s13+$0xFFFFE7E0] =	vst v27;
	v27 =	vld.idx.msk [tilespmem:v19+s3+$0x0], $0xffff  }
0x221: {  	v28 =	vld.idx.msk [tilespmem:v21+s16+$0x0], $0xffff;
	[tilespmem:s13+$0xFFFFE7F0] =	vst v22  }
0x222: {  	v22 =	vld.idx.msk [tilespmem:v2+s16+$0x0], $0xffff;
	[tilespmem:s13+$0xFFFFE800] =	vst v23  }
0x223: {  	v23 =	vld.idx.msk [tilespmem:v3+s16+$0x0], $0xffff;
	[tilespmem:s13+$0xFFFFE810] =	vst v24  }
0x224: {  	v24 =	vld.idx.msk [tilespmem:v4+s16+$0x0], $0xffff;
	[tilespmem:s13+$0xFFFFE820] =	vst v25  }
0x225: {  	v25 =	vld.idx.msk [tilespmem:v5+s16+$0x0], $0xffff;
	[tilespmem:s13+$0xFFFFE830] =	vst v26  }
0x226: {  	v26 =	vld.idx.msk [tilespmem:v10+s16+$0x0], $0xffff;
	[tilespmem:s13+$0xFFFFE840] =	vst v27  }
0x227: {  	[tilespmem:s13+$0xFFFFEEE0] =	vst v28;
	v27 =	vld.idx.msk [tilespmem:v6+s16+$0x0], $0xffff  }
0x228: {  	[tilespmem:s13+$0xFFFFEEF0] =	vst v22;
	v22 =	vld.idx.msk [tilespmem:v7+s16+$0x0], $0xffff  }
0x229: {  	[tilespmem:s13+$0xFFFFEF00] =	vst v23;
	v23 =	vld.idx.msk [tilespmem:v8+s16+$0x0], $0xffff  }
0x22a: {  	[tilespmem:s13+$0xFFFFEF10] =	vst v24;
	v24 =	vld.idx.msk [tilespmem:v9+s16+$0x0], $0xffff  }
0x22b: {  	[tilespmem:s13+$0xFFFFEF20] =	vst v25;
	v25 =	vld.idx.msk [tilespmem:v16+s16+$0x0], $0xffff  }
0x22c: {  	[tilespmem:s13+$0xFFFFEF30] =	vst v26;
	v26 =	vld.idx.msk [tilespmem:v11+s16+$0x0], $0xffff  }
0x22d: {  	[tilespmem:s13+$0xFFFFEF40] =	vst v27;
	v27 =	vld.idx.msk [tilespmem:v12+s16+$0x0], $0xffff  }
0x22e: {  	[tilespmem:s13+$0xFFFFEF50] =	vst v22;
	v22 =	vld.idx.msk [tilespmem:v13+s16+$0x0], $0xffff  }
0x22f: {  	[tilespmem:s13+$0xFFFFEF60] =	vst v23;
	v23 =	vld.idx.msk [tilespmem:v14+s16+$0x0], $0xffff  }
0x230: {  	[tilespmem:s13+$0xFFFFEF70] =	vst v24;
	v24 =	vld.idx.msk [tilespmem:v15+s16+$0x0], $0xffff  }
0x231: {  	[tilespmem:s13+$0xFFFFEF80] =	vst v25;
	v25 =	vld.idx.msk [tilespmem:v20+s16+$0x0], $0xffff  }
0x232: {  	[tilespmem:s13+$0xFFFFEF90] =	vst v26;
	v26 =	vld.idx.msk [tilespmem:v17+s16+$0x0], $0xffff  }
0x233: {  	[tilespmem:s13+$0xFFFFEFA0] =	vst v27;
	v27 =	vld.idx.msk [tilespmem:v18+s16+$0x0], $0xffff  }
0x234: {  	[tilespmem:s13+$0xFFFFEFB0] =	vst v22;
	v22 =	vld.idx.msk [tilespmem:v19+s16+$0x0], $0xffff  }
0x235: {  	v28 =	vld.idx.msk [tilespmem:v21+s17+$0x0], $0xffff;
	[tilespmem:s13+$0xFFFFEFC0] =	vst v23  }
0x236: {  	v23 =	vld.idx.msk [tilespmem:v2+s17+$0x0], $0xffff;
	[tilespmem:s13+$0xFFFFEFD0] =	vst v24  }
0x237: {  	v24 =	vld.idx.msk [tilespmem:v3+s17+$0x0], $0xffff;
	[tilespmem:s13+$0xFFFFEFE0] =	vst v25  }
0x238: {  	v25 =	vld.idx.msk [tilespmem:v4+s17+$0x0], $0xffff;
	[tilespmem:s13+$0xFFFFEFF0] =	vst v26  }
0x239: {  	v26 =	vld.idx.msk [tilespmem:v5+s17+$0x0], $0xffff;
	[tilespmem:s13+$0xFFFFF000] =	vst v27  }
0x23a: {  	v27 =	vld.idx.msk [tilespmem:v10+s17+$0x0], $0xffff;
	[tilespmem:s13+$0xFFFFF010] =	vst v22  }
0x23b: {  	[tilespmem:s13+$0xFFFFF6B0] =	vst v28;
	v22 =	vld.idx.msk [tilespmem:v6+s17+$0x0], $0xffff  }
0x23c: {  	[tilespmem:s13+$0xFFFFF6C0] =	vst v23;
	v23 =	vld.idx.msk [tilespmem:v7+s17+$0x0], $0xffff  }
0x23d: {  	[tilespmem:s13+$0xFFFFF6D0] =	vst v24;
	v24 =	vld.idx.msk [tilespmem:v8+s17+$0x0], $0xffff  }
0x23e: {  	[tilespmem:s13+$0xFFFFF6E0] =	vst v25;
	v25 =	vld.idx.msk [tilespmem:v9+s17+$0x0], $0xffff  }
0x23f: {  	[tilespmem:s13+$0xFFFFF6F0] =	vst v26;
	v26 =	vld.idx.msk [tilespmem:v16+s17+$0x0], $0xffff  }
0x240: {  	[tilespmem:s13+$0xFFFFF700] =	vst v27;
	v27 =	vld.idx.msk [tilespmem:v11+s17+$0x0], $0xffff  }
0x241: {  	[tilespmem:s13+$0xFFFFF710] =	vst v22;
	v22 =	vld.idx.msk [tilespmem:v12+s17+$0x0], $0xffff  }
0x242: {  	[tilespmem:s13+$0xFFFFF720] =	vst v23;
	v23 =	vld.idx.msk [tilespmem:v13+s17+$0x0], $0xffff  }
0x243: {  	[tilespmem:s13+$0xFFFFF730] =	vst v24;
	v24 =	vld.idx.msk [tilespmem:v14+s17+$0x0], $0xffff  }
0x244: {  	[tilespmem:s13+$0xFFFFF740] =	vst v25;
	v25 =	vld.idx.msk [tilespmem:v15+s17+$0x0], $0xffff  }
0x245: {  	[tilespmem:s13+$0xFFFFF750] =	vst v26;
	v26 =	vld.idx.msk [tilespmem:v20+s17+$0x0], $0xffff  }
0x246: {  	[tilespmem:s13+$0xFFFFF760] =	vst v27;
	v27 =	vld.idx.msk [tilespmem:v17+s17+$0x0], $0xffff  }
0x247: {  	[tilespmem:s13+$0xFFFFF770] =	vst v22;
	v22 =	vld.idx.msk [tilespmem:v18+s17+$0x0], $0xffff  }
0x248: {  	[tilespmem:s13+$0xFFFFF780] =	vst v23;
	v23 =	vld.idx.msk [tilespmem:v19+s17+$0x0], $0xffff  }
0x249: {  	v21 =	vld.idx.msk [tilespmem:v21+s18+$0x0], $0xffff;
	[tilespmem:s13+$0xFFFFF790] =	vst v24  }
0x24a: {  	v2 =	vld.idx.msk [tilespmem:v2+s18+$0x0], $0xffff;
	[tilespmem:s13+$0xFFFFF7A0] =	vst v25  }
0x24b: {  	v3 =	vld.idx.msk [tilespmem:v3+s18+$0x0], $0xffff;
	[tilespmem:s13+$0xFFFFF7B0] =	vst v26  }
0x24c: {  	v4 =	vld.idx.msk [tilespmem:v4+s18+$0x0], $0xffff;
	[tilespmem:s13+$0xFFFFF7C0] =	vst v27  }
0x24d: {  	v5 =	vld.idx.msk [tilespmem:v5+s18+$0x0], $0xffff;
	[tilespmem:s13+$0xFFFFF7D0] =	vst v22  }
0x24e: {  	v10 =	vld.idx.msk [tilespmem:v10+s18+$0x0], $0xffff;
	[tilespmem:s13+$0xFFFFF7E0] =	vst v23  }
0x24f: {  	[tilespmem:s13+$0xFFFFFE80] =	vst v21;
	v6 =	vld.idx.msk [tilespmem:v6+s18+$0x0], $0xffff  }
0x250: {  	[tilespmem:s13+$0xFFFFFE90] =	vst v2;
	v2 =	vld.idx.msk [tilespmem:v7+s18+$0x0], $0xffff  }
0x251: {  	[tilespmem:s13+$0xFFFFFEA0] =	vst v3;
	v3 =	vld.idx.msk [tilespmem:v8+s18+$0x0], $0xffff  }
0x252: {  	[tilespmem:s13+$0xFFFFFEB0] =	vst v4;
	v4 =	vld.idx.msk [tilespmem:v9+s18+$0x0], $0xffff  }
0x253: {  	[tilespmem:s13+$0xFFFFFEC0] =	vst v5;
	v5 =	vld.idx.msk [tilespmem:v16+s18+$0x0], $0xffff  }
0x254: {  	[tilespmem:s13+$0xFFFFFED0] =	vst v10;
	v7 =	vld.idx.msk [tilespmem:v11+s18+$0x0], $0xffff  }
0x255: {  	[tilespmem:s13+$0xFFFFFEE0] =	vst v6;
	v6 =	vld.idx.msk [tilespmem:v12+s18+$0x0], $0xffff  }
0x256: {  	[tilespmem:s13+$0xFFFFFEF0] =	vst v2;
	v8 =	vld.idx.msk [tilespmem:v13+s18+$0x0], $0xffff  }
0x257: {  	[tilespmem:s13+$0xFFFFFF00] =	vst v3;
	v2 =	vld.idx.msk [tilespmem:v14+s18+$0x0], $0xffff  }
.Ltmp3:
0x258: {  	[tilespmem:s13+$0xFFFFFF10] =	vst v4;
	v3 =	vld.idx.msk [tilespmem:v15+s18+$0x0], $0xffff;
	(pc) =	sbr.rel @p1 .LBB2_5-.Ltmp3, $4  }
0x259: {  	[tilespmem:s13+$0xFFFFFF20] =	vst v5;
	v4 =	vld.idx.msk [tilespmem:v20+s18+$0x0], $0xffff  }
0x25a: {  	[tilespmem:s13+$0xFFFFFF30] =	vst v7;
	v5 =	vld.idx.msk [tilespmem:v17+s18+$0x0], $0xffff  }
0x25b: {  	[tilespmem:s13+$0xFFFFFF40] =	vst v6;
	v6 =	vld.idx.msk [tilespmem:v18+s18+$0x0], $0xffff  }
0x25c: {  	s7 =	sadd.s32 $0x190, s7;
	[tilespmem:s13+$0xFFFFFF50] =	vst v8;
	v7 =	vld.idx.msk [tilespmem:v19+s18+$0x0], $0xffff  }
0x25d: {  	[tilespmem:s13+$0xFFFFFF60] =	vst v2  }
0x25e: {  	[tilespmem:s13+$0xFFFFFF70] =	vst v3  }
0x25f: {  	[tilespmem:s13+$0xFFFFFFE0] =	vst v1  }
0x260: {  	[tilespmem:s13+$0xFFFFFFF0] =	vst v0  }
0x261: {  	s6 =	sadd.s32 $0x7D0, s2;
	[tilespmem:s13+$0xFFFFFF80] =	vst v4  }
0x262: {  	s7 =	sadd.s32 s4, s6;
	[tilespmem:s13+$0xFFFFFF90] =	vst v5  }
0x263: {  	s7 =	sshrl.u32 s7, $0x3;
	[tilespmem:s13+$0xFFFFFFA0] =	vst v6  }
0x264: {  	s7 =	sadd.s32 s5, s7;
	[tilespmem:s13+$0xFFFFFFB0] =	vst v7;
	s13 =	sadd.s32 s8, s6  }
0x265: {  	[hbm4b:s7+s3] =	stream.linear.scatter [tilespmem:s24], [sflag:$0x4], $0x7D0, $0x38;
	[tilespmem:$0xCE20] =	vst v63  }
0x266: {  	s7 =	sshrl.u32 s13, $0x3  }
0x267: {  	s13 =	sadd.s32 s9, s6;
	s7 =	sadd.s32 s5, s7  }
0x268: {  	[hbm4b:s7+s3] =	stream.linear.scatter [tilespmem:s25], [sflag:$0x4], $0x7D0, $0x38;
	[tilespmem:$0xCE20] =	vst v63  }
.Ltmp4:
0x269: {  	s6 =	sadd.s32 s10, s6;
	s7 =	sshrl.u32 s13, $0x3;
	(pc) =	sbr.rel @p0 .LBB2_8-.Ltmp4, $4  }
0x26a: {  	s6 =	sshrl.u32 s6, $0x3;
	s7 =	sadd.s32 s5, s7  }
0x26b: {  	[hbm4b:s7+s3] =	stream.linear.scatter [tilespmem:s26], [sflag:$0x4], $0x7D0, $0x38;
	[tilespmem:$0xCE20] =	vst v63  }
0x26c: {  	s6 =	sadd.s32 s5, s6  }
0x26d: {  	[hbm4b:s6+s3] =	stream.linear.scatter [tilespmem:s28], [sflag:$0x4], $0x7D0, $0x38;
	[tilespmem:$0xCE20] =	vst v63  }
.Ltmp5:
0x26e: {  	(pc) =	sbr.rel .LBB2_2-.Ltmp5, $4  }
0x26f: {  	s2 =	sshrl.u32 s2, $0x3  }
0x270: {  	s2 =	sadd.s32 s1, s2  }
0x271: {  	s0 =	sadd.s32 $0x1, s0;
	s2 =	sadd.s32 $0x2EE, s2  }
0x272: {  	[tilespmem:s14], [sflag:$0x2] =	stream.linear.gather [hbm4b:s2+s3], $0x7D0, $0x38;
	[tilespmem:$0xCE20] =	vst v63  }
.LBB2_9:
0x273: {  	_ =	sfence.sel $0x180000  }
0x274: {  	[bflag:$0x0] =	sbarrier.arrive $0xFFFF  }
0x275: {  	_ =	strace $0x90000047  }
0x276: {  	s0 =	stileid.u32;
	[bflag:$0x2] =	sbarrier.arrive $0xFFFF  }
0x277: {  	p0 =	sne.s32 s0, $0x0;
	s0 =	rddreg [dreg:$0x3]  }
0x278: {  	s0 =	sadd.s32 @!p0 $0x100000, s0  }
0x279: {  	[sflag:s0] =	ssyncadd.tile.s32 @!p0 $0x1;
	_ =	shalt  }
.Lfunc_end2:
_tile_overlayer_lowered:
.L_overlay_start_2:
0x27a: {  	(tag) =	ssettag $0x2  }
0x27b: {  	s0 =	rddreg [dreg:$0x0];
	s2 =	stileid.u32  }
0x27c: {  	s1 =	rddreg [dreg:$0x1];
	p0 =	sne.s32 s2, $0x0  }
0x27d: {  	s3 =	rddreg [dreg:$0x2];
	[bflag:$0x3] =	sbarrier.arrive $0xFFFF;
	s2 =	simm.s32 @!p0 $0x1C05  }
0x27e: {  	[timem:s3], [sflag:s2] =	dma.local @!p0 [hbm:s0], s1  }
0x27f: {  	s0 =	simm.s32 @!p0 $0x5  }
0x280: {  	_ =	swait.ge @!p0 [sflag:s0], s1  }
0x281: {  	s1 =	ssub.s32 @!p0 $0x0, s1;
	[sflag:s0] =	ssyncset.done @!p0 $0x0  }
0x282: {  	[sflag:s0] =	ssyncadd.s32 @!p0 s1  }
0x283: {  	[bflag:$0x3] =	sbarrier.arrive $0xFFFF  }
0x284: {  	_ =	shalt  }

</sc_bundles>
